<compile_context>
chip_gen: v7x
topology: tpu7x:2x2x1
jax: 0.10.2.dev20260603
libtpu: 0.0.44.dev20260713+nightly
codegen_flags: <defaults>
</compile_context>

<pallas_src>
import jax
import jax.numpy as jnp
from jax import lax
from jax.experimental import pallas as pl
from jax.experimental.pallas import tpu as pltpu, tpu_sc as plsc

NC, NS, L = 2, 16, 16
NW = NC * NS

B = 16384
D = 128
BPW = B // NW
C = 16
NB = 8
NCHUNK = BPW // C
G = C // L


def _mf_body(users, items, ut, it, out, uidx, iidx, urows, irows, tpose,
             outbuf, sem_u, sem_i, sem_idx, sem_out):
    wid = lax.axis_index("s") * NC + lax.axis_index("c")
    base = wid * BPW
    cpu = pltpu.async_copy(users.at[pl.ds(base, BPW)], uidx, sem_idx.at[0])
    cpi = pltpu.async_copy(items.at[pl.ds(base, BPW)], iidx, sem_idx.at[1])
    cpu.wait()
    cpi.wait()
    lane = lax.iota(jnp.int32, 16)

    def start(c, b):
        pltpu.async_copy(ut.at[uidx.at[pl.ds(c * C, C)]], urows.at[b],
                         sem_u.at[b])
        pltpu.async_copy(it.at[iidx.at[pl.ds(c * C, C)]], irows.at[b],
                         sem_i.at[b])

    for p in range(NB):
        start(p, p)

    @pl.loop(0, NCHUNK)
    def _chunk(c):
        b = lax.rem(c, NB)
        pltpu.make_async_copy(ut.at[uidx.at[pl.ds(c * C, C)]], urows.at[b],
                              sem_u.at[b]).wait()
        pltpu.make_async_copy(it.at[iidx.at[pl.ds(c * C, C)]], irows.at[b],
                              sem_i.at[b]).wait()

        @pl.loop(0, G)
        def _grp(g):
            for rr in range(L):
                r = g * L + rr
                acc0 = urows[b, r, pl.ds(0, L)] * irows[b, r, pl.ds(0, L)]
                acc1 = urows[b, r, pl.ds(L, L)] * irows[b, r, pl.ds(L, L)]
                for k in range(2, D // L, 2):
                    acc0 = acc0 + (urows[b, r, pl.ds(k * L, L)]
                                   * irows[b, r, pl.ds(k * L, L)])
                    acc1 = acc1 + (urows[b, r, pl.ds((k + 1) * L, L)]
                                   * irows[b, r, pl.ds((k + 1) * L, L)])
                tpose[rr, :] = acc0 + acc1
            res0 = plsc.load_gather(tpose, [lane, lane])
            res1 = plsc.load_gather(tpose, [lane, (lane + 1) & (L - 1)])
            for k in range(2, L, 2):
                res0 = res0 + plsc.load_gather(tpose, [lane, (lane + k) & (L - 1)])
                res1 = res1 + plsc.load_gather(tpose, [lane, (lane + k + 1) & (L - 1)])
            outbuf[pl.ds(c * C + g * L, L)] = (res0 + res1) * (1.0 / D)

        pltpu.async_copy(outbuf.at[pl.ds(c * C, C)],
                         out.at[pl.ds(base + c * C, C)], sem_out)

        @pl.when(c + NB < NCHUNK)
        def _():
            start(c + NB, b)

    pltpu.make_async_copy(outbuf, out.at[pl.ds(base, BPW)], sem_out).wait()


@jax.jit
def kernel(users, items, user_table, item_table):
    mesh = plsc.VectorSubcoreMesh(core_axis_name="c", subcore_axis_name="s")
    f = pl.kernel(
        _mf_body,
        out_type=jax.ShapeDtypeStruct((B,), jnp.float32),
        mesh=mesh,
        compiler_params=pltpu.CompilerParams(needs_layout_passes=False),
        scratch_types=[
            pltpu.VMEM((BPW,), jnp.int32),
            pltpu.VMEM((BPW,), jnp.int32),
            pltpu.VMEM((NB, C, D), jnp.float32),
            pltpu.VMEM((NB, C, D), jnp.float32),
            pltpu.VMEM((L, L), jnp.float32),
            pltpu.VMEM((BPW,), jnp.float32),
            pltpu.SemaphoreType.DMA((NB,)),
            pltpu.SemaphoreType.DMA((NB,)),
            pltpu.SemaphoreType.DMA((2,)),
            pltpu.SemaphoreType.DMA,
        ],
    )
    return f(users.astype(jnp.int32), items.astype(jnp.int32),
             user_table, item_table)

# --- scband reference (transcript-rebuilt; emitter-appended) ---
"""Pipeline reference for scband-mf-31885837205875 (READ-ONLY COPY).

The authoritative reference and input builder live on the scoring server;
editing this copy changes nothing except your own understanding.
"""

import jax, jax.numpy as jnp
import numpy as np

NUM_USER = 1000000
NUM_ITEM = 100000
EMBED_DIM = 128
BATCH = 16384

def setup_inputs(seed: int = 0) -> dict:
    key = jax.random.key(seed)
    k1, k2, k3, k4 = jax.random.split(key, 4)
    users = jax.random.randint(k1, (BATCH,), 0, NUM_USER, dtype=jnp.int64 if jax.config.jax_enable_x64 else jnp.int32)
    items = jax.random.randint(k2, (BATCH,), 0, NUM_ITEM, dtype=jnp.int64 if jax.config.jax_enable_x64 else jnp.int32)
    # Keras Embedding default init: uniform(-0.05, 0.05)
    user_table = jax.random.uniform(k3, (NUM_USER, EMBED_DIM), dtype=jnp.float32, minval=-0.05, maxval=0.05)
    item_table = jax.random.uniform(k4, (NUM_ITEM, EMBED_DIM), dtype=jnp.float32, minval=-0.05, maxval=0.05)
    return {"users": users, "items": items, "user_table": user_table, "item_table": item_table}

def reference(users, items, user_table, item_table):
    user_embedding = jnp.take(user_table, users, axis=0)  # [B, D]
    item_embedding = jnp.take(item_table, items, axis=0)  # [B, D]
    sim = user_embedding * item_embedding
    sim = jnp.mean(sim, axis=-1)  # [B]
    return sim

if __name__ == "__main__":
    import jax
    _d = setup_inputs()
    print(jax.jit(kernel)(*tuple(_d.values())))

</pallas_src>

<mosaic_0001>
#map = affine_map<(d0, d1) -> (0)>
#map1 = affine_map<(d0, d1) -> (0, 0)>
module attributes {stable_mosaic.version = 14 : i64} {
  func.func @_mf_body(%arg0: i32, %arg1: i32, %arg2: memref<16384xi32, #tpu.memory_space<hbm>>, %arg3: memref<16384xi32, #tpu.memory_space<hbm>>, %arg4: memref<1000000x128xf32, #tpu.memory_space<hbm>>, %arg5: memref<100000x128xf32, #tpu.memory_space<hbm>>, %arg6: memref<16384xf32, #tpu.memory_space<hbm>>, %arg7: memref<512xi32, #tpu.memory_space<vmem>>, %arg8: memref<512xi32, #tpu.memory_space<vmem>>, %arg9: memref<8x16x128xf32, #tpu.memory_space<vmem>>, %arg10: memref<8x16x128xf32, #tpu.memory_space<vmem>>, %arg11: memref<16x16xf32, #tpu.memory_space<vmem>>, %arg12: memref<512xf32, #tpu.memory_space<vmem>>, %arg13: memref<8x!tpu.dma_semaphore, #tpu.memory_space<semaphore_mem>>, %arg14: memref<8x!tpu.dma_semaphore, #tpu.memory_space<semaphore_mem>>, %arg15: memref<2x!tpu.dma_semaphore, #tpu.memory_space<semaphore_mem>>, %arg16: memref<!tpu.dma_semaphore, #tpu.memory_space<semaphore_mem>>) attributes {dimension_semantics = [#tpu.dimension_semantics<core_parallel>, #tpu.dimension_semantics<subcore_parallel>], iteration_bounds = array<i64: 2, 16>, scalar_prefetch = 0 : i64, scratch_operands = 10 : i64, tpu.core_type = #tpu.core_type<sc_vector_subcore>, window_params = [{transform_indices = #map}, {transform_indices = #map}, {transform_indices = #map1}, {transform_indices = #map1}, {transform_indices = #map}]} {
    %mul3A = arith.constant 2 : i32
    %mul3A_0 = arith.muli %arg1, %mul3A : i32
    %add3A = arith.addi %mul3A_0, %arg0 : i32
    %mul3A_1 = arith.constant 512 : i32
    %mul3A_2 = arith.muli %add3A, %mul3A_1 : i32
    %dma_start3A = arith.constant 0 : i32
    %dma_start3A_3 = tpu.memref_slice %arg2[%mul3A_2] : memref<16384xi32, #tpu.memory_space<hbm>> -> memref<512xi32, #tpu.memory_space<hbm>>
    %dma_start3A_4 = tpu.memref_slice %arg15[%dma_start3A] : memref<2x!tpu.dma_semaphore, #tpu.memory_space<semaphore_mem>> -> memref<1x!tpu.dma_semaphore, #tpu.memory_space<semaphore_mem>>
    %dma_start3A_5 = tpu.memref_squeeze %dma_start3A_4 : memref<1x!tpu.dma_semaphore, #tpu.memory_space<semaphore_mem>> -> memref<!tpu.dma_semaphore, #tpu.memory_space<semaphore_mem>>
    %dma_start3A_6 = tpu.memref_slice %arg2[%mul3A_2] : memref<16384xi32, #tpu.memory_space<hbm>> -> memref<512xi32, #tpu.memory_space<hbm>>
    tpu.enqueue_dma source(%dma_start3A_6 : memref<512xi32, #tpu.memory_space<hbm>>) target(%arg7 : memref<512xi32, #tpu.memory_space<vmem>>) target_semaphore(%dma_start3A_5 : memref<!tpu.dma_semaphore, #tpu.memory_space<semaphore_mem>>)
    %dma_start3A_7 = arith.constant 1 : i32
    %dma_start3A_8 = tpu.memref_slice %arg3[%mul3A_2] : memref<16384xi32, #tpu.memory_space<hbm>> -> memref<512xi32, #tpu.memory_space<hbm>>
    %dma_start3A_9 = tpu.memref_slice %arg15[%dma_start3A_7] : memref<2x!tpu.dma_semaphore, #tpu.memory_space<semaphore_mem>> -> memref<1x!tpu.dma_semaphore, #tpu.memory_space<semaphore_mem>>
    %dma_start3A_10 = tpu.memref_squeeze %dma_start3A_9 : memref<1x!tpu.dma_semaphore, #tpu.memory_space<semaphore_mem>> -> memref<!tpu.dma_semaphore, #tpu.memory_space<semaphore_mem>>
    %dma_start3A_11 = tpu.memref_slice %arg3[%mul3A_2] : memref<16384xi32, #tpu.memory_space<hbm>> -> memref<512xi32, #tpu.memory_space<hbm>>
    tpu.enqueue_dma source(%dma_start3A_11 : memref<512xi32, #tpu.memory_space<hbm>>) target(%arg8 : memref<512xi32, #tpu.memory_space<vmem>>) target_semaphore(%dma_start3A_10 : memref<!tpu.dma_semaphore, #tpu.memory_space<semaphore_mem>>)
    %dma_wait3A = arith.constant 0 : i32
    %dma_wait3A_12 = tpu.memref_slice %arg2[%mul3A_2] : memref<16384xi32, #tpu.memory_space<hbm>> -> memref<512xi32, #tpu.memory_space<hbm>>
    %dma_wait3A_13 = tpu.memref_slice %arg15[%dma_wait3A] : memref<2x!tpu.dma_semaphore, #tpu.memory_space<semaphore_mem>> -> memref<1x!tpu.dma_semaphore, #tpu.memory_space<semaphore_mem>>
    %dma_wait3A_14 = tpu.memref_squeeze %dma_wait3A_13 : memref<1x!tpu.dma_semaphore, #tpu.memory_space<semaphore_mem>> -> memref<!tpu.dma_semaphore, #tpu.memory_space<semaphore_mem>>
    %dma_wait3A_15 = tpu.memref_slice %arg2[%mul3A_2] : memref<16384xi32, #tpu.memory_space<hbm>> -> memref<512xi32, #tpu.memory_space<hbm>>
    tpu.wait_dma2 semaphore(%dma_wait3A_14 : memref<!tpu.dma_semaphore, #tpu.memory_space<semaphore_mem>>) src(%dma_wait3A_15 : memref<512xi32, #tpu.memory_space<hbm>>) dst(%arg7 : memref<512xi32, #tpu.memory_space<vmem>>)
    %dma_wait3A_16 = arith.constant 1 : i32
    %dma_wait3A_17 = tpu.memref_slice %arg3[%mul3A_2] : memref<16384xi32, #tpu.memory_space<hbm>> -> memref<512xi32, #tpu.memory_space<hbm>>
    %dma_wait3A_18 = tpu.memref_slice %arg15[%dma_wait3A_16] : memref<2x!tpu.dma_semaphore, #tpu.memory_space<semaphore_mem>> -> memref<1x!tpu.dma_semaphore, #tpu.memory_space<semaphore_mem>>
    %dma_wait3A_19 = tpu.memref_squeeze %dma_wait3A_18 : memref<1x!tpu.dma_semaphore, #tpu.memory_space<semaphore_mem>> -> memref<!tpu.dma_semaphore, #tpu.memory_space<semaphore_mem>>
    %dma_wait3A_20 = tpu.memref_slice %arg3[%mul3A_2] : memref<16384xi32, #tpu.memory_space<hbm>> -> memref<512xi32, #tpu.memory_space<hbm>>
    tpu.wait_dma2 semaphore(%dma_wait3A_19 : memref<!tpu.dma_semaphore, #tpu.memory_space<semaphore_mem>>) src(%dma_wait3A_20 : memref<512xi32, #tpu.memory_space<hbm>>) dst(%arg8 : memref<512xi32, #tpu.memory_space<vmem>>)
    %iota3A = tpu.iota {dimensions = array<i32: 0>} : vector<16xi32>
    %dma_start3A_21 = arith.constant 0 : i32
    %dma_start3A_22 = arith.constant 0 : i32
    %dma_start3A_23 = arith.constant 0 : i32
    %dma_start3A_24 = arith.constant 0 : i32
    %dma_start3A_25 = tpu.memref_slice %arg9[%dma_start3A_21, %dma_start3A_23, %dma_start3A_24] : memref<8x16x128xf32, #tpu.memory_space<vmem>> -> memref<1x16x128xf32, #tpu.memory_space<vmem>>
    %dma_start3A_26 = tpu.memref_squeeze %dma_start3A_25 : memref<1x16x128xf32, #tpu.memory_space<vmem>> -> memref<16x128xf32, #tpu.memory_space<vmem>>
    %dma_start3A_27 = arith.constant 0 : i32
    %dma_start3A_28 = tpu.memref_slice %arg7[%dma_start3A_27] : memref<512xi32, #tpu.memory_space<vmem>> -> memref<16xi32, #tpu.memory_space<vmem>>
    %dma_start3A_29 = arith.constant 0 : i32
    %dma_start3A_30 = arith.constant 0 : i32
    %dma_start3A_31 = tpu.memref_slice %arg4[%dma_start3A_29, %dma_start3A_30] : memref<1000000x128xf32, #tpu.memory_space<hbm>> -> memref<1000000x128xf32, #tpu.memory_space<hbm>>
    %dma_start3A_32 = tpu.memref_slice %arg13[%dma_start3A_22] : memref<8x!tpu.dma_semaphore, #tpu.memory_space<semaphore_mem>> -> memref<1x!tpu.dma_semaphore, #tpu.memory_space<semaphore_mem>>
    %dma_start3A_33 = tpu.memref_squeeze %dma_start3A_32 : memref<1x!tpu.dma_semaphore, #tpu.memory_space<semaphore_mem>> -> memref<!tpu.dma_semaphore, #tpu.memory_space<semaphore_mem>>
    tpu.enqueue_indirect_dma source(%dma_start3A_31 : memref<1000000x128xf32, #tpu.memory_space<hbm>>) target(%dma_start3A_26 : memref<16x128xf32, #tpu.memory_space<vmem>>) offsets(%dma_start3A_28 : memref<16xi32, #tpu.memory_space<vmem>>) semaphore(%dma_start3A_33 : memref<!tpu.dma_semaphore, #tpu.memory_space<semaphore_mem>>)
    %dma_start3A_34 = arith.constant 0 : i32
    %dma_start3A_35 = arith.constant 0 : i32
    %dma_start3A_36 = arith.constant 0 : i32
    %dma_start3A_37 = arith.constant 0 : i32
    %dma_start3A_38 = tpu.memref_slice %arg10[%dma_start3A_34, %dma_start3A_36, %dma_start3A_37] : memref<8x16x128xf32, #tpu.memory_space<vmem>> -> memref<1x16x128xf32, #tpu.memory_space<vmem>>
    %dma_start3A_39 = tpu.memref_squeeze %dma_start3A_38 : memref<1x16x128xf32, #tpu.memory_space<vmem>> -> memref<16x128xf32, #tpu.memory_space<vmem>>
    %dma_start3A_40 = arith.constant 0 : i32
    %dma_start3A_41 = tpu.memref_slice %arg8[%dma_start3A_40] : memref<512xi32, #tpu.memory_space<vmem>> -> memref<16xi32, #tpu.memory_space<vmem>>
    %dma_start3A_42 = arith.constant 0 : i32
    %dma_start3A_43 = arith.constant 0 : i32
    %dma_start3A_44 = tpu.memref_slice %arg5[%dma_start3A_42, %dma_start3A_43] : memref<100000x128xf32, #tpu.memory_space<hbm>> -> memref<100000x128xf32, #tpu.memory_space<hbm>>
    %dma_start3A_45 = tpu.memref_slice %arg14[%dma_start3A_35] : memref<8x!tpu.dma_semaphore, #tpu.memory_space<semaphore_mem>> -> memref<1x!tpu.dma_semaphore, #tpu.memory_space<semaphore_mem>>
    %dma_start3A_46 = tpu.memref_squeeze %dma_start3A_45 : memref<1x!tpu.dma_semaphore, #tpu.memory_space<semaphore_mem>> -> memref<!tpu.dma_semaphore, #tpu.memory_space<semaphore_mem>>
    tpu.enqueue_indirect_dma source(%dma_start3A_44 : memref<100000x128xf32, #tpu.memory_space<hbm>>) target(%dma_start3A_39 : memref<16x128xf32, #tpu.memory_space<vmem>>) offsets(%dma_start3A_41 : memref<16xi32, #tpu.memory_space<vmem>>) semaphore(%dma_start3A_46 : memref<!tpu.dma_semaphore, #tpu.memory_space<semaphore_mem>>)
    %dma_start3A_47 = arith.constant 1 : i32
    %dma_start3A_48 = arith.constant 1 : i32
    %dma_start3A_49 = arith.constant 0 : i32
    %dma_start3A_50 = arith.constant 0 : i32
    %dma_start3A_51 = tpu.memref_slice %arg9[%dma_start3A_47, %dma_start3A_49, %dma_start3A_50] : memref<8x16x128xf32, #tpu.memory_space<vmem>> -> memref<1x16x128xf32, #tpu.memory_space<vmem>>
    %dma_start3A_52 = tpu.memref_squeeze %dma_start3A_51 : memref<1x16x128xf32, #tpu.memory_space<vmem>> -> memref<16x128xf32, #tpu.memory_space<vmem>>
    %dma_start3A_53 = arith.constant 16 : i32
    %dma_start3A_54 = tpu.memref_slice %arg7[%dma_start3A_53] : memref<512xi32, #tpu.memory_space<vmem>> -> memref<16xi32, #tpu.memory_space<vmem>>
    %dma_start3A_55 = arith.constant 0 : i32
    %dma_start3A_56 = arith.constant 0 : i32
    %dma_start3A_57 = tpu.memref_slice %arg4[%dma_start3A_55, %dma_start3A_56] : memref<1000000x128xf32, #tpu.memory_space<hbm>> -> memref<1000000x128xf32, #tpu.memory_space<hbm>>
    %dma_start3A_58 = tpu.memref_slice %arg13[%dma_start3A_48] : memref<8x!tpu.dma_semaphore, #tpu.memory_space<semaphore_mem>> -> memref<1x!tpu.dma_semaphore, #tpu.memory_space<semaphore_mem>>
    %dma_start3A_59 = tpu.memref_squeeze %dma_start3A_58 : memref<1x!tpu.dma_semaphore, #tpu.memory_space<semaphore_mem>> -> memref<!tpu.dma_semaphore, #tpu.memory_space<semaphore_mem>>
    tpu.enqueue_indirect_dma source(%dma_start3A_57 : memref<1000000x128xf32, #tpu.memory_space<hbm>>) target(%dma_start3A_52 : memref<16x128xf32, #tpu.memory_space<vmem>>) offsets(%dma_start3A_54 : memref<16xi32, #tpu.memory_space<vmem>>) semaphore(%dma_start3A_59 : memref<!tpu.dma_semaphore, #tpu.memory_space<semaphore_mem>>)
    %dma_start3A_60 = arith.constant 1 : i32
    %dma_start3A_61 = arith.constant 1 : i32
    %dma_start3A_62 = arith.constant 0 : i32
    %dma_start3A_63 = arith.constant 0 : i32
    %dma_start3A_64 = tpu.memref_slice %arg10[%dma_start3A_60, %dma_start3A_62, %dma_start3A_63] : memref<8x16x128xf32, #tpu.memory_space<vmem>> -> memref<1x16x128xf32, #tpu.memory_space<vmem>>
    %dma_start3A_65 = tpu.memref_squeeze %dma_start3A_64 : memref<1x16x128xf32, #tpu.memory_space<vmem>> -> memref<16x128xf32, #tpu.memory_space<vmem>>
    %dma_start3A_66 = arith.constant 16 : i32
    %dma_start3A_67 = tpu.memref_slice %arg8[%dma_start3A_66] : memref<512xi32, #tpu.memory_space<vmem>> -> memref<16xi32, #tpu.memory_space<vmem>>
    %dma_start3A_68 = arith.constant 0 : i32
    %dma_start3A_69 = arith.constant 0 : i32
    %dma_start3A_70 = tpu.memref_slice %arg5[%dma_start3A_68, %dma_start3A_69] : memref<100000x128xf32, #tpu.memory_space<hbm>> -> memref<100000x128xf32, #tpu.memory_space<hbm>>
    %dma_start3A_71 = tpu.memref_slice %arg14[%dma_start3A_61] : memref<8x!tpu.dma_semaphore, #tpu.memory_space<semaphore_mem>> -> memref<1x!tpu.dma_semaphore, #tpu.memory_space<semaphore_mem>>
    %dma_start3A_72 = tpu.memref_squeeze %dma_start3A_71 : memref<1x!tpu.dma_semaphore, #tpu.memory_space<semaphore_mem>> -> memref<!tpu.dma_semaphore, #tpu.memory_space<semaphore_mem>>
    tpu.enqueue_indirect_dma source(%dma_start3A_70 : memref<100000x128xf32, #tpu.memory_space<hbm>>) target(%dma_start3A_65 : memref<16x128xf32, #tpu.memory_space<vmem>>) offsets(%dma_start3A_67 : memref<16xi32, #tpu.memory_space<vmem>>) semaphore(%dma_start3A_72 : memref<!tpu.dma_semaphore, #tpu.memory_space<semaphore_mem>>)
    %dma_start3A_73 = arith.constant 2 : i32
    %dma_start3A_74 = arith.constant 2 : i32
    %dma_start3A_75 = arith.constant 0 : i32
    %dma_start3A_76 = arith.constant 0 : i32
    %dma_start3A_77 = tpu.memref_slice %arg9[%dma_start3A_73, %dma_start3A_75, %dma_start3A_76] : memref<8x16x128xf32, #tpu.memory_space<vmem>> -> memref<1x16x128xf32, #tpu.memory_space<vmem>>
    %dma_start3A_78 = tpu.memref_squeeze %dma_start3A_77 : memref<1x16x128xf32, #tpu.memory_space<vmem>> -> memref<16x128xf32, #tpu.memory_space<vmem>>
    %dma_start3A_79 = arith.constant 32 : i32
    %dma_start3A_80 = tpu.memref_slice %arg7[%dma_start3A_79] : memref<512xi32, #tpu.memory_space<vmem>> -> memref<16xi32, #tpu.memory_space<vmem>>
    %dma_start3A_81 = arith.constant 0 : i32
    %dma_start3A_82 = arith.constant 0 : i32
    %dma_start3A_83 = tpu.memref_slice %arg4[%dma_start3A_81, %dma_start3A_82] : memref<1000000x128xf32, #tpu.memory_space<hbm>> -> memref<1000000x128xf32, #tpu.memory_space<hbm>>
    %dma_start3A_84 = tpu.memref_slice %arg13[%dma_start3A_74] : memref<8x!tpu.dma_semaphore, #tpu.memory_space<semaphore_mem>> -> memref<1x!tpu.dma_semaphore, #tpu.memory_space<semaphore_mem>>
    %dma_start3A_85 = tpu.memref_squeeze %dma_start3A_84 : memref<1x!tpu.dma_semaphore, #tpu.memory_space<semaphore_mem>> -> memref<!tpu.dma_semaphore, #tpu.memory_space<semaphore_mem>>
    tpu.enqueue_indirect_dma source(%dma_start3A_83 : memref<1000000x128xf32, #tpu.memory_space<hbm>>) target(%dma_start3A_78 : memref<16x128xf32, #tpu.memory_space<vmem>>) offsets(%dma_start3A_80 : memref<16xi32, #tpu.memory_space<vmem>>) semaphore(%dma_start3A_85 : memref<!tpu.dma_semaphore, #tpu.memory_space<semaphore_mem>>)
    %dma_start3A_86 = arith.constant 2 : i32
    %dma_start3A_87 = arith.constant 2 : i32
    %dma_start3A_88 = arith.constant 0 : i32
    %dma_start3A_89 = arith.constant 0 : i32
    %dma_start3A_90 = tpu.memref_slice %arg10[%dma_start3A_86, %dma_start3A_88, %dma_start3A_89] : memref<8x16x128xf32, #tpu.memory_space<vmem>> -> memref<1x16x128xf32, #tpu.memory_space<vmem>>
    %dma_start3A_91 = tpu.memref_squeeze %dma_start3A_90 : memref<1x16x128xf32, #tpu.memory_space<vmem>> -> memref<16x128xf32, #tpu.memory_space<vmem>>
    %dma_start3A_92 = arith.constant 32 : i32
    %dma_start3A_93 = tpu.memref_slice %arg8[%dma_start3A_92] : memref<512xi32, #tpu.memory_space<vmem>> -> memref<16xi32, #tpu.memory_space<vmem>>
    %dma_start3A_94 = arith.constant 0 : i32
    %dma_start3A_95 = arith.constant 0 : i32
    %dma_start3A_96 = tpu.memref_slice %arg5[%dma_start3A_94, %dma_start3A_95] : memref<100000x128xf32, #tpu.memory_space<hbm>> -> memref<100000x128xf32, #tpu.memory_space<hbm>>
    %dma_start3A_97 = tpu.memref_slice %arg14[%dma_start3A_87] : memref<8x!tpu.dma_semaphore, #tpu.memory_space<semaphore_mem>> -> memref<1x!tpu.dma_semaphore, #tpu.memory_space<semaphore_mem>>
    %dma_start3A_98 = tpu.memref_squeeze %dma_start3A_97 : memref<1x!tpu.dma_semaphore, #tpu.memory_space<semaphore_mem>> -> memref<!tpu.dma_semaphore, #tpu.memory_space<semaphore_mem>>
    tpu.enqueue_indirect_dma source(%dma_start3A_96 : memref<100000x128xf32, #tpu.memory_space<hbm>>) target(%dma_start3A_91 : memref<16x128xf32, #tpu.memory_space<vmem>>) offsets(%dma_start3A_93 : memref<16xi32, #tpu.memory_space<vmem>>) semaphore(%dma_start3A_98 : memref<!tpu.dma_semaphore, #tpu.memory_space<semaphore_mem>>)
    %dma_start3A_99 = arith.constant 3 : i32
    %dma_start3A_100 = arith.constant 3 : i32
    %dma_start3A_101 = arith.constant 0 : i32
    %dma_start3A_102 = arith.constant 0 : i32
    %dma_start3A_103 = tpu.memref_slice %arg9[%dma_start3A_99, %dma_start3A_101, %dma_start3A_102] : memref<8x16x128xf32, #tpu.memory_space<vmem>> -> memref<1x16x128xf32, #tpu.memory_space<vmem>>
    %dma_start3A_104 = tpu.memref_squeeze %dma_start3A_103 : memref<1x16x128xf32, #tpu.memory_space<vmem>> -> memref<16x128xf32, #tpu.memory_space<vmem>>
    %dma_start3A_105 = arith.constant 48 : i32
    %dma_start3A_106 = tpu.memref_slice %arg7[%dma_start3A_105] : memref<512xi32, #tpu.memory_space<vmem>> -> memref<16xi32, #tpu.memory_space<vmem>>
    %dma_start3A_107 = arith.constant 0 : i32
    %dma_start3A_108 = arith.constant 0 : i32
    %dma_start3A_109 = tpu.memref_slice %arg4[%dma_start3A_107, %dma_start3A_108] : memref<1000000x128xf32, #tpu.memory_space<hbm>> -> memref<1000000x128xf32, #tpu.memory_space<hbm>>
    %dma_start3A_110 = tpu.memref_slice %arg13[%dma_start3A_100] : memref<8x!tpu.dma_semaphore, #tpu.memory_space<semaphore_mem>> -> memref<1x!tpu.dma_semaphore, #tpu.memory_space<semaphore_mem>>
    %dma_start3A_111 = tpu.memref_squeeze %dma_start3A_110 : memref<1x!tpu.dma_semaphore, #tpu.memory_space<semaphore_mem>> -> memref<!tpu.dma_semaphore, #tpu.memory_space<semaphore_mem>>
    tpu.enqueue_indirect_dma source(%dma_start3A_109 : memref<1000000x128xf32, #tpu.memory_space<hbm>>) target(%dma_start3A_104 : memref<16x128xf32, #tpu.memory_space<vmem>>) offsets(%dma_start3A_106 : memref<16xi32, #tpu.memory_space<vmem>>) semaphore(%dma_start3A_111 : memref<!tpu.dma_semaphore, #tpu.memory_space<semaphore_mem>>)
    %dma_start3A_112 = arith.constant 3 : i32
    %dma_start3A_113 = arith.constant 3 : i32
    %dma_start3A_114 = arith.constant 0 : i32
    %dma_start3A_115 = arith.constant 0 : i32
    %dma_start3A_116 = tpu.memref_slice %arg10[%dma_start3A_112, %dma_start3A_114, %dma_start3A_115] : memref<8x16x128xf32, #tpu.memory_space<vmem>> -> memref<1x16x128xf32, #tpu.memory_space<vmem>>
    %dma_start3A_117 = tpu.memref_squeeze %dma_start3A_116 : memref<1x16x128xf32, #tpu.memory_space<vmem>> -> memref<16x128xf32, #tpu.memory_space<vmem>>
    %dma_start3A_118 = arith.constant 48 : i32
    %dma_start3A_119 = tpu.memref_slice %arg8[%dma_start3A_118] : memref<512xi32, #tpu.memory_space<vmem>> -> memref<16xi32, #tpu.memory_space<vmem>>
    %dma_start3A_120 = arith.constant 0 : i32
    %dma_start3A_121 = arith.constant 0 : i32
    %dma_start3A_122 = tpu.memref_slice %arg5[%dma_start3A_120, %dma_start3A_121] : memref<100000x128xf32, #tpu.memory_space<hbm>> -> memref<100000x128xf32, #tpu.memory_space<hbm>>
    %dma_start3A_123 = tpu.memref_slice %arg14[%dma_start3A_113] : memref<8x!tpu.dma_semaphore, #tpu.memory_space<semaphore_mem>> -> memref<1x!tpu.dma_semaphore, #tpu.memory_space<semaphore_mem>>
    %dma_start3A_124 = tpu.memref_squeeze %dma_start3A_123 : memref<1x!tpu.dma_semaphore, #tpu.memory_space<semaphore_mem>> -> memref<!tpu.dma_semaphore, #tpu.memory_space<semaphore_mem>>
    tpu.enqueue_indirect_dma source(%dma_start3A_122 : memref<100000x128xf32, #tpu.memory_space<hbm>>) target(%dma_start3A_117 : memref<16x128xf32, #tpu.memory_space<vmem>>) offsets(%dma_start3A_119 : memref<16xi32, #tpu.memory_space<vmem>>) semaphore(%dma_start3A_124 : memref<!tpu.dma_semaphore, #tpu.memory_space<semaphore_mem>>)
    %dma_start3A_125 = arith.constant 4 : i32
    %dma_start3A_126 = arith.constant 4 : i32
    %dma_start3A_127 = arith.constant 0 : i32
    %dma_start3A_128 = arith.constant 0 : i32
    %dma_start3A_129 = tpu.memref_slice %arg9[%dma_start3A_125, %dma_start3A_127, %dma_start3A_128] : memref<8x16x128xf32, #tpu.memory_space<vmem>> -> memref<1x16x128xf32, #tpu.memory_space<vmem>>
    %dma_start3A_130 = tpu.memref_squeeze %dma_start3A_129 : memref<1x16x128xf32, #tpu.memory_space<vmem>> -> memref<16x128xf32, #tpu.memory_space<vmem>>
    %dma_start3A_131 = arith.constant 64 : i32
    %dma_start3A_132 = tpu.memref_slice %arg7[%dma_start3A_131] : memref<512xi32, #tpu.memory_space<vmem>> -> memref<16xi32, #tpu.memory_space<vmem>>
    %dma_start3A_133 = arith.constant 0 : i32
    %dma_start3A_134 = arith.constant 0 : i32
    %dma_start3A_135 = tpu.memref_slice %arg4[%dma_start3A_133, %dma_start3A_134] : memref<1000000x128xf32, #tpu.memory_space<hbm>> -> memref<1000000x128xf32, #tpu.memory_space<hbm>>
    %dma_start3A_136 = tpu.memref_slice %arg13[%dma_start3A_126] : memref<8x!tpu.dma_semaphore, #tpu.memory_space<semaphore_mem>> -> memref<1x!tpu.dma_semaphore, #tpu.memory_space<semaphore_mem>>
    %dma_start3A_137 = tpu.memref_squeeze %dma_start3A_136 : memref<1x!tpu.dma_semaphore, #tpu.memory_space<semaphore_mem>> -> memref<!tpu.dma_semaphore, #tpu.memory_space<semaphore_mem>>
    tpu.enqueue_indirect_dma source(%dma_start3A_135 : memref<1000000x128xf32, #tpu.memory_space<hbm>>) target(%dma_start3A_130 : memref<16x128xf32, #tpu.memory_space<vmem>>) offsets(%dma_start3A_132 : memref<16xi32, #tpu.memory_space<vmem>>) semaphore(%dma_start3A_137 : memref<!tpu.dma_semaphore, #tpu.memory_space<semaphore_mem>>)
    %dma_start3A_138 = arith.constant 4 : i32
    %dma_start3A_139 = arith.constant 4 : i32
    %dma_start3A_140 = arith.constant 0 : i32
    %dma_start3A_141 = arith.constant 0 : i32
    %dma_start3A_142 = tpu.memref_slice %arg10[%dma_start3A_138, %dma_start3A_140, %dma_start3A_141] : memref<8x16x128xf32, #tpu.memory_space<vmem>> -> memref<1x16x128xf32, #tpu.memory_space<vmem>>
    %dma_start3A_143 = tpu.memref_squeeze %dma_start3A_142 : memref<1x16x128xf32, #tpu.memory_space<vmem>> -> memref<16x128xf32, #tpu.memory_space<vmem>>
    %dma_start3A_144 = arith.constant 64 : i32
    %dma_start3A_145 = tpu.memref_slice %arg8[%dma_start3A_144] : memref<512xi32, #tpu.memory_space<vmem>> -> memref<16xi32, #tpu.memory_space<vmem>>
    %dma_start3A_146 = arith.constant 0 : i32
    %dma_start3A_147 = arith.constant 0 : i32
    %dma_start3A_148 = tpu.memref_slice %arg5[%dma_start3A_146, %dma_start3A_147] : memref<100000x128xf32, #tpu.memory_space<hbm>> -> memref<100000x128xf32, #tpu.memory_space<hbm>>
    %dma_start3A_149 = tpu.memref_slice %arg14[%dma_start3A_139] : memref<8x!tpu.dma_semaphore, #tpu.memory_space<semaphore_mem>> -> memref<1x!tpu.dma_semaphore, #tpu.memory_space<semaphore_mem>>
    %dma_start3A_150 = tpu.memref_squeeze %dma_start3A_149 : memref<1x!tpu.dma_semaphore, #tpu.memory_space<semaphore_mem>> -> memref<!tpu.dma_semaphore, #tpu.memory_space<semaphore_mem>>
    tpu.enqueue_indirect_dma source(%dma_start3A_148 : memref<100000x128xf32, #tpu.memory_space<hbm>>) target(%dma_start3A_143 : memref<16x128xf32, #tpu.memory_space<vmem>>) offsets(%dma_start3A_145 : memref<16xi32, #tpu.memory_space<vmem>>) semaphore(%dma_start3A_150 : memref<!tpu.dma_semaphore, #tpu.memory_space<semaphore_mem>>)
    %dma_start3A_151 = arith.constant 5 : i32
    %dma_start3A_152 = arith.constant 5 : i32
    %dma_start3A_153 = arith.constant 0 : i32
    %dma_start3A_154 = arith.constant 0 : i32
    %dma_start3A_155 = tpu.memref_slice %arg9[%dma_start3A_151, %dma_start3A_153, %dma_start3A_154] : memref<8x16x128xf32, #tpu.memory_space<vmem>> -> memref<1x16x128xf32, #tpu.memory_space<vmem>>
    %dma_start3A_156 = tpu.memref_squeeze %dma_start3A_155 : memref<1x16x128xf32, #tpu.memory_space<vmem>> -> memref<16x128xf32, #tpu.memory_space<vmem>>
    %dma_start3A_157 = arith.constant 80 : i32
    %dma_start3A_158 = tpu.memref_slice %arg7[%dma_start3A_157] : memref<512xi32, #tpu.memory_space<vmem>> -> memref<16xi32, #tpu.memory_space<vmem>>
    %dma_start3A_159 = arith.constant 0 : i32
    %dma_start3A_160 = arith.constant 0 : i32
    %dma_start3A_161 = tpu.memref_slice %arg4[%dma_start3A_159, %dma_start3A_160] : memref<1000000x128xf32, #tpu.memory_space<hbm>> -> memref<1000000x128xf32, #tpu.memory_space<hbm>>
    %dma_start3A_162 = tpu.memref_slice %arg13[%dma_start3A_152] : memref<8x!tpu.dma_semaphore, #tpu.memory_space<semaphore_mem>> -> memref<1x!tpu.dma_semaphore, #tpu.memory_space<semaphore_mem>>
    %dma_start3A_163 = tpu.memref_squeeze %dma_start3A_162 : memref<1x!tpu.dma_semaphore, #tpu.memory_space<semaphore_mem>> -> memref<!tpu.dma_semaphore, #tpu.memory_space<semaphore_mem>>
    tpu.enqueue_indirect_dma source(%dma_start3A_161 : memref<1000000x128xf32, #tpu.memory_space<hbm>>) target(%dma_start3A_156 : memref<16x128xf32, #tpu.memory_space<vmem>>) offsets(%dma_start3A_158 : memref<16xi32, #tpu.memory_space<vmem>>) semaphore(%dma_start3A_163 : memref<!tpu.dma_semaphore, #tpu.memory_space<semaphore_mem>>)
    %dma_start3A_164 = arith.constant 5 : i32
    %dma_start3A_165 = arith.constant 5 : i32
    %dma_start3A_166 = arith.constant 0 : i32
    %dma_start3A_167 = arith.constant 0 : i32
    %dma_start3A_168 = tpu.memref_slice %arg10[%dma_start3A_164, %dma_start3A_166, %dma_start3A_167] : memref<8x16x128xf32, #tpu.memory_space<vmem>> -> memref<1x16x128xf32, #tpu.memory_space<vmem>>
    %dma_start3A_169 = tpu.memref_squeeze %dma_start3A_168 : memref<1x16x128xf32, #tpu.memory_space<vmem>> -> memref<16x128xf32, #tpu.memory_space<vmem>>
    %dma_start3A_170 = arith.constant 80 : i32
    %dma_start3A_171 = tpu.memref_slice %arg8[%dma_start3A_170] : memref<512xi32, #tpu.memory_space<vmem>> -> memref<16xi32, #tpu.memory_space<vmem>>
    %dma_start3A_172 = arith.constant 0 : i32
    %dma_start3A_173 = arith.constant 0 : i32
    %dma_start3A_174 = tpu.memref_slice %arg5[%dma_start3A_172, %dma_start3A_173] : memref<100000x128xf32, #tpu.memory_space<hbm>> -> memref<100000x128xf32, #tpu.memory_space<hbm>>
    %dma_start3A_175 = tpu.memref_slice %arg14[%dma_start3A_165] : memref<8x!tpu.dma_semaphore, #tpu.memory_space<semaphore_mem>> -> memref<1x!tpu.dma_semaphore, #tpu.memory_space<semaphore_mem>>
    %dma_start3A_176 = tpu.memref_squeeze %dma_start3A_175 : memref<1x!tpu.dma_semaphore, #tpu.memory_space<semaphore_mem>> -> memref<!tpu.dma_semaphore, #tpu.memory_space<semaphore_mem>>
    tpu.enqueue_indirect_dma source(%dma_start3A_174 : memref<100000x128xf32, #tpu.memory_space<hbm>>) target(%dma_start3A_169 : memref<16x128xf32, #tpu.memory_space<vmem>>) offsets(%dma_start3A_171 : memref<16xi32, #tpu.memory_space<vmem>>) semaphore(%dma_start3A_176 : memref<!tpu.dma_semaphore, #tpu.memory_space<semaphore_mem>>)
    %dma_start3A_177 = arith.constant 6 : i32
    %dma_start3A_178 = arith.constant 6 : i32
    %dma_start3A_179 = arith.constant 0 : i32
    %dma_start3A_180 = arith.constant 0 : i32
    %dma_start3A_181 = tpu.memref_slice %arg9[%dma_start3A_177, %dma_start3A_179, %dma_start3A_180] : memref<8x16x128xf32, #tpu.memory_space<vmem>> -> memref<1x16x128xf32, #tpu.memory_space<vmem>>
    %dma_start3A_182 = tpu.memref_squeeze %dma_start3A_181 : memref<1x16x128xf32, #tpu.memory_space<vmem>> -> memref<16x128xf32, #tpu.memory_space<vmem>>
    %dma_start3A_183 = arith.constant 96 : i32
    %dma_start3A_184 = tpu.memref_slice %arg7[%dma_start3A_183] : memref<512xi32, #tpu.memory_space<vmem>> -> memref<16xi32, #tpu.memory_space<vmem>>
    %dma_start3A_185 = arith.constant 0 : i32
    %dma_start3A_186 = arith.constant 0 : i32
    %dma_start3A_187 = tpu.memref_slice %arg4[%dma_start3A_185, %dma_start3A_186] : memref<1000000x128xf32, #tpu.memory_space<hbm>> -> memref<1000000x128xf32, #tpu.memory_space<hbm>>
    %dma_start3A_188 = tpu.memref_slice %arg13[%dma_start3A_178] : memref<8x!tpu.dma_semaphore, #tpu.memory_space<semaphore_mem>> -> memref<1x!tpu.dma_semaphore, #tpu.memory_space<semaphore_mem>>
    %dma_start3A_189 = tpu.memref_squeeze %dma_start3A_188 : memref<1x!tpu.dma_semaphore, #tpu.memory_space<semaphore_mem>> -> memref<!tpu.dma_semaphore, #tpu.memory_space<semaphore_mem>>
    tpu.enqueue_indirect_dma source(%dma_start3A_187 : memref<1000000x128xf32, #tpu.memory_space<hbm>>) target(%dma_start3A_182 : memref<16x128xf32, #tpu.memory_space<vmem>>) offsets(%dma_start3A_184 : memref<16xi32, #tpu.memory_space<vmem>>) semaphore(%dma_start3A_189 : memref<!tpu.dma_semaphore, #tpu.memory_space<semaphore_mem>>)
    %dma_start3A_190 = arith.constant 6 : i32
    %dma_start3A_191 = arith.constant 6 : i32
    %dma_start3A_192 = arith.constant 0 : i32
    %dma_start3A_193 = arith.constant 0 : i32
    %dma_start3A_194 = tpu.memref_slice %arg10[%dma_start3A_190, %dma_start3A_192, %dma_start3A_193] : memref<8x16x128xf32, #tpu.memory_space<vmem>> -> memref<1x16x128xf32, #tpu.memory_space<vmem>>
    %dma_start3A_195 = tpu.memref_squeeze %dma_start3A_194 : memref<1x16x128xf32, #tpu.memory_space<vmem>> -> memref<16x128xf32, #tpu.memory_space<vmem>>
    %dma_start3A_196 = arith.constant 96 : i32
    %dma_start3A_197 = tpu.memref_slice %arg8[%dma_start3A_196] : memref<512xi32, #tpu.memory_space<vmem>> -> memref<16xi32, #tpu.memory_space<vmem>>
    %dma_start3A_198 = arith.constant 0 : i32
    %dma_start3A_199 = arith.constant 0 : i32
    %dma_start3A_200 = tpu.memref_slice %arg5[%dma_start3A_198, %dma_start3A_199] : memref<100000x128xf32, #tpu.memory_space<hbm>> -> memref<100000x128xf32, #tpu.memory_space<hbm>>
    %dma_start3A_201 = tpu.memref_slice %arg14[%dma_start3A_191] : memref<8x!tpu.dma_semaphore, #tpu.memory_space<semaphore_mem>> -> memref<1x!tpu.dma_semaphore, #tpu.memory_space<semaphore_mem>>
    %dma_start3A_202 = tpu.memref_squeeze %dma_start3A_201 : memref<1x!tpu.dma_semaphore, #tpu.memory_space<semaphore_mem>> -> memref<!tpu.dma_semaphore, #tpu.memory_space<semaphore_mem>>
    tpu.enqueue_indirect_dma source(%dma_start3A_200 : memref<100000x128xf32, #tpu.memory_space<hbm>>) target(%dma_start3A_195 : memref<16x128xf32, #tpu.memory_space<vmem>>) offsets(%dma_start3A_197 : memref<16xi32, #tpu.memory_space<vmem>>) semaphore(%dma_start3A_202 : memref<!tpu.dma_semaphore, #tpu.memory_space<semaphore_mem>>)
    %dma_start3A_203 = arith.constant 7 : i32
    %dma_start3A_204 = arith.constant 7 : i32
    %dma_start3A_205 = arith.constant 0 : i32
    %dma_start3A_206 = arith.constant 0 : i32
    %dma_start3A_207 = tpu.memref_slice %arg9[%dma_start3A_203, %dma_start3A_205, %dma_start3A_206] : memref<8x16x128xf32, #tpu.memory_space<vmem>> -> memref<1x16x128xf32, #tpu.memory_space<vmem>>
    %dma_start3A_208 = tpu.memref_squeeze %dma_start3A_207 : memref<1x16x128xf32, #tpu.memory_space<vmem>> -> memref<16x128xf32, #tpu.memory_space<vmem>>
    %dma_start3A_209 = arith.constant 112 : i32
    %dma_start3A_210 = tpu.memref_slice %arg7[%dma_start3A_209] : memref<512xi32, #tpu.memory_space<vmem>> -> memref<16xi32, #tpu.memory_space<vmem>>
    %dma_start3A_211 = arith.constant 0 : i32
    %dma_start3A_212 = arith.constant 0 : i32
    %dma_start3A_213 = tpu.memref_slice %arg4[%dma_start3A_211, %dma_start3A_212] : memref<1000000x128xf32, #tpu.memory_space<hbm>> -> memref<1000000x128xf32, #tpu.memory_space<hbm>>
    %dma_start3A_214 = tpu.memref_slice %arg13[%dma_start3A_204] : memref<8x!tpu.dma_semaphore, #tpu.memory_space<semaphore_mem>> -> memref<1x!tpu.dma_semaphore, #tpu.memory_space<semaphore_mem>>
    %dma_start3A_215 = tpu.memref_squeeze %dma_start3A_214 : memref<1x!tpu.dma_semaphore, #tpu.memory_space<semaphore_mem>> -> memref<!tpu.dma_semaphore, #tpu.memory_space<semaphore_mem>>
    tpu.enqueue_indirect_dma source(%dma_start3A_213 : memref<1000000x128xf32, #tpu.memory_space<hbm>>) target(%dma_start3A_208 : memref<16x128xf32, #tpu.memory_space<vmem>>) offsets(%dma_start3A_210 : memref<16xi32, #tpu.memory_space<vmem>>) semaphore(%dma_start3A_215 : memref<!tpu.dma_semaphore, #tpu.memory_space<semaphore_mem>>)
    %dma_start3A_216 = arith.constant 7 : i32
    %dma_start3A_217 = arith.constant 7 : i32
    %dma_start3A_218 = arith.constant 0 : i32
    %dma_start3A_219 = arith.constant 0 : i32
    %dma_start3A_220 = tpu.memref_slice %arg10[%dma_start3A_216, %dma_start3A_218, %dma_start3A_219] : memref<8x16x128xf32, #tpu.memory_space<vmem>> -> memref<1x16x128xf32, #tpu.memory_space<vmem>>
    %dma_start3A_221 = tpu.memref_squeeze %dma_start3A_220 : memref<1x16x128xf32, #tpu.memory_space<vmem>> -> memref<16x128xf32, #tpu.memory_space<vmem>>
    %dma_start3A_222 = arith.constant 112 : i32
    %dma_start3A_223 = tpu.memref_slice %arg8[%dma_start3A_222] : memref<512xi32, #tpu.memory_space<vmem>> -> memref<16xi32, #tpu.memory_space<vmem>>
    %dma_start3A_224 = arith.constant 0 : i32
    %dma_start3A_225 = arith.constant 0 : i32
    %dma_start3A_226 = tpu.memref_slice %arg5[%dma_start3A_224, %dma_start3A_225] : memref<100000x128xf32, #tpu.memory_space<hbm>> -> memref<100000x128xf32, #tpu.memory_space<hbm>>
    %dma_start3A_227 = tpu.memref_slice %arg14[%dma_start3A_217] : memref<8x!tpu.dma_semaphore, #tpu.memory_space<semaphore_mem>> -> memref<1x!tpu.dma_semaphore, #tpu.memory_space<semaphore_mem>>
    %dma_start3A_228 = tpu.memref_squeeze %dma_start3A_227 : memref<1x!tpu.dma_semaphore, #tpu.memory_space<semaphore_mem>> -> memref<!tpu.dma_semaphore, #tpu.memory_space<semaphore_mem>>
    tpu.enqueue_indirect_dma source(%dma_start3A_226 : memref<100000x128xf32, #tpu.memory_space<hbm>>) target(%dma_start3A_221 : memref<16x128xf32, #tpu.memory_space<vmem>>) offsets(%dma_start3A_223 : memref<16xi32, #tpu.memory_space<vmem>>) semaphore(%dma_start3A_228 : memref<!tpu.dma_semaphore, #tpu.memory_space<semaphore_mem>>)
    %scan3A = arith.constant 0 : i32
    %scan3A_229 = arith.constant 32 : i32
    %scan3A_230 = arith.addi %scan3A, %scan3A_229 : i32
    %scan3A_231 = arith.constant 1 : i32
    scf.for %scan3A_235 = %scan3A to %scan3A_230 step %scan3A_231  : i32 {
      %mul3A_236 = arith.constant 1 : i32
      %mul3A_237 = arith.muli %scan3A_235, %mul3A_236 : i32
      %add3A_238 = arith.constant 0 : i32
      %add3A_239 = arith.addi %add3A_238, %mul3A_237 : i32
      %rem3A = arith.constant 8 : i32
      %rem3A_240 = arith.remsi %add3A_239, %rem3A : i32
      %mul3A_241 = arith.constant 16 : i32
      %mul3A_242 = arith.muli %add3A_239, %mul3A_241 : i32
      %dma_wait3A_243 = arith.constant 0 : i32
      %dma_wait3A_244 = arith.constant 0 : i32
      %dma_wait3A_245 = tpu.memref_slice %arg9[%rem3A_240, %dma_wait3A_243, %dma_wait3A_244] : memref<8x16x128xf32, #tpu.memory_space<vmem>> -> memref<1x16x128xf32, #tpu.memory_space<vmem>>
      %dma_wait3A_246 = tpu.memref_squeeze %dma_wait3A_245 : memref<1x16x128xf32, #tpu.memory_space<vmem>> -> memref<16x128xf32, #tpu.memory_space<vmem>>
      %dma_wait3A_247 = tpu.memref_slice %arg7[%mul3A_242] : memref<512xi32, #tpu.memory_space<vmem>> -> memref<16xi32, #tpu.memory_space<vmem>>
      %dma_wait3A_248 = arith.constant 0 : i32
      %dma_wait3A_249 = arith.constant 0 : i32
      %dma_wait3A_250 = tpu.memref_slice %arg4[%dma_wait3A_248, %dma_wait3A_249] : memref<1000000x128xf32, #tpu.memory_space<hbm>> -> memref<1000000x128xf32, #tpu.memory_space<hbm>>
      %dma_wait3A_251 = tpu.memref_slice %arg13[%rem3A_240] : memref<8x!tpu.dma_semaphore, #tpu.memory_space<semaphore_mem>> -> memref<1x!tpu.dma_semaphore, #tpu.memory_space<semaphore_mem>>
      %dma_wait3A_252 = tpu.memref_squeeze %dma_wait3A_251 : memref<1x!tpu.dma_semaphore, #tpu.memory_space<semaphore_mem>> -> memref<!tpu.dma_semaphore, #tpu.memory_space<semaphore_mem>>
      tpu.wait_indirect_dma semaphore(%dma_wait3A_252 : memref<!tpu.dma_semaphore, #tpu.memory_space<semaphore_mem>>) src(%dma_wait3A_250 : memref<1000000x128xf32, #tpu.memory_space<hbm>>) dst(%dma_wait3A_246 : memref<16x128xf32, #tpu.memory_space<vmem>>)
      %mul3A_253 = arith.constant 16 : i32
      %mul3A_254 = arith.muli %add3A_239, %mul3A_253 : i32
      %dma_wait3A_255 = arith.constant 0 : i32
      %dma_wait3A_256 = arith.constant 0 : i32
      %dma_wait3A_257 = tpu.memref_slice %arg10[%rem3A_240, %dma_wait3A_255, %dma_wait3A_256] : memref<8x16x128xf32, #tpu.memory_space<vmem>> -> memref<1x16x128xf32, #tpu.memory_space<vmem>>
      %dma_wait3A_258 = tpu.memref_squeeze %dma_wait3A_257 : memref<1x16x128xf32, #tpu.memory_space<vmem>> -> memref<16x128xf32, #tpu.memory_space<vmem>>
      %dma_wait3A_259 = tpu.memref_slice %arg8[%mul3A_254] : memref<512xi32, #tpu.memory_space<vmem>> -> memref<16xi32, #tpu.memory_space<vmem>>
      %dma_wait3A_260 = arith.constant 0 : i32
      %dma_wait3A_261 = arith.constant 0 : i32
      %dma_wait3A_262 = tpu.memref_slice %arg5[%dma_wait3A_260, %dma_wait3A_261] : memref<100000x128xf32, #tpu.memory_space<hbm>> -> memref<100000x128xf32, #tpu.memory_space<hbm>>
      %dma_wait3A_263 = tpu.memref_slice %arg14[%rem3A_240] : memref<8x!tpu.dma_semaphore, #tpu.memory_space<semaphore_mem>> -> memref<1x!tpu.dma_semaphore, #tpu.memory_space<semaphore_mem>>
      %dma_wait3A_264 = tpu.memref_squeeze %dma_wait3A_263 : memref<1x!tpu.dma_semaphore, #tpu.memory_space<semaphore_mem>> -> memref<!tpu.dma_semaphore, #tpu.memory_space<semaphore_mem>>
      tpu.wait_indirect_dma semaphore(%dma_wait3A_264 : memref<!tpu.dma_semaphore, #tpu.memory_space<semaphore_mem>>) src(%dma_wait3A_262 : memref<100000x128xf32, #tpu.memory_space<hbm>>) dst(%dma_wait3A_258 : memref<16x128xf32, #tpu.memory_space<vmem>>)
      %scan3A_265 = arith.constant 0 : i32
      %mul3A_266 = arith.constant 1 : i32
      %mul3A_267 = arith.muli %scan3A_265, %mul3A_266 : i32
      %add3A_268 = arith.constant 0 : i32
      %add3A_269 = arith.addi %add3A_268, %mul3A_267 : i32
      %mul3A_270 = arith.constant 16 : i32
      %mul3A_271 = arith.muli %add3A_269, %mul3A_270 : i32
      %add3A_272 = arith.constant 0 : i32
      %add3A_273 = arith.addi %mul3A_271, %add3A_272 : i32
      %get3A = arith.index_cast %rem3A_240 : i32 to index
      %get3A_274 = arith.index_cast %add3A_273 : i32 to index
      %get3A_275 = arith.constant 0 : index
      %get3A_276 = tpu.vector_load %arg9[%get3A, %get3A_274, %get3A_275] {strides = array<i32>} : memref<8x16x128xf32, #tpu.memory_space<vmem>>, vector<16xf32>,
      %get3A_277 = arith.index_cast %rem3A_240 : i32 to index
      %get3A_278 = arith.index_cast %add3A_273 : i32 to index
      %get3A_279 = arith.constant 0 : index
      %get3A_280 = tpu.vector_load %arg10[%get3A_277, %get3A_278, %get3A_279] {strides = array<i32>} : memref<8x16x128xf32, #tpu.memory_space<vmem>>, vector<16xf32>,
      %mul3A_281 = arith.mulf %get3A_276, %get3A_280 : vector<16xf32>
      %get3A_282 = arith.index_cast %rem3A_240 : i32 to index
      %get3A_283 = arith.index_cast %add3A_273 : i32 to index
      %get3A_284 = arith.constant 16 : index
      %get3A_285 = tpu.vector_load %arg9[%get3A_282, %get3A_283, %get3A_284] {strides = array<i32>} : memref<8x16x128xf32, #tpu.memory_space<vmem>>, vector<16xf32>,
      %get3A_286 = arith.index_cast %rem3A_240 : i32 to index
      %get3A_287 = arith.index_cast %add3A_273 : i32 to index
      %get3A_288 = arith.constant 16 : index
      %get3A_289 = tpu.vector_load %arg10[%get3A_286, %get3A_287, %get3A_288] {strides = array<i32>} : memref<8x16x128xf32, #tpu.memory_space<vmem>>, vector<16xf32>,
      %mul3A_290 = arith.mulf %get3A_285, %get3A_289 : vector<16xf32>
      %get3A_291 = arith.index_cast %rem3A_240 : i32 to index
      %get3A_292 = arith.index_cast %add3A_273 : i32 to index
      %get3A_293 = arith.constant 32 : index
      %get3A_294 = tpu.vector_load %arg9[%get3A_291, %get3A_292, %get3A_293] {strides = array<i32>} : memref<8x16x128xf32, #tpu.memory_space<vmem>>, vector<16xf32>,
      %get3A_295 = arith.index_cast %rem3A_240 : i32 to index
      %get3A_296 = arith.index_cast %add3A_273 : i32 to index
      %get3A_297 = arith.constant 32 : index
      %get3A_298 = tpu.vector_load %arg10[%get3A_295, %get3A_296, %get3A_297] {strides = array<i32>} : memref<8x16x128xf32, #tpu.memory_space<vmem>>, vector<16xf32>,
      %mul3A_299 = arith.mulf %get3A_294, %get3A_298 : vector<16xf32>
      %add3A_300 = arith.addf %mul3A_281, %mul3A_299 : vector<16xf32>
      %get3A_301 = arith.index_cast %rem3A_240 : i32 to index
      %get3A_302 = arith.index_cast %add3A_273 : i32 to index
      %get3A_303 = arith.constant 48 : index
      %get3A_304 = tpu.vector_load %arg9[%get3A_301, %get3A_302, %get3A_303] {strides = array<i32>} : memref<8x16x128xf32, #tpu.memory_space<vmem>>, vector<16xf32>,
      %get3A_305 = arith.index_cast %rem3A_240 : i32 to index
      %get3A_306 = arith.index_cast %add3A_273 : i32 to index
      %get3A_307 = arith.constant 48 : index
      %get3A_308 = tpu.vector_load %arg10[%get3A_305, %get3A_306, %get3A_307] {strides = array<i32>} : memref<8x16x128xf32, #tpu.memory_space<vmem>>, vector<16xf32>,
      %mul3A_309 = arith.mulf %get3A_304, %get3A_308 : vector<16xf32>
      %add3A_310 = arith.addf %mul3A_290, %mul3A_309 : vector<16xf32>
      %get3A_311 = arith.index_cast %rem3A_240 : i32 to index
      %get3A_312 = arith.index_cast %add3A_273 : i32 to index
      %get3A_313 = arith.constant 64 : index
      %get3A_314 = tpu.vector_load %arg9[%get3A_311, %get3A_312, %get3A_313] {strides = array<i32>} : memref<8x16x128xf32, #tpu.memory_space<vmem>>, vector<16xf32>,
      %get3A_315 = arith.index_cast %rem3A_240 : i32 to index
      %get3A_316 = arith.index_cast %add3A_273 : i32 to index
      %get3A_317 = arith.constant 64 : index
      %get3A_318 = tpu.vector_load %arg10[%get3A_315, %get3A_316, %get3A_317] {strides = array<i32>} : memref<8x16x128xf32, #tpu.memory_space<vmem>>, vector<16xf32>,
      %mul3A_319 = arith.mulf %get3A_314, %get3A_318 : vector<16xf32>
      %add3A_320 = arith.addf %add3A_300, %mul3A_319 : vector<16xf32>
      %get3A_321 = arith.index_cast %rem3A_240 : i32 to index
      %get3A_322 = arith.index_cast %add3A_273 : i32 to index
      %get3A_323 = arith.constant 80 : index
      %get3A_324 = tpu.vector_load %arg9[%get3A_321, %get3A_322, %get3A_323] {strides = array<i32>} : memref<8x16x128xf32, #tpu.memory_space<vmem>>, vector<16xf32>,
      %get3A_325 = arith.index_cast %rem3A_240 : i32 to index
      %get3A_326 = arith.index_cast %add3A_273 : i32 to index
      %get3A_327 = arith.constant 80 : index
      %get3A_328 = tpu.vector_load %arg10[%get3A_325, %get3A_326, %get3A_327] {strides = array<i32>} : memref<8x16x128xf32, #tpu.memory_space<vmem>>, vector<16xf32>,
      %mul3A_329 = arith.mulf %get3A_324, %get3A_328 : vector<16xf32>
      %add3A_330 = arith.addf %add3A_310, %mul3A_329 : vector<16xf32>
      %get3A_331 = arith.index_cast %rem3A_240 : i32 to index
      %get3A_332 = arith.index_cast %add3A_273 : i32 to index
      %get3A_333 = arith.constant 96 : index
      %get3A_334 = tpu.vector_load %arg9[%get3A_331, %get3A_332, %get3A_333] {strides = array<i32>} : memref<8x16x128xf32, #tpu.memory_space<vmem>>, vector<16xf32>,
      %get3A_335 = arith.index_cast %rem3A_240 : i32 to index
      %get3A_336 = arith.index_cast %add3A_273 : i32 to index
      %get3A_337 = arith.constant 96 : index
      %get3A_338 = tpu.vector_load %arg10[%get3A_335, %get3A_336, %get3A_337] {strides = array<i32>} : memref<8x16x128xf32, #tpu.memory_space<vmem>>, vector<16xf32>,
      %mul3A_339 = arith.mulf %get3A_334, %get3A_338 : vector<16xf32>
      %add3A_340 = arith.addf %add3A_320, %mul3A_339 : vector<16xf32>
      %get3A_341 = arith.index_cast %rem3A_240 : i32 to index
      %get3A_342 = arith.index_cast %add3A_273 : i32 to index
      %get3A_343 = arith.constant 112 : index
      %get3A_344 = tpu.vector_load %arg9[%get3A_341, %get3A_342, %get3A_343] {strides = array<i32>} : memref<8x16x128xf32, #tpu.memory_space<vmem>>, vector<16xf32>,
      %get3A_345 = arith.index_cast %rem3A_240 : i32 to index
      %get3A_346 = arith.index_cast %add3A_273 : i32 to index
      %get3A_347 = arith.constant 112 : index
      %get3A_348 = tpu.vector_load %arg10[%get3A_345, %get3A_346, %get3A_347] {strides = array<i32>} : memref<8x16x128xf32, #tpu.memory_space<vmem>>, vector<16xf32>,
      %mul3A_349 = arith.mulf %get3A_344, %get3A_348 : vector<16xf32>
      %add3A_350 = arith.addf %add3A_330, %mul3A_349 : vector<16xf32>
      %add3A_351 = arith.addf %add3A_340, %add3A_350 : vector<16xf32>
      %swap3A = arith.constant 0 : i32
      %swap3A_352 = arith.index_cast %swap3A : i32 to index
      %swap3A_353 = arith.constant 0 : index
      %swap3A_354 = tpu.vector_load %arg11[%swap3A_352, %swap3A_353] {strides = array<i32>} : memref<16x16xf32, #tpu.memory_space<vmem>>, vector<16xf32>,
      tpu.vector_store %arg11[%swap3A_352, %swap3A_353], %add3A_351 {strides = array<i32>} : memref<16x16xf32, #tpu.memory_space<vmem>>, vector<16xf32>,
      %mul3A_355 = arith.constant 16 : i32
      %mul3A_356 = arith.muli %add3A_269, %mul3A_355 : i32
      %add3A_357 = arith.constant 1 : i32
      %add3A_358 = arith.addi %mul3A_356, %add3A_357 : i32
      %get3A_359 = arith.index_cast %rem3A_240 : i32 to index
      %get3A_360 = arith.index_cast %add3A_358 : i32 to index
      %get3A_361 = arith.constant 0 : index
      %get3A_362 = tpu.vector_load %arg9[%get3A_359, %get3A_360, %get3A_361] {strides = array<i32>} : memref<8x16x128xf32, #tpu.memory_space<vmem>>, vector<16xf32>,
      %get3A_363 = arith.index_cast %rem3A_240 : i32 to index
      %get3A_364 = arith.index_cast %add3A_358 : i32 to index
      %get3A_365 = arith.constant 0 : index
      %get3A_366 = tpu.vector_load %arg10[%get3A_363, %get3A_364, %get3A_365] {strides = array<i32>} : memref<8x16x128xf32, #tpu.memory_space<vmem>>, vector<16xf32>,
      %mul3A_367 = arith.mulf %get3A_362, %get3A_366 : vector<16xf32>
      %get3A_368 = arith.index_cast %rem3A_240 : i32 to index
      %get3A_369 = arith.index_cast %add3A_358 : i32 to index
      %get3A_370 = arith.constant 16 : index
      %get3A_371 = tpu.vector_load %arg9[%get3A_368, %get3A_369, %get3A_370] {strides = array<i32>} : memref<8x16x128xf32, #tpu.memory_space<vmem>>, vector<16xf32>,
      %get3A_372 = arith.index_cast %rem3A_240 : i32 to index
      %get3A_373 = arith.index_cast %add3A_358 : i32 to index
      %get3A_374 = arith.constant 16 : index
      %get3A_375 = tpu.vector_load %arg10[%get3A_372, %get3A_373, %get3A_374] {strides = array<i32>} : memref<8x16x128xf32, #tpu.memory_space<vmem>>, vector<16xf32>,
      %mul3A_376 = arith.mulf %get3A_371, %get3A_375 : vector<16xf32>
      %get3A_377 = arith.index_cast %rem3A_240 : i32 to index
      %get3A_378 = arith.index_cast %add3A_358 : i32 to index
      %get3A_379 = arith.constant 32 : index
      %get3A_380 = tpu.vector_load %arg9[%get3A_377, %get3A_378, %get3A_379] {strides = array<i32>} : memref<8x16x128xf32, #tpu.memory_space<vmem>>, vector<16xf32>,
      %get3A_381 = arith.index_cast %rem3A_240 : i32 to index
      %get3A_382 = arith.index_cast %add3A_358 : i32 to index
      %get3A_383 = arith.constant 32 : index
      %get3A_384 = tpu.vector_load %arg10[%get3A_381, %get3A_382, %get3A_383] {strides = array<i32>} : memref<8x16x128xf32, #tpu.memory_space<vmem>>, vector<16xf32>,
      %mul3A_385 = arith.mulf %get3A_380, %get3A_384 : vector<16xf32>
      %add3A_386 = arith.addf %mul3A_367, %mul3A_385 : vector<16xf32>
      %get3A_387 = arith.index_cast %rem3A_240 : i32 to index
      %get3A_388 = arith.index_cast %add3A_358 : i32 to index
      %get3A_389 = arith.constant 48 : index
      %get3A_390 = tpu.vector_load %arg9[%get3A_387, %get3A_388, %get3A_389] {strides = array<i32>} : memref<8x16x128xf32, #tpu.memory_space<vmem>>, vector<16xf32>,
      %get3A_391 = arith.index_cast %rem3A_240 : i32 to index
      %get3A_392 = arith.index_cast %add3A_358 : i32 to index
      %get3A_393 = arith.constant 48 : index
      %get3A_394 = tpu.vector_load %arg10[%get3A_391, %get3A_392, %get3A_393] {strides = array<i32>} : memref<8x16x128xf32, #tpu.memory_space<vmem>>, vector<16xf32>,
      %mul3A_395 = arith.mulf %get3A_390, %get3A_394 : vector<16xf32>
      %add3A_396 = arith.addf %mul3A_376, %mul3A_395 : vector<16xf32>
      %get3A_397 = arith.index_cast %rem3A_240 : i32 to index
      %get3A_398 = arith.index_cast %add3A_358 : i32 to index
      %get3A_399 = arith.constant 64 : index
      %get3A_400 = tpu.vector_load %arg9[%get3A_397, %get3A_398, %get3A_399] {strides = array<i32>} : memref<8x16x128xf32, #tpu.memory_space<vmem>>, vector<16xf32>,
      %get3A_401 = arith.index_cast %rem3A_240 : i32 to index
      %get3A_402 = arith.index_cast %add3A_358 : i32 to index
      %get3A_403 = arith.constant 64 : index
      %get3A_404 = tpu.vector_load %arg10[%get3A_401, %get3A_402, %get3A_403] {strides = array<i32>} : memref<8x16x128xf32, #tpu.memory_space<vmem>>, vector<16xf32>,
      %mul3A_405 = arith.mulf %get3A_400, %get3A_404 : vector<16xf32>
      %add3A_406 = arith.addf %add3A_386, %mul3A_405 : vector<16xf32>
      %get3A_407 = arith.index_cast %rem3A_240 : i32 to index
      %get3A_408 = arith.index_cast %add3A_358 : i32 to index
      %get3A_409 = arith.constant 80 : index
      %get3A_410 = tpu.vector_load %arg9[%get3A_407, %get3A_408, %get3A_409] {strides = array<i32>} : memref<8x16x128xf32, #tpu.memory_space<vmem>>, vector<16xf32>,
      %get3A_411 = arith.index_cast %rem3A_240 : i32 to index
      %get3A_412 = arith.index_cast %add3A_358 : i32 to index
      %get3A_413 = arith.constant 80 : index
      %get3A_414 = tpu.vector_load %arg10[%get3A_411, %get3A_412, %get3A_413] {strides = array<i32>} : memref<8x16x128xf32, #tpu.memory_space<vmem>>, vector<16xf32>,
      %mul3A_415 = arith.mulf %get3A_410, %get3A_414 : vector<16xf32>
      %add3A_416 = arith.addf %add3A_396, %mul3A_415 : vector<16xf32>
      %get3A_417 = arith.index_cast %rem3A_240 : i32 to index
      %get3A_418 = arith.index_cast %add3A_358 : i32 to index
      %get3A_419 = arith.constant 96 : index
      %get3A_420 = tpu.vector_load %arg9[%get3A_417, %get3A_418, %get3A_419] {strides = array<i32>} : memref<8x16x128xf32, #tpu.memory_space<vmem>>, vector<16xf32>,
      %get3A_421 = arith.index_cast %rem3A_240 : i32 to index
      %get3A_422 = arith.index_cast %add3A_358 : i32 to index
      %get3A_423 = arith.constant 96 : index
      %get3A_424 = tpu.vector_load %arg10[%get3A_421, %get3A_422, %get3A_423] {strides = array<i32>} : memref<8x16x128xf32, #tpu.memory_space<vmem>>, vector<16xf32>,
      %mul3A_425 = arith.mulf %get3A_420, %get3A_424 : vector<16xf32>
      %add3A_426 = arith.addf %add3A_406, %mul3A_425 : vector<16xf32>
      %get3A_427 = arith.index_cast %rem3A_240 : i32 to index
      %get3A_428 = arith.index_cast %add3A_358 : i32 to index
      %get3A_429 = arith.constant 112 : index
      %get3A_430 = tpu.vector_load %arg9[%get3A_427, %get3A_428, %get3A_429] {strides = array<i32>} : memref<8x16x128xf32, #tpu.memory_space<vmem>>, vector<16xf32>,
      %get3A_431 = arith.index_cast %rem3A_240 : i32 to index
      %get3A_432 = arith.index_cast %add3A_358 : i32 to index
      %get3A_433 = arith.constant 112 : index
      %get3A_434 = tpu.vector_load %arg10[%get3A_431, %get3A_432, %get3A_433] {strides = array<i32>} : memref<8x16x128xf32, #tpu.memory_space<vmem>>, vector<16xf32>,
      %mul3A_435 = arith.mulf %get3A_430, %get3A_434 : vector<16xf32>
      %add3A_436 = arith.addf %add3A_416, %mul3A_435 : vector<16xf32>
      %add3A_437 = arith.addf %add3A_426, %add3A_436 : vector<16xf32>
      %swap3A_438 = arith.constant 1 : i32
      %swap3A_439 = arith.index_cast %swap3A_438 : i32 to index
      %swap3A_440 = arith.constant 0 : index
      %swap3A_441 = tpu.vector_load %arg11[%swap3A_439, %swap3A_440] {strides = array<i32>} : memref<16x16xf32, #tpu.memory_space<vmem>>, vector<16xf32>,
      tpu.vector_store %arg11[%swap3A_439, %swap3A_440], %add3A_437 {strides = array<i32>} : memref<16x16xf32, #tpu.memory_space<vmem>>, vector<16xf32>,
      %mul3A_442 = arith.constant 16 : i32
      %mul3A_443 = arith.muli %add3A_269, %mul3A_442 : i32
      %add3A_444 = arith.constant 2 : i32
      %add3A_445 = arith.addi %mul3A_443, %add3A_444 : i32
      %get3A_446 = arith.index_cast %rem3A_240 : i32 to index
      %get3A_447 = arith.index_cast %add3A_445 : i32 to index
      %get3A_448 = arith.constant 0 : index
      %get3A_449 = tpu.vector_load %arg9[%get3A_446, %get3A_447, %get3A_448] {strides = array<i32>} : memref<8x16x128xf32, #tpu.memory_space<vmem>>, vector<16xf32>,
      %get3A_450 = arith.index_cast %rem3A_240 : i32 to index
      %get3A_451 = arith.index_cast %add3A_445 : i32 to index
      %get3A_452 = arith.constant 0 : index
      %get3A_453 = tpu.vector_load %arg10[%get3A_450, %get3A_451, %get3A_452] {strides = array<i32>} : memref<8x16x128xf32, #tpu.memory_space<vmem>>, vector<16xf32>,
      %mul3A_454 = arith.mulf %get3A_449, %get3A_453 : vector<16xf32>
      %get3A_455 = arith.index_cast %rem3A_240 : i32 to index
      %get3A_456 = arith.index_cast %add3A_445 : i32 to index
      %get3A_457 = arith.constant 16 : index
      %get3A_458 = tpu.vector_load %arg9[%get3A_455, %get3A_456, %get3A_457] {strides = array<i32>} : memref<8x16x128xf32, #tpu.memory_space<vmem>>, vector<16xf32>,
      %get3A_459 = arith.index_cast %rem3A_240 : i32 to index
      %get3A_460 = arith.index_cast %add3A_445 : i32 to index
      %get3A_461 = arith.constant 16 : index
      %get3A_462 = tpu.vector_load %arg10[%get3A_459, %get3A_460, %get3A_461] {strides = array<i32>} : memref<8x16x128xf32, #tpu.memory_space<vmem>>, vector<16xf32>,
      %mul3A_463 = arith.mulf %get3A_458, %get3A_462 : vector<16xf32>
      %get3A_464 = arith.index_cast %rem3A_240 : i32 to index
      %get3A_465 = arith.index_cast %add3A_445 : i32 to index
      %get3A_466 = arith.constant 32 : index
      %get3A_467 = tpu.vector_load %arg9[%get3A_464, %get3A_465, %get3A_466] {strides = array<i32>} : memref<8x16x128xf32, #tpu.memory_space<vmem>>, vector<16xf32>,
      %get3A_468 = arith.index_cast %rem3A_240 : i32 to index
      %get3A_469 = arith.index_cast %add3A_445 : i32 to index
      %get3A_470 = arith.constant 32 : index
      %get3A_471 = tpu.vector_load %arg10[%get3A_468, %get3A_469, %get3A_470] {strides = array<i32>} : memref<8x16x128xf32, #tpu.memory_space<vmem>>, vector<16xf32>,
      %mul3A_472 = arith.mulf %get3A_467, %get3A_471 : vector<16xf32>
      %add3A_473 = arith.addf %mul3A_454, %mul3A_472 : vector<16xf32>
      %get3A_474 = arith.index_cast %rem3A_240 : i32 to index
      %get3A_475 = arith.index_cast %add3A_445 : i32 to index
      %get3A_476 = arith.constant 48 : index
      %get3A_477 = tpu.vector_load %arg9[%get3A_474, %get3A_475, %get3A_476] {strides = array<i32>} : memref<8x16x128xf32, #tpu.memory_space<vmem>>, vector<16xf32>,
      %get3A_478 = arith.index_cast %rem3A_240 : i32 to index
      %get3A_479 = arith.index_cast %add3A_445 : i32 to index
      %get3A_480 = arith.constant 48 : index
      %get3A_481 = tpu.vector_load %arg10[%get3A_478, %get3A_479, %get3A_480] {strides = array<i32>} : memref<8x16x128xf32, #tpu.memory_space<vmem>>, vector<16xf32>,
      %mul3A_482 = arith.mulf %get3A_477, %get3A_481 : vector<16xf32>
      %add3A_483 = arith.addf %mul3A_463, %mul3A_482 : vector<16xf32>
      %get3A_484 = arith.index_cast %rem3A_240 : i32 to index
      %get3A_485 = arith.index_cast %add3A_445 : i32 to index
      %get3A_486 = arith.constant 64 : index
      %get3A_487 = tpu.vector_load %arg9[%get3A_484, %get3A_485, %get3A_486] {strides = array<i32>} : memref<8x16x128xf32, #tpu.memory_space<vmem>>, vector<16xf32>,
      %get3A_488 = arith.index_cast %rem3A_240 : i32 to index
      %get3A_489 = arith.index_cast %add3A_445 : i32 to index
      %get3A_490 = arith.constant 64 : index
      %get3A_491 = tpu.vector_load %arg10[%get3A_488, %get3A_489, %get3A_490] {strides = array<i32>} : memref<8x16x128xf32, #tpu.memory_space<vmem>>, vector<16xf32>,
      %mul3A_492 = arith.mulf %get3A_487, %get3A_491 : vector<16xf32>
      %add3A_493 = arith.addf %add3A_473, %mul3A_492 : vector<16xf32>
      %get3A_494 = arith.index_cast %rem3A_240 : i32 to index
      %get3A_495 = arith.index_cast %add3A_445 : i32 to index
      %get3A_496 = arith.constant 80 : index
      %get3A_497 = tpu.vector_load %arg9[%get3A_494, %get3A_495, %get3A_496] {strides = array<i32>} : memref<8x16x128xf32, #tpu.memory_space<vmem>>, vector<16xf32>,
      %get3A_498 = arith.index_cast %rem3A_240 : i32 to index
      %get3A_499 = arith.index_cast %add3A_445 : i32 to index
      %get3A_500 = arith.constant 80 : index
      %get3A_501 = tpu.vector_load %arg10[%get3A_498, %get3A_499, %get3A_500] {strides = array<i32>} : memref<8x16x128xf32, #tpu.memory_space<vmem>>, vector<16xf32>,
      %mul3A_502 = arith.mulf %get3A_497, %get3A_501 : vector<16xf32>
      %add3A_503 = arith.addf %add3A_483, %mul3A_502 : vector<16xf32>
      %get3A_504 = arith.index_cast %rem3A_240 : i32 to index
      %get3A_505 = arith.index_cast %add3A_445 : i32 to index
      %get3A_506 = arith.constant 96 : index
      %get3A_507 = tpu.vector_load %arg9[%get3A_504, %get3A_505, %get3A_506] {strides = array<i32>} : memref<8x16x128xf32, #tpu.memory_space<vmem>>, vector<16xf32>,
      %get3A_508 = arith.index_cast %rem3A_240 : i32 to index
      %get3A_509 = arith.index_cast %add3A_445 : i32 to index
      %get3A_510 = arith.constant 96 : index
      %get3A_511 = tpu.vector_load %arg10[%get3A_508, %get3A_509, %get3A_510] {strides = array<i32>} : memref<8x16x128xf32, #tpu.memory_space<vmem>>, vector<16xf32>,
      %mul3A_512 = arith.mulf %get3A_507, %get3A_511 : vector<16xf32>
      %add3A_513 = arith.addf %add3A_493, %mul3A_512 : vector<16xf32>
      %get3A_514 = arith.index_cast %rem3A_240 : i32 to index
      %get3A_515 = arith.index_cast %add3A_445 : i32 to index
      %get3A_516 = arith.constant 112 : index
      %get3A_517 = tpu.vector_load %arg9[%get3A_514, %get3A_515, %get3A_516] {strides = array<i32>} : memref<8x16x128xf32, #tpu.memory_space<vmem>>, vector<16xf32>,
      %get3A_518 = arith.index_cast %rem3A_240 : i32 to index
      %get3A_519 = arith.index_cast %add3A_445 : i32 to index
      %get3A_520 = arith.constant 112 : index
      %get3A_521 = tpu.vector_load %arg10[%get3A_518, %get3A_519, %get3A_520] {strides = array<i32>} : memref<8x16x128xf32, #tpu.memory_space<vmem>>, vector<16xf32>,
      %mul3A_522 = arith.mulf %get3A_517, %get3A_521 : vector<16xf32>
      %add3A_523 = arith.addf %add3A_503, %mul3A_522 : vector<16xf32>
      %add3A_524 = arith.addf %add3A_513, %add3A_523 : vector<16xf32>
      %swap3A_525 = arith.constant 2 : i32
      %swap3A_526 = arith.index_cast %swap3A_525 : i32 to index
      %swap3A_527 = arith.constant 0 : index
      %swap3A_528 = tpu.vector_load %arg11[%swap3A_526, %swap3A_527] {strides = array<i32>} : memref<16x16xf32, #tpu.memory_space<vmem>>, vector<16xf32>,
      tpu.vector_store %arg11[%swap3A_526, %swap3A_527], %add3A_524 {strides = array<i32>} : memref<16x16xf32, #tpu.memory_space<vmem>>, vector<16xf32>,
      %mul3A_529 = arith.constant 16 : i32
      %mul3A_530 = arith.muli %add3A_269, %mul3A_529 : i32
      %add3A_531 = arith.constant 3 : i32
      %add3A_532 = arith.addi %mul3A_530, %add3A_531 : i32
      %get3A_533 = arith.index_cast %rem3A_240 : i32 to index
      %get3A_534 = arith.index_cast %add3A_532 : i32 to index
      %get3A_535 = arith.constant 0 : index
      %get3A_536 = tpu.vector_load %arg9[%get3A_533, %get3A_534, %get3A_535] {strides = array<i32>} : memref<8x16x128xf32, #tpu.memory_space<vmem>>, vector<16xf32>,
      %get3A_537 = arith.index_cast %rem3A_240 : i32 to index
      %get3A_538 = arith.index_cast %add3A_532 : i32 to index
      %get3A_539 = arith.constant 0 : index
      %get3A_540 = tpu.vector_load %arg10[%get3A_537, %get3A_538, %get3A_539] {strides = array<i32>} : memref<8x16x128xf32, #tpu.memory_space<vmem>>, vector<16xf32>,
      %mul3A_541 = arith.mulf %get3A_536, %get3A_540 : vector<16xf32>
      %get3A_542 = arith.index_cast %rem3A_240 : i32 to index
      %get3A_543 = arith.index_cast %add3A_532 : i32 to index
      %get3A_544 = arith.constant 16 : index
      %get3A_545 = tpu.vector_load %arg9[%get3A_542, %get3A_543, %get3A_544] {strides = array<i32>} : memref<8x16x128xf32, #tpu.memory_space<vmem>>, vector<16xf32>,
      %get3A_546 = arith.index_cast %rem3A_240 : i32 to index
      %get3A_547 = arith.index_cast %add3A_532 : i32 to index
      %get3A_548 = arith.constant 16 : index
      %get3A_549 = tpu.vector_load %arg10[%get3A_546, %get3A_547, %get3A_548] {strides = array<i32>} : memref<8x16x128xf32, #tpu.memory_space<vmem>>, vector<16xf32>,
      %mul3A_550 = arith.mulf %get3A_545, %get3A_549 : vector<16xf32>
      %get3A_551 = arith.index_cast %rem3A_240 : i32 to index
      %get3A_552 = arith.index_cast %add3A_532 : i32 to index
      %get3A_553 = arith.constant 32 : index
      %get3A_554 = tpu.vector_load %arg9[%get3A_551, %get3A_552, %get3A_553] {strides = array<i32>} : memref<8x16x128xf32, #tpu.memory_space<vmem>>, vector<16xf32>,
      %get3A_555 = arith.index_cast %rem3A_240 : i32 to index
      %get3A_556 = arith.index_cast %add3A_532 : i32 to index
      %get3A_557 = arith.constant 32 : index
      %get3A_558 = tpu.vector_load %arg10[%get3A_555, %get3A_556, %get3A_557] {strides = array<i32>} : memref<8x16x128xf32, #tpu.memory_space<vmem>>, vector<16xf32>,
      %mul3A_559 = arith.mulf %get3A_554, %get3A_558 : vector<16xf32>
      %add3A_560 = arith.addf %mul3A_541, %mul3A_559 : vector<16xf32>
      %get3A_561 = arith.index_cast %rem3A_240 : i32 to index
      %get3A_562 = arith.index_cast %add3A_532 : i32 to index
      %get3A_563 = arith.constant 48 : index
      %get3A_564 = tpu.vector_load %arg9[%get3A_561, %get3A_562, %get3A_563] {strides = array<i32>} : memref<8x16x128xf32, #tpu.memory_space<vmem>>, vector<16xf32>,
      %get3A_565 = arith.index_cast %rem3A_240 : i32 to index
      %get3A_566 = arith.index_cast %add3A_532 : i32 to index
      %get3A_567 = arith.constant 48 : index
      %get3A_568 = tpu.vector_load %arg10[%get3A_565, %get3A_566, %get3A_567] {strides = array<i32>} : memref<8x16x128xf32, #tpu.memory_space<vmem>>, vector<16xf32>,
      %mul3A_569 = arith.mulf %get3A_564, %get3A_568 : vector<16xf32>
      %add3A_570 = arith.addf %mul3A_550, %mul3A_569 : vector<16xf32>
      %get3A_571 = arith.index_cast %rem3A_240 : i32 to index
      %get3A_572 = arith.index_cast %add3A_532 : i32 to index
      %get3A_573 = arith.constant 64 : index
      %get3A_574 = tpu.vector_load %arg9[%get3A_571, %get3A_572, %get3A_573] {strides = array<i32>} : memref<8x16x128xf32, #tpu.memory_space<vmem>>, vector<16xf32>,
      %get3A_575 = arith.index_cast %rem3A_240 : i32 to index
      %get3A_576 = arith.index_cast %add3A_532 : i32 to index
      %get3A_577 = arith.constant 64 : index
      %get3A_578 = tpu.vector_load %arg10[%get3A_575, %get3A_576, %get3A_577] {strides = array<i32>} : memref<8x16x128xf32, #tpu.memory_space<vmem>>, vector<16xf32>,
      %mul3A_579 = arith.mulf %get3A_574, %get3A_578 : vector<16xf32>
      %add3A_580 = arith.addf %add3A_560, %mul3A_579 : vector<16xf32>
      %get3A_581 = arith.index_cast %rem3A_240 : i32 to index
      %get3A_582 = arith.index_cast %add3A_532 : i32 to index
      %get3A_583 = arith.constant 80 : index
      %get3A_584 = tpu.vector_load %arg9[%get3A_581, %get3A_582, %get3A_583] {strides = array<i32>} : memref<8x16x128xf32, #tpu.memory_space<vmem>>, vector<16xf32>,
      %get3A_585 = arith.index_cast %rem3A_240 : i32 to index
      %get3A_586 = arith.index_cast %add3A_532 : i32 to index
      %get3A_587 = arith.constant 80 : index
      %get3A_588 = tpu.vector_load %arg10[%get3A_585, %get3A_586, %get3A_587] {strides = array<i32>} : memref<8x16x128xf32, #tpu.memory_space<vmem>>, vector<16xf32>,
      %mul3A_589 = arith.mulf %get3A_584, %get3A_588 : vector<16xf32>
      %add3A_590 = arith.addf %add3A_570, %mul3A_589 : vector<16xf32>
      %get3A_591 = arith.index_cast %rem3A_240 : i32 to index
      %get3A_592 = arith.index_cast %add3A_532 : i32 to index
      %get3A_593 = arith.constant 96 : index
      %get3A_594 = tpu.vector_load %arg9[%get3A_591, %get3A_592, %get3A_593] {strides = array<i32>} : memref<8x16x128xf32, #tpu.memory_space<vmem>>, vector<16xf32>,
      %get3A_595 = arith.index_cast %rem3A_240 : i32 to index
      %get3A_596 = arith.index_cast %add3A_532 : i32 to index
      %get3A_597 = arith.constant 96 : index
      %get3A_598 = tpu.vector_load %arg10[%get3A_595, %get3A_596, %get3A_597] {strides = array<i32>} : memref<8x16x128xf32, #tpu.memory_space<vmem>>, vector<16xf32>,
      %mul3A_599 = arith.mulf %get3A_594, %get3A_598 : vector<16xf32>
      %add3A_600 = arith.addf %add3A_580, %mul3A_599 : vector<16xf32>
      %get3A_601 = arith.index_cast %rem3A_240 : i32 to index
      %get3A_602 = arith.index_cast %add3A_532 : i32 to index
      %get3A_603 = arith.constant 112 : index
      %get3A_604 = tpu.vector_load %arg9[%get3A_601, %get3A_602, %get3A_603] {strides = array<i32>} : memref<8x16x128xf32, #tpu.memory_space<vmem>>, vector<16xf32>,
      %get3A_605 = arith.index_cast %rem3A_240 : i32 to index
      %get3A_606 = arith.index_cast %add3A_532 : i32 to index
      %get3A_607 = arith.constant 112 : index
      %get3A_608 = tpu.vector_load %arg10[%get3A_605, %get3A_606, %get3A_607] {strides = array<i32>} : memref<8x16x128xf32, #tpu.memory_space<vmem>>, vector<16xf32>,
      %mul3A_609 = arith.mulf %get3A_604, %get3A_608 : vector<16xf32>
      %add3A_610 = arith.addf %add3A_590, %mul3A_609 : vector<16xf32>
      %add3A_611 = arith.addf %add3A_600, %add3A_610 : vector<16xf32>
      %swap3A_612 = arith.constant 3 : i32
      %swap3A_613 = arith.index_cast %swap3A_612 : i32 to index
      %swap3A_614 = arith.constant 0 : index
      %swap3A_615 = tpu.vector_load %arg11[%swap3A_613, %swap3A_614] {strides = array<i32>} : memref<16x16xf32, #tpu.memory_space<vmem>>, vector<16xf32>,
      tpu.vector_store %arg11[%swap3A_613, %swap3A_614], %add3A_611 {strides = array<i32>} : memref<16x16xf32, #tpu.memory_space<vmem>>, vector<16xf32>,
      %mul3A_616 = arith.constant 16 : i32
      %mul3A_617 = arith.muli %add3A_269, %mul3A_616 : i32
      %add3A_618 = arith.constant 4 : i32
      %add3A_619 = arith.addi %mul3A_617, %add3A_618 : i32
      %get3A_620 = arith.index_cast %rem3A_240 : i32 to index
      %get3A_621 = arith.index_cast %add3A_619 : i32 to index
      %get3A_622 = arith.constant 0 : index
      %get3A_623 = tpu.vector_load %arg9[%get3A_620, %get3A_621, %get3A_622] {strides = array<i32>} : memref<8x16x128xf32, #tpu.memory_space<vmem>>, vector<16xf32>,
      %get3A_624 = arith.index_cast %rem3A_240 : i32 to index
      %get3A_625 = arith.index_cast %add3A_619 : i32 to index
      %get3A_626 = arith.constant 0 : index
      %get3A_627 = tpu.vector_load %arg10[%get3A_624, %get3A_625, %get3A_626] {strides = array<i32>} : memref<8x16x128xf32, #tpu.memory_space<vmem>>, vector<16xf32>,
      %mul3A_628 = arith.mulf %get3A_623, %get3A_627 : vector<16xf32>
      %get3A_629 = arith.index_cast %rem3A_240 : i32 to index
      %get3A_630 = arith.index_cast %add3A_619 : i32 to index
      %get3A_631 = arith.constant 16 : index
      %get3A_632 = tpu.vector_load %arg9[%get3A_629, %get3A_630, %get3A_631] {strides = array<i32>} : memref<8x16x128xf32, #tpu.memory_space<vmem>>, vector<16xf32>,
      %get3A_633 = arith.index_cast %rem3A_240 : i32 to index
      %get3A_634 = arith.index_cast %add3A_619 : i32 to index
      %get3A_635 = arith.constant 16 : index
      %get3A_636 = tpu.vector_load %arg10[%get3A_633, %get3A_634, %get3A_635] {strides = array<i32>} : memref<8x16x128xf32, #tpu.memory_space<vmem>>, vector<16xf32>,
      %mul3A_637 = arith.mulf %get3A_632, %get3A_636 : vector<16xf32>
      %get3A_638 = arith.index_cast %rem3A_240 : i32 to index
      %get3A_639 = arith.index_cast %add3A_619 : i32 to index
      %get3A_640 = arith.constant 32 : index
      %get3A_641 = tpu.vector_load %arg9[%get3A_638, %get3A_639, %get3A_640] {strides = array<i32>} : memref<8x16x128xf32, #tpu.memory_space<vmem>>, vector<16xf32>,
      %get3A_642 = arith.index_cast %rem3A_240 : i32 to index
      %get3A_643 = arith.index_cast %add3A_619 : i32 to index
      %get3A_644 = arith.constant 32 : index
      %get3A_645 = tpu.vector_load %arg10[%get3A_642, %get3A_643, %get3A_644] {strides = array<i32>} : memref<8x16x128xf32, #tpu.memory_space<vmem>>, vector<16xf32>,
      %mul3A_646 = arith.mulf %get3A_641, %get3A_645 : vector<16xf32>
      %add3A_647 = arith.addf %mul3A_628, %mul3A_646 : vector<16xf32>
      %get3A_648 = arith.index_cast %rem3A_240 : i32 to index
      %get3A_649 = arith.index_cast %add3A_619 : i32 to index
      %get3A_650 = arith.constant 48 : index
      %get3A_651 = tpu.vector_load %arg9[%get3A_648, %get3A_649, %get3A_650] {strides = array<i32>} : memref<8x16x128xf32, #tpu.memory_space<vmem>>, vector<16xf32>,
      %get3A_652 = arith.index_cast %rem3A_240 : i32 to index
      %get3A_653 = arith.index_cast %add3A_619 : i32 to index
      %get3A_654 = arith.constant 48 : index
      %get3A_655 = tpu.vector_load %arg10[%get3A_652, %get3A_653, %get3A_654] {strides = array<i32>} : memref<8x16x128xf32, #tpu.memory_space<vmem>>, vector<16xf32>,
      %mul3A_656 = arith.mulf %get3A_651, %get3A_655 : vector<16xf32>
      %add3A_657 = arith.addf %mul3A_637, %mul3A_656 : vector<16xf32>
      %get3A_658 = arith.index_cast %rem3A_240 : i32 to index
      %get3A_659 = arith.index_cast %add3A_619 : i32 to index
      %get3A_660 = arith.constant 64 : index
      %get3A_661 = tpu.vector_load %arg9[%get3A_658, %get3A_659, %get3A_660] {strides = array<i32>} : memref<8x16x128xf32, #tpu.memory_space<vmem>>, vector<16xf32>,
      %get3A_662 = arith.index_cast %rem3A_240 : i32 to index
      %get3A_663 = arith.index_cast %add3A_619 : i32 to index
      %get3A_664 = arith.constant 64 : index
      %get3A_665 = tpu.vector_load %arg10[%get3A_662, %get3A_663, %get3A_664] {strides = array<i32>} : memref<8x16x128xf32, #tpu.memory_space<vmem>>, vector<16xf32>,
      %mul3A_666 = arith.mulf %get3A_661, %get3A_665 : vector<16xf32>
      %add3A_667 = arith.addf %add3A_647, %mul3A_666 : vector<16xf32>
      %get3A_668 = arith.index_cast %rem3A_240 : i32 to index
      %get3A_669 = arith.index_cast %add3A_619 : i32 to index
      %get3A_670 = arith.constant 80 : index
      %get3A_671 = tpu.vector_load %arg9[%get3A_668, %get3A_669, %get3A_670] {strides = array<i32>} : memref<8x16x128xf32, #tpu.memory_space<vmem>>, vector<16xf32>,
      %get3A_672 = arith.index_cast %rem3A_240 : i32 to index
      %get3A_673 = arith.index_cast %add3A_619 : i32 to index
      %get3A_674 = arith.constant 80 : index
      %get3A_675 = tpu.vector_load %arg10[%get3A_672, %get3A_673, %get3A_674] {strides = array<i32>} : memref<8x16x128xf32, #tpu.memory_space<vmem>>, vector<16xf32>,
      %mul3A_676 = arith.mulf %get3A_671, %get3A_675 : vector<16xf32>
      %add3A_677 = arith.addf %add3A_657, %mul3A_676 : vector<16xf32>
      %get3A_678 = arith.index_cast %rem3A_240 : i32 to index
      %get3A_679 = arith.index_cast %add3A_619 : i32 to index
      %get3A_680 = arith.constant 96 : index
      %get3A_681 = tpu.vector_load %arg9[%get3A_678, %get3A_679, %get3A_680] {strides = array<i32>} : memref<8x16x128xf32, #tpu.memory_space<vmem>>, vector<16xf32>,
      %get3A_682 = arith.index_cast %rem3A_240 : i32 to index
      %get3A_683 = arith.index_cast %add3A_619 : i32 to index
      %get3A_684 = arith.constant 96 : index
      %get3A_685 = tpu.vector_load %arg10[%get3A_682, %get3A_683, %get3A_684] {strides = array<i32>} : memref<8x16x128xf32, #tpu.memory_space<vmem>>, vector<16xf32>,
      %mul3A_686 = arith.mulf %get3A_681, %get3A_685 : vector<16xf32>
      %add3A_687 = arith.addf %add3A_667, %mul3A_686 : vector<16xf32>
      %get3A_688 = arith.index_cast %rem3A_240 : i32 to index
      %get3A_689 = arith.index_cast %add3A_619 : i32 to index
      %get3A_690 = arith.constant 112 : index
      %get3A_691 = tpu.vector_load %arg9[%get3A_688, %get3A_689, %get3A_690] {strides = array<i32>} : memref<8x16x128xf32, #tpu.memory_space<vmem>>, vector<16xf32>,
      %get3A_692 = arith.index_cast %rem3A_240 : i32 to index
      %get3A_693 = arith.index_cast %add3A_619 : i32 to index
      %get3A_694 = arith.constant 112 : index
      %get3A_695 = tpu.vector_load %arg10[%get3A_692, %get3A_693, %get3A_694] {strides = array<i32>} : memref<8x16x128xf32, #tpu.memory_space<vmem>>, vector<16xf32>,
      %mul3A_696 = arith.mulf %get3A_691, %get3A_695 : vector<16xf32>
      %add3A_697 = arith.addf %add3A_677, %mul3A_696 : vector<16xf32>
      %add3A_698 = arith.addf %add3A_687, %add3A_697 : vector<16xf32>
      %swap3A_699 = arith.constant 4 : i32
      %swap3A_700 = arith.index_cast %swap3A_699 : i32 to index
      %swap3A_701 = arith.constant 0 : index
      %swap3A_702 = tpu.vector_load %arg11[%swap3A_700, %swap3A_701] {strides = array<i32>} : memref<16x16xf32, #tpu.memory_space<vmem>>, vector<16xf32>,
      tpu.vector_store %arg11[%swap3A_700, %swap3A_701], %add3A_698 {strides = array<i32>} : memref<16x16xf32, #tpu.memory_space<vmem>>, vector<16xf32>,
      %mul3A_703 = arith.constant 16 : i32
      %mul3A_704 = arith.muli %add3A_269, %mul3A_703 : i32
      %add3A_705 = arith.constant 5 : i32
      %add3A_706 = arith.addi %mul3A_704, %add3A_705 : i32
      %get3A_707 = arith.index_cast %rem3A_240 : i32 to index
      %get3A_708 = arith.index_cast %add3A_706 : i32 to index
      %get3A_709 = arith.constant 0 : index
      %get3A_710 = tpu.vector_load %arg9[%get3A_707, %get3A_708, %get3A_709] {strides = array<i32>} : memref<8x16x128xf32, #tpu.memory_space<vmem>>, vector<16xf32>,
      %get3A_711 = arith.index_cast %rem3A_240 : i32 to index
      %get3A_712 = arith.index_cast %add3A_706 : i32 to index
      %get3A_713 = arith.constant 0 : index
      %get3A_714 = tpu.vector_load %arg10[%get3A_711, %get3A_712, %get3A_713] {strides = array<i32>} : memref<8x16x128xf32, #tpu.memory_space<vmem>>, vector<16xf32>,
      %mul3A_715 = arith.mulf %get3A_710, %get3A_714 : vector<16xf32>
      %get3A_716 = arith.index_cast %rem3A_240 : i32 to index
      %get3A_717 = arith.index_cast %add3A_706 : i32 to index
      %get3A_718 = arith.constant 16 : index
      %get3A_719 = tpu.vector_load %arg9[%get3A_716, %get3A_717, %get3A_718] {strides = array<i32>} : memref<8x16x128xf32, #tpu.memory_space<vmem>>, vector<16xf32>,
      %get3A_720 = arith.index_cast %rem3A_240 : i32 to index
      %get3A_721 = arith.index_cast %add3A_706 : i32 to index
      %get3A_722 = arith.constant 16 : index
      %get3A_723 = tpu.vector_load %arg10[%get3A_720, %get3A_721, %get3A_722] {strides = array<i32>} : memref<8x16x128xf32, #tpu.memory_space<vmem>>, vector<16xf32>,
      %mul3A_724 = arith.mulf %get3A_719, %get3A_723 : vector<16xf32>
      %get3A_725 = arith.index_cast %rem3A_240 : i32 to index
      %get3A_726 = arith.index_cast %add3A_706 : i32 to index
      %get3A_727 = arith.constant 32 : index
      %get3A_728 = tpu.vector_load %arg9[%get3A_725, %get3A_726, %get3A_727] {strides = array<i32>} : memref<8x16x128xf32, #tpu.memory_space<vmem>>, vector<16xf32>,
      %get3A_729 = arith.index_cast %rem3A_240 : i32 to index
      %get3A_730 = arith.index_cast %add3A_706 : i32 to index
      %get3A_731 = arith.constant 32 : index
      %get3A_732 = tpu.vector_load %arg10[%get3A_729, %get3A_730, %get3A_731] {strides = array<i32>} : memref<8x16x128xf32, #tpu.memory_space<vmem>>, vector<16xf32>,
      %mul3A_733 = arith.mulf %get3A_728, %get3A_732 : vector<16xf32>
      %add3A_734 = arith.addf %mul3A_715, %mul3A_733 : vector<16xf32>
      %get3A_735 = arith.index_cast %rem3A_240 : i32 to index
      %get3A_736 = arith.index_cast %add3A_706 : i32 to index
      %get3A_737 = arith.constant 48 : index
      %get3A_738 = tpu.vector_load %arg9[%get3A_735, %get3A_736, %get3A_737] {strides = array<i32>} : memref<8x16x128xf32, #tpu.memory_space<vmem>>, vector<16xf32>,
      %get3A_739 = arith.index_cast %rem3A_240 : i32 to index
      %get3A_740 = arith.index_cast %add3A_706 : i32 to index
      %get3A_741 = arith.constant 48 : index
      %get3A_742 = tpu.vector_load %arg10[%get3A_739, %get3A_740, %get3A_741] {strides = array<i32>} : memref<8x16x128xf32, #tpu.memory_space<vmem>>, vector<16xf32>,
      %mul3A_743 = arith.mulf %get3A_738, %get3A_742 : vector<16xf32>
      %add3A_744 = arith.addf %mul3A_724, %mul3A_743 : vector<16xf32>
      %get3A_745 = arith.index_cast %rem3A_240 : i32 to index
      %get3A_746 = arith.index_cast %add3A_706 : i32 to index
      %get3A_747 = arith.constant 64 : index
      %get3A_748 = tpu.vector_load %arg9[%get3A_745, %get3A_746, %get3A_747] {strides = array<i32>} : memref<8x16x128xf32, #tpu.memory_space<vmem>>, vector<16xf32>,
      %get3A_749 = arith.index_cast %rem3A_240 : i32 to index
      %get3A_750 = arith.index_cast %add3A_706 : i32 to index
      %get3A_751 = arith.constant 64 : index
      %get3A_752 = tpu.vector_load %arg10[%get3A_749, %get3A_750, %get3A_751] {strides = array<i32>} : memref<8x16x128xf32, #tpu.memory_space<vmem>>, vector<16xf32>,
      %mul3A_753 = arith.mulf %get3A_748, %get3A_752 : vector<16xf32>
      %add3A_754 = arith.addf %add3A_734, %mul3A_753 : vector<16xf32>
      %get3A_755 = arith.index_cast %rem3A_240 : i32 to index
      %get3A_756 = arith.index_cast %add3A_706 : i32 to index
      %get3A_757 = arith.constant 80 : index
      %get3A_758 = tpu.vector_load %arg9[%get3A_755, %get3A_756, %get3A_757] {strides = array<i32>} : memref<8x16x128xf32, #tpu.memory_space<vmem>>, vector<16xf32>,
      %get3A_759 = arith.index_cast %rem3A_240 : i32 to index
      %get3A_760 = arith.index_cast %add3A_706 : i32 to index
      %get3A_761 = arith.constant 80 : index
      %get3A_762 = tpu.vector_load %arg10[%get3A_759, %get3A_760, %get3A_761] {strides = array<i32>} : memref<8x16x128xf32, #tpu.memory_space<vmem>>, vector<16xf32>,
      %mul3A_763 = arith.mulf %get3A_758, %get3A_762 : vector<16xf32>
      %add3A_764 = arith.addf %add3A_744, %mul3A_763 : vector<16xf32>
      %get3A_765 = arith.index_cast %rem3A_240 : i32 to index
      %get3A_766 = arith.index_cast %add3A_706 : i32 to index
      %get3A_767 = arith.constant 96 : index
      %get3A_768 = tpu.vector_load %arg9[%get3A_765, %get3A_766, %get3A_767] {strides = array<i32>} : memref<8x16x128xf32, #tpu.memory_space<vmem>>, vector<16xf32>,
      %get3A_769 = arith.index_cast %rem3A_240 : i32 to index
      %get3A_770 = arith.index_cast %add3A_706 : i32 to index
      %get3A_771 = arith.constant 96 : index
      %get3A_772 = tpu.vector_load %arg10[%get3A_769, %get3A_770, %get3A_771] {strides = array<i32>} : memref<8x16x128xf32, #tpu.memory_space<vmem>>, vector<16xf32>,
      %mul3A_773 = arith.mulf %get3A_768, %get3A_772 : vector<16xf32>
      %add3A_774 = arith.addf %add3A_754, %mul3A_773 : vector<16xf32>
      %get3A_775 = arith.index_cast %rem3A_240 : i32 to index
      %get3A_776 = arith.index_cast %add3A_706 : i32 to index
      %get3A_777 = arith.constant 112 : index
      %get3A_778 = tpu.vector_load %arg9[%get3A_775, %get3A_776, %get3A_777] {strides = array<i32>} : memref<8x16x128xf32, #tpu.memory_space<vmem>>, vector<16xf32>,
      %get3A_779 = arith.index_cast %rem3A_240 : i32 to index
      %get3A_780 = arith.index_cast %add3A_706 : i32 to index
      %get3A_781 = arith.constant 112 : index
      %get3A_782 = tpu.vector_load %arg10[%get3A_779, %get3A_780, %get3A_781] {strides = array<i32>} : memref<8x16x128xf32, #tpu.memory_space<vmem>>, vector<16xf32>,
      %mul3A_783 = arith.mulf %get3A_778, %get3A_782 : vector<16xf32>
      %add3A_784 = arith.addf %add3A_764, %mul3A_783 : vector<16xf32>
      %add3A_785 = arith.addf %add3A_774, %add3A_784 : vector<16xf32>
      %swap3A_786 = arith.constant 5 : i32
      %swap3A_787 = arith.index_cast %swap3A_786 : i32 to index
      %swap3A_788 = arith.constant 0 : index
      %swap3A_789 = tpu.vector_load %arg11[%swap3A_787, %swap3A_788] {strides = array<i32>} : memref<16x16xf32, #tpu.memory_space<vmem>>, vector<16xf32>,
      tpu.vector_store %arg11[%swap3A_787, %swap3A_788], %add3A_785 {strides = array<i32>} : memref<16x16xf32, #tpu.memory_space<vmem>>, vector<16xf32>,
      %mul3A_790 = arith.constant 16 : i32
      %mul3A_791 = arith.muli %add3A_269, %mul3A_790 : i32
      %add3A_792 = arith.constant 6 : i32
      %add3A_793 = arith.addi %mul3A_791, %add3A_792 : i32
      %get3A_794 = arith.index_cast %rem3A_240 : i32 to index
      %get3A_795 = arith.index_cast %add3A_793 : i32 to index
      %get3A_796 = arith.constant 0 : index
      %get3A_797 = tpu.vector_load %arg9[%get3A_794, %get3A_795, %get3A_796] {strides = array<i32>} : memref<8x16x128xf32, #tpu.memory_space<vmem>>, vector<16xf32>,
      %get3A_798 = arith.index_cast %rem3A_240 : i32 to index
      %get3A_799 = arith.index_cast %add3A_793 : i32 to index
      %get3A_800 = arith.constant 0 : index
      %get3A_801 = tpu.vector_load %arg10[%get3A_798, %get3A_799, %get3A_800] {strides = array<i32>} : memref<8x16x128xf32, #tpu.memory_space<vmem>>, vector<16xf32>,
      %mul3A_802 = arith.mulf %get3A_797, %get3A_801 : vector<16xf32>
      %get3A_803 = arith.index_cast %rem3A_240 : i32 to index
      %get3A_804 = arith.index_cast %add3A_793 : i32 to index
      %get3A_805 = arith.constant 16 : index
      %get3A_806 = tpu.vector_load %arg9[%get3A_803, %get3A_804, %get3A_805] {strides = array<i32>} : memref<8x16x128xf32, #tpu.memory_space<vmem>>, vector<16xf32>,
      %get3A_807 = arith.index_cast %rem3A_240 : i32 to index
      %get3A_808 = arith.index_cast %add3A_793 : i32 to index
      %get3A_809 = arith.constant 16 : index
      %get3A_810 = tpu.vector_load %arg10[%get3A_807, %get3A_808, %get3A_809] {strides = array<i32>} : memref<8x16x128xf32, #tpu.memory_space<vmem>>, vector<16xf32>,
      %mul3A_811 = arith.mulf %get3A_806, %get3A_810 : vector<16xf32>
      %get3A_812 = arith.index_cast %rem3A_240 : i32 to index
      %get3A_813 = arith.index_cast %add3A_793 : i32 to index
      %get3A_814 = arith.constant 32 : index
      %get3A_815 = tpu.vector_load %arg9[%get3A_812, %get3A_813, %get3A_814] {strides = array<i32>} : memref<8x16x128xf32, #tpu.memory_space<vmem>>, vector<16xf32>,
      %get3A_816 = arith.index_cast %rem3A_240 : i32 to index
      %get3A_817 = arith.index_cast %add3A_793 : i32 to index
      %get3A_818 = arith.constant 32 : index
      %get3A_819 = tpu.vector_load %arg10[%get3A_816, %get3A_817, %get3A_818] {strides = array<i32>} : memref<8x16x128xf32, #tpu.memory_space<vmem>>, vector<16xf32>,
      %mul3A_820 = arith.mulf %get3A_815, %get3A_819 : vector<16xf32>
      %add3A_821 = arith.addf %mul3A_802, %mul3A_820 : vector<16xf32>
      %get3A_822 = arith.index_cast %rem3A_240 : i32 to index
      %get3A_823 = arith.index_cast %add3A_793 : i32 to index
      %get3A_824 = arith.constant 48 : index
      %get3A_825 = tpu.vector_load %arg9[%get3A_822, %get3A_823, %get3A_824] {strides = array<i32>} : memref<8x16x128xf32, #tpu.memory_space<vmem>>, vector<16xf32>,
      %get3A_826 = arith.index_cast %rem3A_240 : i32 to index
      %get3A_827 = arith.index_cast %add3A_793 : i32 to index
      %get3A_828 = arith.constant 48 : index
      %get3A_829 = tpu.vector_load %arg10[%get3A_826, %get3A_827, %get3A_828] {strides = array<i32>} : memref<8x16x128xf32, #tpu.memory_space<vmem>>, vector<16xf32>,
      %mul3A_830 = arith.mulf %get3A_825, %get3A_829 : vector<16xf32>
      %add3A_831 = arith.addf %mul3A_811, %mul3A_830 : vector<16xf32>
      %get3A_832 = arith.index_cast %rem3A_240 : i32 to index
      %get3A_833 = arith.index_cast %add3A_793 : i32 to index
      %get3A_834 = arith.constant 64 : index
      %get3A_835 = tpu.vector_load %arg9[%get3A_832, %get3A_833, %get3A_834] {strides = array<i32>} : memref<8x16x128xf32, #tpu.memory_space<vmem>>, vector<16xf32>,
      %get3A_836 = arith.index_cast %rem3A_240 : i32 to index
      %get3A_837 = arith.index_cast %add3A_793 : i32 to index
      %get3A_838 = arith.constant 64 : index
      %get3A_839 = tpu.vector_load %arg10[%get3A_836, %get3A_837, %get3A_838] {strides = array<i32>} : memref<8x16x128xf32, #tpu.memory_space<vmem>>, vector<16xf32>,
      %mul3A_840 = arith.mulf %get3A_835, %get3A_839 : vector<16xf32>
      %add3A_841 = arith.addf %add3A_821, %mul3A_840 : vector<16xf32>
      %get3A_842 = arith.index_cast %rem3A_240 : i32 to index
      %get3A_843 = arith.index_cast %add3A_793 : i32 to index
      %get3A_844 = arith.constant 80 : index
      %get3A_845 = tpu.vector_load %arg9[%get3A_842, %get3A_843, %get3A_844] {strides = array<i32>} : memref<8x16x128xf32, #tpu.memory_space<vmem>>, vector<16xf32>,
      %get3A_846 = arith.index_cast %rem3A_240 : i32 to index
      %get3A_847 = arith.index_cast %add3A_793 : i32 to index
      %get3A_848 = arith.constant 80 : index
      %get3A_849 = tpu.vector_load %arg10[%get3A_846, %get3A_847, %get3A_848] {strides = array<i32>} : memref<8x16x128xf32, #tpu.memory_space<vmem>>, vector<16xf32>,
      %mul3A_850 = arith.mulf %get3A_845, %get3A_849 : vector<16xf32>
      %add3A_851 = arith.addf %add3A_831, %mul3A_850 : vector<16xf32>
      %get3A_852 = arith.index_cast %rem3A_240 : i32 to index
      %get3A_853 = arith.index_cast %add3A_793 : i32 to index
      %get3A_854 = arith.constant 96 : index
      %get3A_855 = tpu.vector_load %arg9[%get3A_852, %get3A_853, %get3A_854] {strides = array<i32>} : memref<8x16x128xf32, #tpu.memory_space<vmem>>, vector<16xf32>,
      %get3A_856 = arith.index_cast %rem3A_240 : i32 to index
      %get3A_857 = arith.index_cast %add3A_793 : i32 to index
      %get3A_858 = arith.constant 96 : index
      %get3A_859 = tpu.vector_load %arg10[%get3A_856, %get3A_857, %get3A_858] {strides = array<i32>} : memref<8x16x128xf32, #tpu.memory_space<vmem>>, vector<16xf32>,
      %mul3A_860 = arith.mulf %get3A_855, %get3A_859 : vector<16xf32>
      %add3A_861 = arith.addf %add3A_841, %mul3A_860 : vector<16xf32>
      %get3A_862 = arith.index_cast %rem3A_240 : i32 to index
      %get3A_863 = arith.index_cast %add3A_793 : i32 to index
      %get3A_864 = arith.constant 112 : index
      %get3A_865 = tpu.vector_load %arg9[%get3A_862, %get3A_863, %get3A_864] {strides = array<i32>} : memref<8x16x128xf32, #tpu.memory_space<vmem>>, vector<16xf32>,
      %get3A_866 = arith.index_cast %rem3A_240 : i32 to index
      %get3A_867 = arith.index_cast %add3A_793 : i32 to index
      %get3A_868 = arith.constant 112 : index
      %get3A_869 = tpu.vector_load %arg10[%get3A_866, %get3A_867, %get3A_868] {strides = array<i32>} : memref<8x16x128xf32, #tpu.memory_space<vmem>>, vector<16xf32>,
      %mul3A_870 = arith.mulf %get3A_865, %get3A_869 : vector<16xf32>
      %add3A_871 = arith.addf %add3A_851, %mul3A_870 : vector<16xf32>
      %add3A_872 = arith.addf %add3A_861, %add3A_871 : vector<16xf32>
      %swap3A_873 = arith.constant 6 : i32
      %swap3A_874 = arith.index_cast %swap3A_873 : i32 to index
      %swap3A_875 = arith.constant 0 : index
      %swap3A_876 = tpu.vector_load %arg11[%swap3A_874, %swap3A_875] {strides = array<i32>} : memref<16x16xf32, #tpu.memory_space<vmem>>, vector<16xf32>,
      tpu.vector_store %arg11[%swap3A_874, %swap3A_875], %add3A_872 {strides = array<i32>} : memref<16x16xf32, #tpu.memory_space<vmem>>, vector<16xf32>,
      %mul3A_877 = arith.constant 16 : i32
      %mul3A_878 = arith.muli %add3A_269, %mul3A_877 : i32
      %add3A_879 = arith.constant 7 : i32
      %add3A_880 = arith.addi %mul3A_878, %add3A_879 : i32
      %get3A_881 = arith.index_cast %rem3A_240 : i32 to index
      %get3A_882 = arith.index_cast %add3A_880 : i32 to index
      %get3A_883 = arith.constant 0 : index
      %get3A_884 = tpu.vector_load %arg9[%get3A_881, %get3A_882, %get3A_883] {strides = array<i32>} : memref<8x16x128xf32, #tpu.memory_space<vmem>>, vector<16xf32>,
      %get3A_885 = arith.index_cast %rem3A_240 : i32 to index
      %get3A_886 = arith.index_cast %add3A_880 : i32 to index
      %get3A_887 = arith.constant 0 : index
      %get3A_888 = tpu.vector_load %arg10[%get3A_885, %get3A_886, %get3A_887] {strides = array<i32>} : memref<8x16x128xf32, #tpu.memory_space<vmem>>, vector<16xf32>,
      %mul3A_889 = arith.mulf %get3A_884, %get3A_888 : vector<16xf32>
      %get3A_890 = arith.index_cast %rem3A_240 : i32 to index
      %get3A_891 = arith.index_cast %add3A_880 : i32 to index
      %get3A_892 = arith.constant 16 : index
      %get3A_893 = tpu.vector_load %arg9[%get3A_890, %get3A_891, %get3A_892] {strides = array<i32>} : memref<8x16x128xf32, #tpu.memory_space<vmem>>, vector<16xf32>,
      %get3A_894 = arith.index_cast %rem3A_240 : i32 to index
      %get3A_895 = arith.index_cast %add3A_880 : i32 to index
      %get3A_896 = arith.constant 16 : index
      %get3A_897 = tpu.vector_load %arg10[%get3A_894, %get3A_895, %get3A_896] {strides = array<i32>} : memref<8x16x128xf32, #tpu.memory_space<vmem>>, vector<16xf32>,
      %mul3A_898 = arith.mulf %get3A_893, %get3A_897 : vector<16xf32>
      %get3A_899 = arith.index_cast %rem3A_240 : i32 to index
      %get3A_900 = arith.index_cast %add3A_880 : i32 to index
      %get3A_901 = arith.constant 32 : index
      %get3A_902 = tpu.vector_load %arg9[%get3A_899, %get3A_900, %get3A_901] {strides = array<i32>} : memref<8x16x128xf32, #tpu.memory_space<vmem>>, vector<16xf32>,
      %get3A_903 = arith.index_cast %rem3A_240 : i32 to index
      %get3A_904 = arith.index_cast %add3A_880 : i32 to index
      %get3A_905 = arith.constant 32 : index
      %get3A_906 = tpu.vector_load %arg10[%get3A_903, %get3A_904, %get3A_905] {strides = array<i32>} : memref<8x16x128xf32, #tpu.memory_space<vmem>>, vector<16xf32>,
      %mul3A_907 = arith.mulf %get3A_902, %get3A_906 : vector<16xf32>
      %add3A_908 = arith.addf %mul3A_889, %mul3A_907 : vector<16xf32>
      %get3A_909 = arith.index_cast %rem3A_240 : i32 to index
      %get3A_910 = arith.index_cast %add3A_880 : i32 to index
      %get3A_911 = arith.constant 48 : index
      %get3A_912 = tpu.vector_load %arg9[%get3A_909, %get3A_910, %get3A_911] {strides = array<i32>} : memref<8x16x128xf32, #tpu.memory_space<vmem>>, vector<16xf32>,
      %get3A_913 = arith.index_cast %rem3A_240 : i32 to index
      %get3A_914 = arith.index_cast %add3A_880 : i32 to index
      %get3A_915 = arith.constant 48 : index
      %get3A_916 = tpu.vector_load %arg10[%get3A_913, %get3A_914, %get3A_915] {strides = array<i32>} : memref<8x16x128xf32, #tpu.memory_space<vmem>>, vector<16xf32>,
      %mul3A_917 = arith.mulf %get3A_912, %get3A_916 : vector<16xf32>
      %add3A_918 = arith.addf %mul3A_898, %mul3A_917 : vector<16xf32>
      %get3A_919 = arith.index_cast %rem3A_240 : i32 to index
      %get3A_920 = arith.index_cast %add3A_880 : i32 to index
      %get3A_921 = arith.constant 64 : index
      %get3A_922 = tpu.vector_load %arg9[%get3A_919, %get3A_920, %get3A_921] {strides = array<i32>} : memref<8x16x128xf32, #tpu.memory_space<vmem>>, vector<16xf32>,
      %get3A_923 = arith.index_cast %rem3A_240 : i32 to index
      %get3A_924 = arith.index_cast %add3A_880 : i32 to index
      %get3A_925 = arith.constant 64 : index
      %get3A_926 = tpu.vector_load %arg10[%get3A_923, %get3A_924, %get3A_925] {strides = array<i32>} : memref<8x16x128xf32, #tpu.memory_space<vmem>>, vector<16xf32>,
      %mul3A_927 = arith.mulf %get3A_922, %get3A_926 : vector<16xf32>
      %add3A_928 = arith.addf %add3A_908, %mul3A_927 : vector<16xf32>
      %get3A_929 = arith.index_cast %rem3A_240 : i32 to index
      %get3A_930 = arith.index_cast %add3A_880 : i32 to index
      %get3A_931 = arith.constant 80 : index
      %get3A_932 = tpu.vector_load %arg9[%get3A_929, %get3A_930, %get3A_931] {strides = array<i32>} : memref<8x16x128xf32, #tpu.memory_space<vmem>>, vector<16xf32>,
      %get3A_933 = arith.index_cast %rem3A_240 : i32 to index
      %get3A_934 = arith.index_cast %add3A_880 : i32 to index
      %get3A_935 = arith.constant 80 : index
      %get3A_936 = tpu.vector_load %arg10[%get3A_933, %get3A_934, %get3A_935] {strides = array<i32>} : memref<8x16x128xf32, #tpu.memory_space<vmem>>, vector<16xf32>,
      %mul3A_937 = arith.mulf %get3A_932, %get3A_936 : vector<16xf32>
      %add3A_938 = arith.addf %add3A_918, %mul3A_937 : vector<16xf32>
      %get3A_939 = arith.index_cast %rem3A_240 : i32 to index
      %get3A_940 = arith.index_cast %add3A_880 : i32 to index
      %get3A_941 = arith.constant 96 : index
      %get3A_942 = tpu.vector_load %arg9[%get3A_939, %get3A_940, %get3A_941] {strides = array<i32>} : memref<8x16x128xf32, #tpu.memory_space<vmem>>, vector<16xf32>,
      %get3A_943 = arith.index_cast %rem3A_240 : i32 to index
      %get3A_944 = arith.index_cast %add3A_880 : i32 to index
      %get3A_945 = arith.constant 96 : index
      %get3A_946 = tpu.vector_load %arg10[%get3A_943, %get3A_944, %get3A_945] {strides = array<i32>} : memref<8x16x128xf32, #tpu.memory_space<vmem>>, vector<16xf32>,
      %mul3A_947 = arith.mulf %get3A_942, %get3A_946 : vector<16xf32>
      %add3A_948 = arith.addf %add3A_928, %mul3A_947 : vector<16xf32>
      %get3A_949 = arith.index_cast %rem3A_240 : i32 to index
      %get3A_950 = arith.index_cast %add3A_880 : i32 to index
      %get3A_951 = arith.constant 112 : index
      %get3A_952 = tpu.vector_load %arg9[%get3A_949, %get3A_950, %get3A_951] {strides = array<i32>} : memref<8x16x128xf32, #tpu.memory_space<vmem>>, vector<16xf32>,
      %get3A_953 = arith.index_cast %rem3A_240 : i32 to index
      %get3A_954 = arith.index_cast %add3A_880 : i32 to index
      %get3A_955 = arith.constant 112 : index
      %get3A_956 = tpu.vector_load %arg10[%get3A_953, %get3A_954, %get3A_955] {strides = array<i32>} : memref<8x16x128xf32, #tpu.memory_space<vmem>>, vector<16xf32>,
      %mul3A_957 = arith.mulf %get3A_952, %get3A_956 : vector<16xf32>
      %add3A_958 = arith.addf %add3A_938, %mul3A_957 : vector<16xf32>
      %add3A_959 = arith.addf %add3A_948, %add3A_958 : vector<16xf32>
      %swap3A_960 = arith.constant 7 : i32
      %swap3A_961 = arith.index_cast %swap3A_960 : i32 to index
      %swap3A_962 = arith.constant 0 : index
      %swap3A_963 = tpu.vector_load %arg11[%swap3A_961, %swap3A_962] {strides = array<i32>} : memref<16x16xf32, #tpu.memory_space<vmem>>, vector<16xf32>,
      tpu.vector_store %arg11[%swap3A_961, %swap3A_962], %add3A_959 {strides = array<i32>} : memref<16x16xf32, #tpu.memory_space<vmem>>, vector<16xf32>,
      %mul3A_964 = arith.constant 16 : i32
      %mul3A_965 = arith.muli %add3A_269, %mul3A_964 : i32
      %add3A_966 = arith.constant 8 : i32
      %add3A_967 = arith.addi %mul3A_965, %add3A_966 : i32
      %get3A_968 = arith.index_cast %rem3A_240 : i32 to index
      %get3A_969 = arith.index_cast %add3A_967 : i32 to index
      %get3A_970 = arith.constant 0 : index
      %get3A_971 = tpu.vector_load %arg9[%get3A_968, %get3A_969, %get3A_970] {strides = array<i32>} : memref<8x16x128xf32, #tpu.memory_space<vmem>>, vector<16xf32>,
      %get3A_972 = arith.index_cast %rem3A_240 : i32 to index
      %get3A_973 = arith.index_cast %add3A_967 : i32 to index
      %get3A_974 = arith.constant 0 : index
      %get3A_975 = tpu.vector_load %arg10[%get3A_972, %get3A_973, %get3A_974] {strides = array<i32>} : memref<8x16x128xf32, #tpu.memory_space<vmem>>, vector<16xf32>,
      %mul3A_976 = arith.mulf %get3A_971, %get3A_975 : vector<16xf32>
      %get3A_977 = arith.index_cast %rem3A_240 : i32 to index
      %get3A_978 = arith.index_cast %add3A_967 : i32 to index
      %get3A_979 = arith.constant 16 : index
      %get3A_980 = tpu.vector_load %arg9[%get3A_977, %get3A_978, %get3A_979] {strides = array<i32>} : memref<8x16x128xf32, #tpu.memory_space<vmem>>, vector<16xf32>,
      %get3A_981 = arith.index_cast %rem3A_240 : i32 to index
      %get3A_982 = arith.index_cast %add3A_967 : i32 to index
      %get3A_983 = arith.constant 16 : index
      %get3A_984 = tpu.vector_load %arg10[%get3A_981, %get3A_982, %get3A_983] {strides = array<i32>} : memref<8x16x128xf32, #tpu.memory_space<vmem>>, vector<16xf32>,
      %mul3A_985 = arith.mulf %get3A_980, %get3A_984 : vector<16xf32>
      %get3A_986 = arith.index_cast %rem3A_240 : i32 to index
      %get3A_987 = arith.index_cast %add3A_967 : i32 to index
      %get3A_988 = arith.constant 32 : index
      %get3A_989 = tpu.vector_load %arg9[%get3A_986, %get3A_987, %get3A_988] {strides = array<i32>} : memref<8x16x128xf32, #tpu.memory_space<vmem>>, vector<16xf32>,
      %get3A_990 = arith.index_cast %rem3A_240 : i32 to index
      %get3A_991 = arith.index_cast %add3A_967 : i32 to index
      %get3A_992 = arith.constant 32 : index
      %get3A_993 = tpu.vector_load %arg10[%get3A_990, %get3A_991, %get3A_992] {strides = array<i32>} : memref<8x16x128xf32, #tpu.memory_space<vmem>>, vector<16xf32>,
      %mul3A_994 = arith.mulf %get3A_989, %get3A_993 : vector<16xf32>
      %add3A_995 = arith.addf %mul3A_976, %mul3A_994 : vector<16xf32>
      %get3A_996 = arith.index_cast %rem3A_240 : i32 to index
      %get3A_997 = arith.index_cast %add3A_967 : i32 to index
      %get3A_998 = arith.constant 48 : index
      %get3A_999 = tpu.vector_load %arg9[%get3A_996, %get3A_997, %get3A_998] {strides = array<i32>} : memref<8x16x128xf32, #tpu.memory_space<vmem>>, vector<16xf32>,
      %get3A_1000 = arith.index_cast %rem3A_240 : i32 to index
      %get3A_1001 = arith.index_cast %add3A_967 : i32 to index
      %get3A_1002 = arith.constant 48 : index
      %get3A_1003 = tpu.vector_load %arg10[%get3A_1000, %get3A_1001, %get3A_1002] {strides = array<i32>} : memref<8x16x128xf32, #tpu.memory_space<vmem>>, vector<16xf32>,
      %mul3A_1004 = arith.mulf %get3A_999, %get3A_1003 : vector<16xf32>
      %add3A_1005 = arith.addf %mul3A_985, %mul3A_1004 : vector<16xf32>
      %get3A_1006 = arith.index_cast %rem3A_240 : i32 to index
      %get3A_1007 = arith.index_cast %add3A_967 : i32 to index
      %get3A_1008 = arith.constant 64 : index
      %get3A_1009 = tpu.vector_load %arg9[%get3A_1006, %get3A_1007, %get3A_1008] {strides = array<i32>} : memref<8x16x128xf32, #tpu.memory_space<vmem>>, vector<16xf32>,
      %get3A_1010 = arith.index_cast %rem3A_240 : i32 to index
      %get3A_1011 = arith.index_cast %add3A_967 : i32 to index
      %get3A_1012 = arith.constant 64 : index
      %get3A_1013 = tpu.vector_load %arg10[%get3A_1010, %get3A_1011, %get3A_1012] {strides = array<i32>} : memref<8x16x128xf32, #tpu.memory_space<vmem>>, vector<16xf32>,
      %mul3A_1014 = arith.mulf %get3A_1009, %get3A_1013 : vector<16xf32>
      %add3A_1015 = arith.addf %add3A_995, %mul3A_1014 : vector<16xf32>
      %get3A_1016 = arith.index_cast %rem3A_240 : i32 to index
      %get3A_1017 = arith.index_cast %add3A_967 : i32 to index
      %get3A_1018 = arith.constant 80 : index
      %get3A_1019 = tpu.vector_load %arg9[%get3A_1016, %get3A_1017, %get3A_1018] {strides = array<i32>} : memref<8x16x128xf32, #tpu.memory_space<vmem>>, vector<16xf32>,
      %get3A_1020 = arith.index_cast %rem3A_240 : i32 to index
      %get3A_1021 = arith.index_cast %add3A_967 : i32 to index
      %get3A_1022 = arith.constant 80 : index
      %get3A_1023 = tpu.vector_load %arg10[%get3A_1020, %get3A_1021, %get3A_1022] {strides = array<i32>} : memref<8x16x128xf32, #tpu.memory_space<vmem>>, vector<16xf32>,
      %mul3A_1024 = arith.mulf %get3A_1019, %get3A_1023 : vector<16xf32>
      %add3A_1025 = arith.addf %add3A_1005, %mul3A_1024 : vector<16xf32>
      %get3A_1026 = arith.index_cast %rem3A_240 : i32 to index
      %get3A_1027 = arith.index_cast %add3A_967 : i32 to index
      %get3A_1028 = arith.constant 96 : index
      %get3A_1029 = tpu.vector_load %arg9[%get3A_1026, %get3A_1027, %get3A_1028] {strides = array<i32>} : memref<8x16x128xf32, #tpu.memory_space<vmem>>, vector<16xf32>,
      %get3A_1030 = arith.index_cast %rem3A_240 : i32 to index
      %get3A_1031 = arith.index_cast %add3A_967 : i32 to index
      %get3A_1032 = arith.constant 96 : index
      %get3A_1033 = tpu.vector_load %arg10[%get3A_1030, %get3A_1031, %get3A_1032] {strides = array<i32>} : memref<8x16x128xf32, #tpu.memory_space<vmem>>, vector<16xf32>,
      %mul3A_1034 = arith.mulf %get3A_1029, %get3A_1033 : vector<16xf32>
      %add3A_1035 = arith.addf %add3A_1015, %mul3A_1034 : vector<16xf32>
      %get3A_1036 = arith.index_cast %rem3A_240 : i32 to index
      %get3A_1037 = arith.index_cast %add3A_967 : i32 to index
      %get3A_1038 = arith.constant 112 : index
      %get3A_1039 = tpu.vector_load %arg9[%get3A_1036, %get3A_1037, %get3A_1038] {strides = array<i32>} : memref<8x16x128xf32, #tpu.memory_space<vmem>>, vector<16xf32>,
      %get3A_1040 = arith.index_cast %rem3A_240 : i32 to index
      %get3A_1041 = arith.index_cast %add3A_967 : i32 to index
      %get3A_1042 = arith.constant 112 : index
      %get3A_1043 = tpu.vector_load %arg10[%get3A_1040, %get3A_1041, %get3A_1042] {strides = array<i32>} : memref<8x16x128xf32, #tpu.memory_space<vmem>>, vector<16xf32>,
      %mul3A_1044 = arith.mulf %get3A_1039, %get3A_1043 : vector<16xf32>
      %add3A_1045 = arith.addf %add3A_1025, %mul3A_1044 : vector<16xf32>
      %add3A_1046 = arith.addf %add3A_1035, %add3A_1045 : vector<16xf32>
      %swap3A_1047 = arith.constant 8 : i32
      %swap3A_1048 = arith.index_cast %swap3A_1047 : i32 to index
      %swap3A_1049 = arith.constant 0 : index
      %swap3A_1050 = tpu.vector_load %arg11[%swap3A_1048, %swap3A_1049] {strides = array<i32>} : memref<16x16xf32, #tpu.memory_space<vmem>>, vector<16xf32>,
      tpu.vector_store %arg11[%swap3A_1048, %swap3A_1049], %add3A_1046 {strides = array<i32>} : memref<16x16xf32, #tpu.memory_space<vmem>>, vector<16xf32>,
      %mul3A_1051 = arith.constant 16 : i32
      %mul3A_1052 = arith.muli %add3A_269, %mul3A_1051 : i32
      %add3A_1053 = arith.constant 9 : i32
      %add3A_1054 = arith.addi %mul3A_1052, %add3A_1053 : i32
      %get3A_1055 = arith.index_cast %rem3A_240 : i32 to index
      %get3A_1056 = arith.index_cast %add3A_1054 : i32 to index
      %get3A_1057 = arith.constant 0 : index
      %get3A_1058 = tpu.vector_load %arg9[%get3A_1055, %get3A_1056, %get3A_1057] {strides = array<i32>} : memref<8x16x128xf32, #tpu.memory_space<vmem>>, vector<16xf32>,
      %get3A_1059 = arith.index_cast %rem3A_240 : i32 to index
      %get3A_1060 = arith.index_cast %add3A_1054 : i32 to index
      %get3A_1061 = arith.constant 0 : index
      %get3A_1062 = tpu.vector_load %arg10[%get3A_1059, %get3A_1060, %get3A_1061] {strides = array<i32>} : memref<8x16x128xf32, #tpu.memory_space<vmem>>, vector<16xf32>,
      %mul3A_1063 = arith.mulf %get3A_1058, %get3A_1062 : vector<16xf32>
      %get3A_1064 = arith.index_cast %rem3A_240 : i32 to index
      %get3A_1065 = arith.index_cast %add3A_1054 : i32 to index
      %get3A_1066 = arith.constant 16 : index
      %get3A_1067 = tpu.vector_load %arg9[%get3A_1064, %get3A_1065, %get3A_1066] {strides = array<i32>} : memref<8x16x128xf32, #tpu.memory_space<vmem>>, vector<16xf32>,
      %get3A_1068 = arith.index_cast %rem3A_240 : i32 to index
      %get3A_1069 = arith.index_cast %add3A_1054 : i32 to index
      %get3A_1070 = arith.constant 16 : index
      %get3A_1071 = tpu.vector_load %arg10[%get3A_1068, %get3A_1069, %get3A_1070] {strides = array<i32>} : memref<8x16x128xf32, #tpu.memory_space<vmem>>, vector<16xf32>,
      %mul3A_1072 = arith.mulf %get3A_1067, %get3A_1071 : vector<16xf32>
      %get3A_1073 = arith.index_cast %rem3A_240 : i32 to index
      %get3A_1074 = arith.index_cast %add3A_1054 : i32 to index
      %get3A_1075 = arith.constant 32 : index
      %get3A_1076 = tpu.vector_load %arg9[%get3A_1073, %get3A_1074, %get3A_1075] {strides = array<i32>} : memref<8x16x128xf32, #tpu.memory_space<vmem>>, vector<16xf32>,
      %get3A_1077 = arith.index_cast %rem3A_240 : i32 to index
      %get3A_1078 = arith.index_cast %add3A_1054 : i32 to index
      %get3A_1079 = arith.constant 32 : index
      %get3A_1080 = tpu.vector_load %arg10[%get3A_1077, %get3A_1078, %get3A_1079] {strides = array<i32>} : memref<8x16x128xf32, #tpu.memory_space<vmem>>, vector<16xf32>,
      %mul3A_1081 = arith.mulf %get3A_1076, %get3A_1080 : vector<16xf32>
      %add3A_1082 = arith.addf %mul3A_1063, %mul3A_1081 : vector<16xf32>
      %get3A_1083 = arith.index_cast %rem3A_240 : i32 to index
      %get3A_1084 = arith.index_cast %add3A_1054 : i32 to index
      %get3A_1085 = arith.constant 48 : index
      %get3A_1086 = tpu.vector_load %arg9[%get3A_1083, %get3A_1084, %get3A_1085] {strides = array<i32>} : memref<8x16x128xf32, #tpu.memory_space<vmem>>, vector<16xf32>,
      %get3A_1087 = arith.index_cast %rem3A_240 : i32 to index
      %get3A_1088 = arith.index_cast %add3A_1054 : i32 to index
      %get3A_1089 = arith.constant 48 : index
      %get3A_1090 = tpu.vector_load %arg10[%get3A_1087, %get3A_1088, %get3A_1089] {strides = array<i32>} : memref<8x16x128xf32, #tpu.memory_space<vmem>>, vector<16xf32>,
      %mul3A_1091 = arith.mulf %get3A_1086, %get3A_1090 : vector<16xf32>
      %add3A_1092 = arith.addf %mul3A_1072, %mul3A_1091 : vector<16xf32>
      %get3A_1093 = arith.index_cast %rem3A_240 : i32 to index
      %get3A_1094 = arith.index_cast %add3A_1054 : i32 to index
      %get3A_1095 = arith.constant 64 : index
      %get3A_1096 = tpu.vector_load %arg9[%get3A_1093, %get3A_1094, %get3A_1095] {strides = array<i32>} : memref<8x16x128xf32, #tpu.memory_space<vmem>>, vector<16xf32>,
      %get3A_1097 = arith.index_cast %rem3A_240 : i32 to index
      %get3A_1098 = arith.index_cast %add3A_1054 : i32 to index
      %get3A_1099 = arith.constant 64 : index
      %get3A_1100 = tpu.vector_load %arg10[%get3A_1097, %get3A_1098, %get3A_1099] {strides = array<i32>} : memref<8x16x128xf32, #tpu.memory_space<vmem>>, vector<16xf32>,
      %mul3A_1101 = arith.mulf %get3A_1096, %get3A_1100 : vector<16xf32>
      %add3A_1102 = arith.addf %add3A_1082, %mul3A_1101 : vector<16xf32>
      %get3A_1103 = arith.index_cast %rem3A_240 : i32 to index
      %get3A_1104 = arith.index_cast %add3A_1054 : i32 to index
      %get3A_1105 = arith.constant 80 : index
      %get3A_1106 = tpu.vector_load %arg9[%get3A_1103, %get3A_1104, %get3A_1105] {strides = array<i32>} : memref<8x16x128xf32, #tpu.memory_space<vmem>>, vector<16xf32>,
      %get3A_1107 = arith.index_cast %rem3A_240 : i32 to index
      %get3A_1108 = arith.index_cast %add3A_1054 : i32 to index
      %get3A_1109 = arith.constant 80 : index
      %get3A_1110 = tpu.vector_load %arg10[%get3A_1107, %get3A_1108, %get3A_1109] {strides = array<i32>} : memref<8x16x128xf32, #tpu.memory_space<vmem>>, vector<16xf32>,
      %mul3A_1111 = arith.mulf %get3A_1106, %get3A_1110 : vector<16xf32>
      %add3A_1112 = arith.addf %add3A_1092, %mul3A_1111 : vector<16xf32>
      %get3A_1113 = arith.index_cast %rem3A_240 : i32 to index
      %get3A_1114 = arith.index_cast %add3A_1054 : i32 to index
      %get3A_1115 = arith.constant 96 : index
      %get3A_1116 = tpu.vector_load %arg9[%get3A_1113, %get3A_1114, %get3A_1115] {strides = array<i32>} : memref<8x16x128xf32, #tpu.memory_space<vmem>>, vector<16xf32>,
      %get3A_1117 = arith.index_cast %rem3A_240 : i32 to index
      %get3A_1118 = arith.index_cast %add3A_1054 : i32 to index
      %get3A_1119 = arith.constant 96 : index
      %get3A_1120 = tpu.vector_load %arg10[%get3A_1117, %get3A_1118, %get3A_1119] {strides = array<i32>} : memref<8x16x128xf32, #tpu.memory_space<vmem>>, vector<16xf32>,
      %mul3A_1121 = arith.mulf %get3A_1116, %get3A_1120 : vector<16xf32>
      %add3A_1122 = arith.addf %add3A_1102, %mul3A_1121 : vector<16xf32>
      %get3A_1123 = arith.index_cast %rem3A_240 : i32 to index
      %get3A_1124 = arith.index_cast %add3A_1054 : i32 to index
      %get3A_1125 = arith.constant 112 : index
      %get3A_1126 = tpu.vector_load %arg9[%get3A_1123, %get3A_1124, %get3A_1125] {strides = array<i32>} : memref<8x16x128xf32, #tpu.memory_space<vmem>>, vector<16xf32>,
      %get3A_1127 = arith.index_cast %rem3A_240 : i32 to index
      %get3A_1128 = arith.index_cast %add3A_1054 : i32 to index
      %get3A_1129 = arith.constant 112 : index
      %get3A_1130 = tpu.vector_load %arg10[%get3A_1127, %get3A_1128, %get3A_1129] {strides = array<i32>} : memref<8x16x128xf32, #tpu.memory_space<vmem>>, vector<16xf32>,
      %mul3A_1131 = arith.mulf %get3A_1126, %get3A_1130 : vector<16xf32>
      %add3A_1132 = arith.addf %add3A_1112, %mul3A_1131 : vector<16xf32>
      %add3A_1133 = arith.addf %add3A_1122, %add3A_1132 : vector<16xf32>
      %swap3A_1134 = arith.constant 9 : i32
      %swap3A_1135 = arith.index_cast %swap3A_1134 : i32 to index
      %swap3A_1136 = arith.constant 0 : index
      %swap3A_1137 = tpu.vector_load %arg11[%swap3A_1135, %swap3A_1136] {strides = array<i32>} : memref<16x16xf32, #tpu.memory_space<vmem>>, vector<16xf32>,
      tpu.vector_store %arg11[%swap3A_1135, %swap3A_1136], %add3A_1133 {strides = array<i32>} : memref<16x16xf32, #tpu.memory_space<vmem>>, vector<16xf32>,
      %mul3A_1138 = arith.constant 16 : i32
      %mul3A_1139 = arith.muli %add3A_269, %mul3A_1138 : i32
      %add3A_1140 = arith.constant 10 : i32
      %add3A_1141 = arith.addi %mul3A_1139, %add3A_1140 : i32
      %get3A_1142 = arith.index_cast %rem3A_240 : i32 to index
      %get3A_1143 = arith.index_cast %add3A_1141 : i32 to index
      %get3A_1144 = arith.constant 0 : index
      %get3A_1145 = tpu.vector_load %arg9[%get3A_1142, %get3A_1143, %get3A_1144] {strides = array<i32>} : memref<8x16x128xf32, #tpu.memory_space<vmem>>, vector<16xf32>,
      %get3A_1146 = arith.index_cast %rem3A_240 : i32 to index
      %get3A_1147 = arith.index_cast %add3A_1141 : i32 to index
      %get3A_1148 = arith.constant 0 : index
      %get3A_1149 = tpu.vector_load %arg10[%get3A_1146, %get3A_1147, %get3A_1148] {strides = array<i32>} : memref<8x16x128xf32, #tpu.memory_space<vmem>>, vector<16xf32>,
      %mul3A_1150 = arith.mulf %get3A_1145, %get3A_1149 : vector<16xf32>
      %get3A_1151 = arith.index_cast %rem3A_240 : i32 to index
      %get3A_1152 = arith.index_cast %add3A_1141 : i32 to index
      %get3A_1153 = arith.constant 16 : index
      %get3A_1154 = tpu.vector_load %arg9[%get3A_1151, %get3A_1152, %get3A_1153] {strides = array<i32>} : memref<8x16x128xf32, #tpu.memory_space<vmem>>, vector<16xf32>,
      %get3A_1155 = arith.index_cast %rem3A_240 : i32 to index
      %get3A_1156 = arith.index_cast %add3A_1141 : i32 to index
      %get3A_1157 = arith.constant 16 : index
      %get3A_1158 = tpu.vector_load %arg10[%get3A_1155, %get3A_1156, %get3A_1157] {strides = array<i32>} : memref<8x16x128xf32, #tpu.memory_space<vmem>>, vector<16xf32>,
      %mul3A_1159 = arith.mulf %get3A_1154, %get3A_1158 : vector<16xf32>
      %get3A_1160 = arith.index_cast %rem3A_240 : i32 to index
      %get3A_1161 = arith.index_cast %add3A_1141 : i32 to index
      %get3A_1162 = arith.constant 32 : index
      %get3A_1163 = tpu.vector_load %arg9[%get3A_1160, %get3A_1161, %get3A_1162] {strides = array<i32>} : memref<8x16x128xf32, #tpu.memory_space<vmem>>, vector<16xf32>,
      %get3A_1164 = arith.index_cast %rem3A_240 : i32 to index
      %get3A_1165 = arith.index_cast %add3A_1141 : i32 to index
      %get3A_1166 = arith.constant 32 : index
      %get3A_1167 = tpu.vector_load %arg10[%get3A_1164, %get3A_1165, %get3A_1166] {strides = array<i32>} : memref<8x16x128xf32, #tpu.memory_space<vmem>>, vector<16xf32>,
      %mul3A_1168 = arith.mulf %get3A_1163, %get3A_1167 : vector<16xf32>
      %add3A_1169 = arith.addf %mul3A_1150, %mul3A_1168 : vector<16xf32>
      %get3A_1170 = arith.index_cast %rem3A_240 : i32 to index
      %get3A_1171 = arith.index_cast %add3A_1141 : i32 to index
      %get3A_1172 = arith.constant 48 : index
      %get3A_1173 = tpu.vector_load %arg9[%get3A_1170, %get3A_1171, %get3A_1172] {strides = array<i32>} : memref<8x16x128xf32, #tpu.memory_space<vmem>>, vector<16xf32>,
      %get3A_1174 = arith.index_cast %rem3A_240 : i32 to index
      %get3A_1175 = arith.index_cast %add3A_1141 : i32 to index
      %get3A_1176 = arith.constant 48 : index
      %get3A_1177 = tpu.vector_load %arg10[%get3A_1174, %get3A_1175, %get3A_1176] {strides = array<i32>} : memref<8x16x128xf32, #tpu.memory_space<vmem>>, vector<16xf32>,
      %mul3A_1178 = arith.mulf %get3A_1173, %get3A_1177 : vector<16xf32>
      %add3A_1179 = arith.addf %mul3A_1159, %mul3A_1178 : vector<16xf32>
      %get3A_1180 = arith.index_cast %rem3A_240 : i32 to index
      %get3A_1181 = arith.index_cast %add3A_1141 : i32 to index
      %get3A_1182 = arith.constant 64 : index
      %get3A_1183 = tpu.vector_load %arg9[%get3A_1180, %get3A_1181, %get3A_1182] {strides = array<i32>} : memref<8x16x128xf32, #tpu.memory_space<vmem>>, vector<16xf32>,
      %get3A_1184 = arith.index_cast %rem3A_240 : i32 to index
      %get3A_1185 = arith.index_cast %add3A_1141 : i32 to index
      %get3A_1186 = arith.constant 64 : index
      %get3A_1187 = tpu.vector_load %arg10[%get3A_1184, %get3A_1185, %get3A_1186] {strides = array<i32>} : memref<8x16x128xf32, #tpu.memory_space<vmem>>, vector<16xf32>,
      %mul3A_1188 = arith.mulf %get3A_1183, %get3A_1187 : vector<16xf32>
      %add3A_1189 = arith.addf %add3A_1169, %mul3A_1188 : vector<16xf32>
      %get3A_1190 = arith.index_cast %rem3A_240 : i32 to index
      %get3A_1191 = arith.index_cast %add3A_1141 : i32 to index
      %get3A_1192 = arith.constant 80 : index
      %get3A_1193 = tpu.vector_load %arg9[%get3A_1190, %get3A_1191, %get3A_1192] {strides = array<i32>} : memref<8x16x128xf32, #tpu.memory_space<vmem>>, vector<16xf32>,
      %get3A_1194 = arith.index_cast %rem3A_240 : i32 to index
      %get3A_1195 = arith.index_cast %add3A_1141 : i32 to index
      %get3A_1196 = arith.constant 80 : index
      %get3A_1197 = tpu.vector_load %arg10[%get3A_1194, %get3A_1195, %get3A_1196] {strides = array<i32>} : memref<8x16x128xf32, #tpu.memory_space<vmem>>, vector<16xf32>,
      %mul3A_1198 = arith.mulf %get3A_1193, %get3A_1197 : vector<16xf32>
      %add3A_1199 = arith.addf %add3A_1179, %mul3A_1198 : vector<16xf32>
      %get3A_1200 = arith.index_cast %rem3A_240 : i32 to index
      %get3A_1201 = arith.index_cast %add3A_1141 : i32 to index
      %get3A_1202 = arith.constant 96 : index
      %get3A_1203 = tpu.vector_load %arg9[%get3A_1200, %get3A_1201, %get3A_1202] {strides = array<i32>} : memref<8x16x128xf32, #tpu.memory_space<vmem>>, vector<16xf32>,
      %get3A_1204 = arith.index_cast %rem3A_240 : i32 to index
      %get3A_1205 = arith.index_cast %add3A_1141 : i32 to index
      %get3A_1206 = arith.constant 96 : index
      %get3A_1207 = tpu.vector_load %arg10[%get3A_1204, %get3A_1205, %get3A_1206] {strides = array<i32>} : memref<8x16x128xf32, #tpu.memory_space<vmem>>, vector<16xf32>,
      %mul3A_1208 = arith.mulf %get3A_1203, %get3A_1207 : vector<16xf32>
      %add3A_1209 = arith.addf %add3A_1189, %mul3A_1208 : vector<16xf32>
      %get3A_1210 = arith.index_cast %rem3A_240 : i32 to index
      %get3A_1211 = arith.index_cast %add3A_1141 : i32 to index
      %get3A_1212 = arith.constant 112 : index
      %get3A_1213 = tpu.vector_load %arg9[%get3A_1210, %get3A_1211, %get3A_1212] {strides = array<i32>} : memref<8x16x128xf32, #tpu.memory_space<vmem>>, vector<16xf32>,
      %get3A_1214 = arith.index_cast %rem3A_240 : i32 to index
      %get3A_1215 = arith.index_cast %add3A_1141 : i32 to index
      %get3A_1216 = arith.constant 112 : index
      %get3A_1217 = tpu.vector_load %arg10[%get3A_1214, %get3A_1215, %get3A_1216] {strides = array<i32>} : memref<8x16x128xf32, #tpu.memory_space<vmem>>, vector<16xf32>,
      %mul3A_1218 = arith.mulf %get3A_1213, %get3A_1217 : vector<16xf32>
      %add3A_1219 = arith.addf %add3A_1199, %mul3A_1218 : vector<16xf32>
      %add3A_1220 = arith.addf %add3A_1209, %add3A_1219 : vector<16xf32>
      %swap3A_1221 = arith.constant 10 : i32
      %swap3A_1222 = arith.index_cast %swap3A_1221 : i32 to index
      %swap3A_1223 = arith.constant 0 : index
      %swap3A_1224 = tpu.vector_load %arg11[%swap3A_1222, %swap3A_1223] {strides = array<i32>} : memref<16x16xf32, #tpu.memory_space<vmem>>, vector<16xf32>,
      tpu.vector_store %arg11[%swap3A_1222, %swap3A_1223], %add3A_1220 {strides = array<i32>} : memref<16x16xf32, #tpu.memory_space<vmem>>, vector<16xf32>,
      %mul3A_1225 = arith.constant 16 : i32
      %mul3A_1226 = arith.muli %add3A_269, %mul3A_1225 : i32
      %add3A_1227 = arith.constant 11 : i32
      %add3A_1228 = arith.addi %mul3A_1226, %add3A_1227 : i32
      %get3A_1229 = arith.index_cast %rem3A_240 : i32 to index
      %get3A_1230 = arith.index_cast %add3A_1228 : i32 to index
      %get3A_1231 = arith.constant 0 : index
      %get3A_1232 = tpu.vector_load %arg9[%get3A_1229, %get3A_1230, %get3A_1231] {strides = array<i32>} : memref<8x16x128xf32, #tpu.memory_space<vmem>>, vector<16xf32>,
      %get3A_1233 = arith.index_cast %rem3A_240 : i32 to index
      %get3A_1234 = arith.index_cast %add3A_1228 : i32 to index
      %get3A_1235 = arith.constant 0 : index
      %get3A_1236 = tpu.vector_load %arg10[%get3A_1233, %get3A_1234, %get3A_1235] {strides = array<i32>} : memref<8x16x128xf32, #tpu.memory_space<vmem>>, vector<16xf32>,
      %mul3A_1237 = arith.mulf %get3A_1232, %get3A_1236 : vector<16xf32>
      %get3A_1238 = arith.index_cast %rem3A_240 : i32 to index
      %get3A_1239 = arith.index_cast %add3A_1228 : i32 to index
      %get3A_1240 = arith.constant 16 : index
      %get3A_1241 = tpu.vector_load %arg9[%get3A_1238, %get3A_1239, %get3A_1240] {strides = array<i32>} : memref<8x16x128xf32, #tpu.memory_space<vmem>>, vector<16xf32>,
      %get3A_1242 = arith.index_cast %rem3A_240 : i32 to index
      %get3A_1243 = arith.index_cast %add3A_1228 : i32 to index
      %get3A_1244 = arith.constant 16 : index
      %get3A_1245 = tpu.vector_load %arg10[%get3A_1242, %get3A_1243, %get3A_1244] {strides = array<i32>} : memref<8x16x128xf32, #tpu.memory_space<vmem>>, vector<16xf32>,
      %mul3A_1246 = arith.mulf %get3A_1241, %get3A_1245 : vector<16xf32>
      %get3A_1247 = arith.index_cast %rem3A_240 : i32 to index
      %get3A_1248 = arith.index_cast %add3A_1228 : i32 to index
      %get3A_1249 = arith.constant 32 : index
      %get3A_1250 = tpu.vector_load %arg9[%get3A_1247, %get3A_1248, %get3A_1249] {strides = array<i32>} : memref<8x16x128xf32, #tpu.memory_space<vmem>>, vector<16xf32>,
      %get3A_1251 = arith.index_cast %rem3A_240 : i32 to index
      %get3A_1252 = arith.index_cast %add3A_1228 : i32 to index
      %get3A_1253 = arith.constant 32 : index
      %get3A_1254 = tpu.vector_load %arg10[%get3A_1251, %get3A_1252, %get3A_1253] {strides = array<i32>} : memref<8x16x128xf32, #tpu.memory_space<vmem>>, vector<16xf32>,
      %mul3A_1255 = arith.mulf %get3A_1250, %get3A_1254 : vector<16xf32>
      %add3A_1256 = arith.addf %mul3A_1237, %mul3A_1255 : vector<16xf32>
      %get3A_1257 = arith.index_cast %rem3A_240 : i32 to index
      %get3A_1258 = arith.index_cast %add3A_1228 : i32 to index
      %get3A_1259 = arith.constant 48 : index
      %get3A_1260 = tpu.vector_load %arg9[%get3A_1257, %get3A_1258, %get3A_1259] {strides = array<i32>} : memref<8x16x128xf32, #tpu.memory_space<vmem>>, vector<16xf32>,
      %get3A_1261 = arith.index_cast %rem3A_240 : i32 to index
      %get3A_1262 = arith.index_cast %add3A_1228 : i32 to index
      %get3A_1263 = arith.constant 48 : index
      %get3A_1264 = tpu.vector_load %arg10[%get3A_1261, %get3A_1262, %get3A_1263] {strides = array<i32>} : memref<8x16x128xf32, #tpu.memory_space<vmem>>, vector<16xf32>,
      %mul3A_1265 = arith.mulf %get3A_1260, %get3A_1264 : vector<16xf32>
      %add3A_1266 = arith.addf %mul3A_1246, %mul3A_1265 : vector<16xf32>
      %get3A_1267 = arith.index_cast %rem3A_240 : i32 to index
      %get3A_1268 = arith.index_cast %add3A_1228 : i32 to index
      %get3A_1269 = arith.constant 64 : index
      %get3A_1270 = tpu.vector_load %arg9[%get3A_1267, %get3A_1268, %get3A_1269] {strides = array<i32>} : memref<8x16x128xf32, #tpu.memory_space<vmem>>, vector<16xf32>,
      %get3A_1271 = arith.index_cast %rem3A_240 : i32 to index
      %get3A_1272 = arith.index_cast %add3A_1228 : i32 to index
      %get3A_1273 = arith.constant 64 : index
      %get3A_1274 = tpu.vector_load %arg10[%get3A_1271, %get3A_1272, %get3A_1273] {strides = array<i32>} : memref<8x16x128xf32, #tpu.memory_space<vmem>>, vector<16xf32>,
      %mul3A_1275 = arith.mulf %get3A_1270, %get3A_1274 : vector<16xf32>
      %add3A_1276 = arith.addf %add3A_1256, %mul3A_1275 : vector<16xf32>
      %get3A_1277 = arith.index_cast %rem3A_240 : i32 to index
      %get3A_1278 = arith.index_cast %add3A_1228 : i32 to index
      %get3A_1279 = arith.constant 80 : index
      %get3A_1280 = tpu.vector_load %arg9[%get3A_1277, %get3A_1278, %get3A_1279] {strides = array<i32>} : memref<8x16x128xf32, #tpu.memory_space<vmem>>, vector<16xf32>,
      %get3A_1281 = arith.index_cast %rem3A_240 : i32 to index
      %get3A_1282 = arith.index_cast %add3A_1228 : i32 to index
      %get3A_1283 = arith.constant 80 : index
      %get3A_1284 = tpu.vector_load %arg10[%get3A_1281, %get3A_1282, %get3A_1283] {strides = array<i32>} : memref<8x16x128xf32, #tpu.memory_space<vmem>>, vector<16xf32>,
      %mul3A_1285 = arith.mulf %get3A_1280, %get3A_1284 : vector<16xf32>
      %add3A_1286 = arith.addf %add3A_1266, %mul3A_1285 : vector<16xf32>
      %get3A_1287 = arith.index_cast %rem3A_240 : i32 to index
      %get3A_1288 = arith.index_cast %add3A_1228 : i32 to index
      %get3A_1289 = arith.constant 96 : index
      %get3A_1290 = tpu.vector_load %arg9[%get3A_1287, %get3A_1288, %get3A_1289] {strides = array<i32>} : memref<8x16x128xf32, #tpu.memory_space<vmem>>, vector<16xf32>,
      %get3A_1291 = arith.index_cast %rem3A_240 : i32 to index
      %get3A_1292 = arith.index_cast %add3A_1228 : i32 to index
      %get3A_1293 = arith.constant 96 : index
      %get3A_1294 = tpu.vector_load %arg10[%get3A_1291, %get3A_1292, %get3A_1293] {strides = array<i32>} : memref<8x16x128xf32, #tpu.memory_space<vmem>>, vector<16xf32>,
      %mul3A_1295 = arith.mulf %get3A_1290, %get3A_1294 : vector<16xf32>
      %add3A_1296 = arith.addf %add3A_1276, %mul3A_1295 : vector<16xf32>
      %get3A_1297 = arith.index_cast %rem3A_240 : i32 to index
      %get3A_1298 = arith.index_cast %add3A_1228 : i32 to index
      %get3A_1299 = arith.constant 112 : index
      %get3A_1300 = tpu.vector_load %arg9[%get3A_1297, %get3A_1298, %get3A_1299] {strides = array<i32>} : memref<8x16x128xf32, #tpu.memory_space<vmem>>, vector<16xf32>,
      %get3A_1301 = arith.index_cast %rem3A_240 : i32 to index
      %get3A_1302 = arith.index_cast %add3A_1228 : i32 to index
      %get3A_1303 = arith.constant 112 : index
      %get3A_1304 = tpu.vector_load %arg10[%get3A_1301, %get3A_1302, %get3A_1303] {strides = array<i32>} : memref<8x16x128xf32, #tpu.memory_space<vmem>>, vector<16xf32>,
      %mul3A_1305 = arith.mulf %get3A_1300, %get3A_1304 : vector<16xf32>
      %add3A_1306 = arith.addf %add3A_1286, %mul3A_1305 : vector<16xf32>
      %add3A_1307 = arith.addf %add3A_1296, %add3A_1306 : vector<16xf32>
      %swap3A_1308 = arith.constant 11 : i32
      %swap3A_1309 = arith.index_cast %swap3A_1308 : i32 to index
      %swap3A_1310 = arith.constant 0 : index
      %swap3A_1311 = tpu.vector_load %arg11[%swap3A_1309, %swap3A_1310] {strides = array<i32>} : memref<16x16xf32, #tpu.memory_space<vmem>>, vector<16xf32>,
      tpu.vector_store %arg11[%swap3A_1309, %swap3A_1310], %add3A_1307 {strides = array<i32>} : memref<16x16xf32, #tpu.memory_space<vmem>>, vector<16xf32>,
      %mul3A_1312 = arith.constant 16 : i32
      %mul3A_1313 = arith.muli %add3A_269, %mul3A_1312 : i32
      %add3A_1314 = arith.constant 12 : i32
      %add3A_1315 = arith.addi %mul3A_1313, %add3A_1314 : i32
      %get3A_1316 = arith.index_cast %rem3A_240 : i32 to index
      %get3A_1317 = arith.index_cast %add3A_1315 : i32 to index
      %get3A_1318 = arith.constant 0 : index
      %get3A_1319 = tpu.vector_load %arg9[%get3A_1316, %get3A_1317, %get3A_1318] {strides = array<i32>} : memref<8x16x128xf32, #tpu.memory_space<vmem>>, vector<16xf32>,
      %get3A_1320 = arith.index_cast %rem3A_240 : i32 to index
      %get3A_1321 = arith.index_cast %add3A_1315 : i32 to index
      %get3A_1322 = arith.constant 0 : index
      %get3A_1323 = tpu.vector_load %arg10[%get3A_1320, %get3A_1321, %get3A_1322] {strides = array<i32>} : memref<8x16x128xf32, #tpu.memory_space<vmem>>, vector<16xf32>,
      %mul3A_1324 = arith.mulf %get3A_1319, %get3A_1323 : vector<16xf32>
      %get3A_1325 = arith.index_cast %rem3A_240 : i32 to index
      %get3A_1326 = arith.index_cast %add3A_1315 : i32 to index
      %get3A_1327 = arith.constant 16 : index
      %get3A_1328 = tpu.vector_load %arg9[%get3A_1325, %get3A_1326, %get3A_1327] {strides = array<i32>} : memref<8x16x128xf32, #tpu.memory_space<vmem>>, vector<16xf32>,
      %get3A_1329 = arith.index_cast %rem3A_240 : i32 to index
      %get3A_1330 = arith.index_cast %add3A_1315 : i32 to index
      %get3A_1331 = arith.constant 16 : index
      %get3A_1332 = tpu.vector_load %arg10[%get3A_1329, %get3A_1330, %get3A_1331] {strides = array<i32>} : memref<8x16x128xf32, #tpu.memory_space<vmem>>, vector<16xf32>,
      %mul3A_1333 = arith.mulf %get3A_1328, %get3A_1332 : vector<16xf32>
      %get3A_1334 = arith.index_cast %rem3A_240 : i32 to index
      %get3A_1335 = arith.index_cast %add3A_1315 : i32 to index
      %get3A_1336 = arith.constant 32 : index
      %get3A_1337 = tpu.vector_load %arg9[%get3A_1334, %get3A_1335, %get3A_1336] {strides = array<i32>} : memref<8x16x128xf32, #tpu.memory_space<vmem>>, vector<16xf32>,
      %get3A_1338 = arith.index_cast %rem3A_240 : i32 to index
      %get3A_1339 = arith.index_cast %add3A_1315 : i32 to index
      %get3A_1340 = arith.constant 32 : index
      %get3A_1341 = tpu.vector_load %arg10[%get3A_1338, %get3A_1339, %get3A_1340] {strides = array<i32>} : memref<8x16x128xf32, #tpu.memory_space<vmem>>, vector<16xf32>,
      %mul3A_1342 = arith.mulf %get3A_1337, %get3A_1341 : vector<16xf32>
      %add3A_1343 = arith.addf %mul3A_1324, %mul3A_1342 : vector<16xf32>
      %get3A_1344 = arith.index_cast %rem3A_240 : i32 to index
      %get3A_1345 = arith.index_cast %add3A_1315 : i32 to index
      %get3A_1346 = arith.constant 48 : index
      %get3A_1347 = tpu.vector_load %arg9[%get3A_1344, %get3A_1345, %get3A_1346] {strides = array<i32>} : memref<8x16x128xf32, #tpu.memory_space<vmem>>, vector<16xf32>,
      %get3A_1348 = arith.index_cast %rem3A_240 : i32 to index
      %get3A_1349 = arith.index_cast %add3A_1315 : i32 to index
      %get3A_1350 = arith.constant 48 : index
      %get3A_1351 = tpu.vector_load %arg10[%get3A_1348, %get3A_1349, %get3A_1350] {strides = array<i32>} : memref<8x16x128xf32, #tpu.memory_space<vmem>>, vector<16xf32>,
      %mul3A_1352 = arith.mulf %get3A_1347, %get3A_1351 : vector<16xf32>
      %add3A_1353 = arith.addf %mul3A_1333, %mul3A_1352 : vector<16xf32>
      %get3A_1354 = arith.index_cast %rem3A_240 : i32 to index
      %get3A_1355 = arith.index_cast %add3A_1315 : i32 to index
      %get3A_1356 = arith.constant 64 : index
      %get3A_1357 = tpu.vector_load %arg9[%get3A_1354, %get3A_1355, %get3A_1356] {strides = array<i32>} : memref<8x16x128xf32, #tpu.memory_space<vmem>>, vector<16xf32>,
      %get3A_1358 = arith.index_cast %rem3A_240 : i32 to index
      %get3A_1359 = arith.index_cast %add3A_1315 : i32 to index
      %get3A_1360 = arith.constant 64 : index
      %get3A_1361 = tpu.vector_load %arg10[%get3A_1358, %get3A_1359, %get3A_1360] {strides = array<i32>} : memref<8x16x128xf32, #tpu.memory_space<vmem>>, vector<16xf32>,
      %mul3A_1362 = arith.mulf %get3A_1357, %get3A_1361 : vector<16xf32>
      %add3A_1363 = arith.addf %add3A_1343, %mul3A_1362 : vector<16xf32>
      %get3A_1364 = arith.index_cast %rem3A_240 : i32 to index
      %get3A_1365 = arith.index_cast %add3A_1315 : i32 to index
      %get3A_1366 = arith.constant 80 : index
      %get3A_1367 = tpu.vector_load %arg9[%get3A_1364, %get3A_1365, %get3A_1366] {strides = array<i32>} : memref<8x16x128xf32, #tpu.memory_space<vmem>>, vector<16xf32>,
      %get3A_1368 = arith.index_cast %rem3A_240 : i32 to index
      %get3A_1369 = arith.index_cast %add3A_1315 : i32 to index
      %get3A_1370 = arith.constant 80 : index
      %get3A_1371 = tpu.vector_load %arg10[%get3A_1368, %get3A_1369, %get3A_1370] {strides = array<i32>} : memref<8x16x128xf32, #tpu.memory_space<vmem>>, vector<16xf32>,
      %mul3A_1372 = arith.mulf %get3A_1367, %get3A_1371 : vector<16xf32>
      %add3A_1373 = arith.addf %add3A_1353, %mul3A_1372 : vector<16xf32>
      %get3A_1374 = arith.index_cast %rem3A_240 : i32 to index
      %get3A_1375 = arith.index_cast %add3A_1315 : i32 to index
      %get3A_1376 = arith.constant 96 : index
      %get3A_1377 = tpu.vector_load %arg9[%get3A_1374, %get3A_1375, %get3A_1376] {strides = array<i32>} : memref<8x16x128xf32, #tpu.memory_space<vmem>>, vector<16xf32>,
      %get3A_1378 = arith.index_cast %rem3A_240 : i32 to index
      %get3A_1379 = arith.index_cast %add3A_1315 : i32 to index
      %get3A_1380 = arith.constant 96 : index
      %get3A_1381 = tpu.vector_load %arg10[%get3A_1378, %get3A_1379, %get3A_1380] {strides = array<i32>} : memref<8x16x128xf32, #tpu.memory_space<vmem>>, vector<16xf32>,
      %mul3A_1382 = arith.mulf %get3A_1377, %get3A_1381 : vector<16xf32>
      %add3A_1383 = arith.addf %add3A_1363, %mul3A_1382 : vector<16xf32>
      %get3A_1384 = arith.index_cast %rem3A_240 : i32 to index
      %get3A_1385 = arith.index_cast %add3A_1315 : i32 to index
      %get3A_1386 = arith.constant 112 : index
      %get3A_1387 = tpu.vector_load %arg9[%get3A_1384, %get3A_1385, %get3A_1386] {strides = array<i32>} : memref<8x16x128xf32, #tpu.memory_space<vmem>>, vector<16xf32>,
      %get3A_1388 = arith.index_cast %rem3A_240 : i32 to index
      %get3A_1389 = arith.index_cast %add3A_1315 : i32 to index
      %get3A_1390 = arith.constant 112 : index
      %get3A_1391 = tpu.vector_load %arg10[%get3A_1388, %get3A_1389, %get3A_1390] {strides = array<i32>} : memref<8x16x128xf32, #tpu.memory_space<vmem>>, vector<16xf32>,
      %mul3A_1392 = arith.mulf %get3A_1387, %get3A_1391 : vector<16xf32>
      %add3A_1393 = arith.addf %add3A_1373, %mul3A_1392 : vector<16xf32>
      %add3A_1394 = arith.addf %add3A_1383, %add3A_1393 : vector<16xf32>
      %swap3A_1395 = arith.constant 12 : i32
      %swap3A_1396 = arith.index_cast %swap3A_1395 : i32 to index
      %swap3A_1397 = arith.constant 0 : index
      %swap3A_1398 = tpu.vector_load %arg11[%swap3A_1396, %swap3A_1397] {strides = array<i32>} : memref<16x16xf32, #tpu.memory_space<vmem>>, vector<16xf32>,
      tpu.vector_store %arg11[%swap3A_1396, %swap3A_1397], %add3A_1394 {strides = array<i32>} : memref<16x16xf32, #tpu.memory_space<vmem>>, vector<16xf32>,
      %mul3A_1399 = arith.constant 16 : i32
      %mul3A_1400 = arith.muli %add3A_269, %mul3A_1399 : i32
      %add3A_1401 = arith.constant 13 : i32
      %add3A_1402 = arith.addi %mul3A_1400, %add3A_1401 : i32
      %get3A_1403 = arith.index_cast %rem3A_240 : i32 to index
      %get3A_1404 = arith.index_cast %add3A_1402 : i32 to index
      %get3A_1405 = arith.constant 0 : index
      %get3A_1406 = tpu.vector_load %arg9[%get3A_1403, %get3A_1404, %get3A_1405] {strides = array<i32>} : memref<8x16x128xf32, #tpu.memory_space<vmem>>, vector<16xf32>,
      %get3A_1407 = arith.index_cast %rem3A_240 : i32 to index
      %get3A_1408 = arith.index_cast %add3A_1402 : i32 to index
      %get3A_1409 = arith.constant 0 : index
      %get3A_1410 = tpu.vector_load %arg10[%get3A_1407, %get3A_1408, %get3A_1409] {strides = array<i32>} : memref<8x16x128xf32, #tpu.memory_space<vmem>>, vector<16xf32>,
      %mul3A_1411 = arith.mulf %get3A_1406, %get3A_1410 : vector<16xf32>
      %get3A_1412 = arith.index_cast %rem3A_240 : i32 to index
      %get3A_1413 = arith.index_cast %add3A_1402 : i32 to index
      %get3A_1414 = arith.constant 16 : index
      %get3A_1415 = tpu.vector_load %arg9[%get3A_1412, %get3A_1413, %get3A_1414] {strides = array<i32>} : memref<8x16x128xf32, #tpu.memory_space<vmem>>, vector<16xf32>,
      %get3A_1416 = arith.index_cast %rem3A_240 : i32 to index
      %get3A_1417 = arith.index_cast %add3A_1402 : i32 to index
      %get3A_1418 = arith.constant 16 : index
      %get3A_1419 = tpu.vector_load %arg10[%get3A_1416, %get3A_1417, %get3A_1418] {strides = array<i32>} : memref<8x16x128xf32, #tpu.memory_space<vmem>>, vector<16xf32>,
      %mul3A_1420 = arith.mulf %get3A_1415, %get3A_1419 : vector<16xf32>
      %get3A_1421 = arith.index_cast %rem3A_240 : i32 to index
      %get3A_1422 = arith.index_cast %add3A_1402 : i32 to index
      %get3A_1423 = arith.constant 32 : index
      %get3A_1424 = tpu.vector_load %arg9[%get3A_1421, %get3A_1422, %get3A_1423] {strides = array<i32>} : memref<8x16x128xf32, #tpu.memory_space<vmem>>, vector<16xf32>,
      %get3A_1425 = arith.index_cast %rem3A_240 : i32 to index
      %get3A_1426 = arith.index_cast %add3A_1402 : i32 to index
      %get3A_1427 = arith.constant 32 : index
      %get3A_1428 = tpu.vector_load %arg10[%get3A_1425, %get3A_1426, %get3A_1427] {strides = array<i32>} : memref<8x16x128xf32, #tpu.memory_space<vmem>>, vector<16xf32>,
      %mul3A_1429 = arith.mulf %get3A_1424, %get3A_1428 : vector<16xf32>
      %add3A_1430 = arith.addf %mul3A_1411, %mul3A_1429 : vector<16xf32>
      %get3A_1431 = arith.index_cast %rem3A_240 : i32 to index
      %get3A_1432 = arith.index_cast %add3A_1402 : i32 to index
      %get3A_1433 = arith.constant 48 : index
      %get3A_1434 = tpu.vector_load %arg9[%get3A_1431, %get3A_1432, %get3A_1433] {strides = array<i32>} : memref<8x16x128xf32, #tpu.memory_space<vmem>>, vector<16xf32>,
      %get3A_1435 = arith.index_cast %rem3A_240 : i32 to index
      %get3A_1436 = arith.index_cast %add3A_1402 : i32 to index
      %get3A_1437 = arith.constant 48 : index
      %get3A_1438 = tpu.vector_load %arg10[%get3A_1435, %get3A_1436, %get3A_1437] {strides = array<i32>} : memref<8x16x128xf32, #tpu.memory_space<vmem>>, vector<16xf32>,
      %mul3A_1439 = arith.mulf %get3A_1434, %get3A_1438 : vector<16xf32>
      %add3A_1440 = arith.addf %mul3A_1420, %mul3A_1439 : vector<16xf32>
      %get3A_1441 = arith.index_cast %rem3A_240 : i32 to index
      %get3A_1442 = arith.index_cast %add3A_1402 : i32 to index
      %get3A_1443 = arith.constant 64 : index
      %get3A_1444 = tpu.vector_load %arg9[%get3A_1441, %get3A_1442, %get3A_1443] {strides = array<i32>} : memref<8x16x128xf32, #tpu.memory_space<vmem>>, vector<16xf32>,
      %get3A_1445 = arith.index_cast %rem3A_240 : i32 to index
      %get3A_1446 = arith.index_cast %add3A_1402 : i32 to index
      %get3A_1447 = arith.constant 64 : index
      %get3A_1448 = tpu.vector_load %arg10[%get3A_1445, %get3A_1446, %get3A_1447] {strides = array<i32>} : memref<8x16x128xf32, #tpu.memory_space<vmem>>, vector<16xf32>,
      %mul3A_1449 = arith.mulf %get3A_1444, %get3A_1448 : vector<16xf32>
      %add3A_1450 = arith.addf %add3A_1430, %mul3A_1449 : vector<16xf32>
      %get3A_1451 = arith.index_cast %rem3A_240 : i32 to index
      %get3A_1452 = arith.index_cast %add3A_1402 : i32 to index
      %get3A_1453 = arith.constant 80 : index
      %get3A_1454 = tpu.vector_load %arg9[%get3A_1451, %get3A_1452, %get3A_1453] {strides = array<i32>} : memref<8x16x128xf32, #tpu.memory_space<vmem>>, vector<16xf32>,
      %get3A_1455 = arith.index_cast %rem3A_240 : i32 to index
      %get3A_1456 = arith.index_cast %add3A_1402 : i32 to index
      %get3A_1457 = arith.constant 80 : index
      %get3A_1458 = tpu.vector_load %arg10[%get3A_1455, %get3A_1456, %get3A_1457] {strides = array<i32>} : memref<8x16x128xf32, #tpu.memory_space<vmem>>, vector<16xf32>,
      %mul3A_1459 = arith.mulf %get3A_1454, %get3A_1458 : vector<16xf32>
      %add3A_1460 = arith.addf %add3A_1440, %mul3A_1459 : vector<16xf32>
      %get3A_1461 = arith.index_cast %rem3A_240 : i32 to index
      %get3A_1462 = arith.index_cast %add3A_1402 : i32 to index
      %get3A_1463 = arith.constant 96 : index
      %get3A_1464 = tpu.vector_load %arg9[%get3A_1461, %get3A_1462, %get3A_1463] {strides = array<i32>} : memref<8x16x128xf32, #tpu.memory_space<vmem>>, vector<16xf32>,
      %get3A_1465 = arith.index_cast %rem3A_240 : i32 to index
      %get3A_1466 = arith.index_cast %add3A_1402 : i32 to index
      %get3A_1467 = arith.constant 96 : index
      %get3A_1468 = tpu.vector_load %arg10[%get3A_1465, %get3A_1466, %get3A_1467] {strides = array<i32>} : memref<8x16x128xf32, #tpu.memory_space<vmem>>, vector<16xf32>,
      %mul3A_1469 = arith.mulf %get3A_1464, %get3A_1468 : vector<16xf32>
      %add3A_1470 = arith.addf %add3A_1450, %mul3A_1469 : vector<16xf32>
      %get3A_1471 = arith.index_cast %rem3A_240 : i32 to index
      %get3A_1472 = arith.index_cast %add3A_1402 : i32 to index
      %get3A_1473 = arith.constant 112 : index
      %get3A_1474 = tpu.vector_load %arg9[%get3A_1471, %get3A_1472, %get3A_1473] {strides = array<i32>} : memref<8x16x128xf32, #tpu.memory_space<vmem>>, vector<16xf32>,
      %get3A_1475 = arith.index_cast %rem3A_240 : i32 to index
      %get3A_1476 = arith.index_cast %add3A_1402 : i32 to index
      %get3A_1477 = arith.constant 112 : index
      %get3A_1478 = tpu.vector_load %arg10[%get3A_1475, %get3A_1476, %get3A_1477] {strides = array<i32>} : memref<8x16x128xf32, #tpu.memory_space<vmem>>, vector<16xf32>,
      %mul3A_1479 = arith.mulf %get3A_1474, %get3A_1478 : vector<16xf32>
      %add3A_1480 = arith.addf %add3A_1460, %mul3A_1479 : vector<16xf32>
      %add3A_1481 = arith.addf %add3A_1470, %add3A_1480 : vector<16xf32>
      %swap3A_1482 = arith.constant 13 : i32
      %swap3A_1483 = arith.index_cast %swap3A_1482 : i32 to index
      %swap3A_1484 = arith.constant 0 : index
      %swap3A_1485 = tpu.vector_load %arg11[%swap3A_1483, %swap3A_1484] {strides = array<i32>} : memref<16x16xf32, #tpu.memory_space<vmem>>, vector<16xf32>,
      tpu.vector_store %arg11[%swap3A_1483, %swap3A_1484], %add3A_1481 {strides = array<i32>} : memref<16x16xf32, #tpu.memory_space<vmem>>, vector<16xf32>,
      %mul3A_1486 = arith.constant 16 : i32
      %mul3A_1487 = arith.muli %add3A_269, %mul3A_1486 : i32
      %add3A_1488 = arith.constant 14 : i32
      %add3A_1489 = arith.addi %mul3A_1487, %add3A_1488 : i32
      %get3A_1490 = arith.index_cast %rem3A_240 : i32 to index
      %get3A_1491 = arith.index_cast %add3A_1489 : i32 to index
      %get3A_1492 = arith.constant 0 : index
      %get3A_1493 = tpu.vector_load %arg9[%get3A_1490, %get3A_1491, %get3A_1492] {strides = array<i32>} : memref<8x16x128xf32, #tpu.memory_space<vmem>>, vector<16xf32>,
      %get3A_1494 = arith.index_cast %rem3A_240 : i32 to index
      %get3A_1495 = arith.index_cast %add3A_1489 : i32 to index
      %get3A_1496 = arith.constant 0 : index
      %get3A_1497 = tpu.vector_load %arg10[%get3A_1494, %get3A_1495, %get3A_1496] {strides = array<i32>} : memref<8x16x128xf32, #tpu.memory_space<vmem>>, vector<16xf32>,
      %mul3A_1498 = arith.mulf %get3A_1493, %get3A_1497 : vector<16xf32>
      %get3A_1499 = arith.index_cast %rem3A_240 : i32 to index
      %get3A_1500 = arith.index_cast %add3A_1489 : i32 to index
      %get3A_1501 = arith.constant 16 : index
      %get3A_1502 = tpu.vector_load %arg9[%get3A_1499, %get3A_1500, %get3A_1501] {strides = array<i32>} : memref<8x16x128xf32, #tpu.memory_space<vmem>>, vector<16xf32>,
      %get3A_1503 = arith.index_cast %rem3A_240 : i32 to index
      %get3A_1504 = arith.index_cast %add3A_1489 : i32 to index
      %get3A_1505 = arith.constant 16 : index
      %get3A_1506 = tpu.vector_load %arg10[%get3A_1503, %get3A_1504, %get3A_1505] {strides = array<i32>} : memref<8x16x128xf32, #tpu.memory_space<vmem>>, vector<16xf32>,
      %mul3A_1507 = arith.mulf %get3A_1502, %get3A_1506 : vector<16xf32>
      %get3A_1508 = arith.index_cast %rem3A_240 : i32 to index
      %get3A_1509 = arith.index_cast %add3A_1489 : i32 to index
      %get3A_1510 = arith.constant 32 : index
      %get3A_1511 = tpu.vector_load %arg9[%get3A_1508, %get3A_1509, %get3A_1510] {strides = array<i32>} : memref<8x16x128xf32, #tpu.memory_space<vmem>>, vector<16xf32>,
      %get3A_1512 = arith.index_cast %rem3A_240 : i32 to index
      %get3A_1513 = arith.index_cast %add3A_1489 : i32 to index
      %get3A_1514 = arith.constant 32 : index
      %get3A_1515 = tpu.vector_load %arg10[%get3A_1512, %get3A_1513, %get3A_1514] {strides = array<i32>} : memref<8x16x128xf32, #tpu.memory_space<vmem>>, vector<16xf32>,
      %mul3A_1516 = arith.mulf %get3A_1511, %get3A_1515 : vector<16xf32>
      %add3A_1517 = arith.addf %mul3A_1498, %mul3A_1516 : vector<16xf32>
      %get3A_1518 = arith.index_cast %rem3A_240 : i32 to index
      %get3A_1519 = arith.index_cast %add3A_1489 : i32 to index
      %get3A_1520 = arith.constant 48 : index
      %get3A_1521 = tpu.vector_load %arg9[%get3A_1518, %get3A_1519, %get3A_1520] {strides = array<i32>} : memref<8x16x128xf32, #tpu.memory_space<vmem>>, vector<16xf32>,
      %get3A_1522 = arith.index_cast %rem3A_240 : i32 to index
      %get3A_1523 = arith.index_cast %add3A_1489 : i32 to index
      %get3A_1524 = arith.constant 48 : index
      %get3A_1525 = tpu.vector_load %arg10[%get3A_1522, %get3A_1523, %get3A_1524] {strides = array<i32>} : memref<8x16x128xf32, #tpu.memory_space<vmem>>, vector<16xf32>,
      %mul3A_1526 = arith.mulf %get3A_1521, %get3A_1525 : vector<16xf32>
      %add3A_1527 = arith.addf %mul3A_1507, %mul3A_1526 : vector<16xf32>
      %get3A_1528 = arith.index_cast %rem3A_240 : i32 to index
      %get3A_1529 = arith.index_cast %add3A_1489 : i32 to index
      %get3A_1530 = arith.constant 64 : index
      %get3A_1531 = tpu.vector_load %arg9[%get3A_1528, %get3A_1529, %get3A_1530] {strides = array<i32>} : memref<8x16x128xf32, #tpu.memory_space<vmem>>, vector<16xf32>,
      %get3A_1532 = arith.index_cast %rem3A_240 : i32 to index
      %get3A_1533 = arith.index_cast %add3A_1489 : i32 to index
      %get3A_1534 = arith.constant 64 : index
      %get3A_1535 = tpu.vector_load %arg10[%get3A_1532, %get3A_1533, %get3A_1534] {strides = array<i32>} : memref<8x16x128xf32, #tpu.memory_space<vmem>>, vector<16xf32>,
      %mul3A_1536 = arith.mulf %get3A_1531, %get3A_1535 : vector<16xf32>
      %add3A_1537 = arith.addf %add3A_1517, %mul3A_1536 : vector<16xf32>
      %get3A_1538 = arith.index_cast %rem3A_240 : i32 to index
      %get3A_1539 = arith.index_cast %add3A_1489 : i32 to index
      %get3A_1540 = arith.constant 80 : index
      %get3A_1541 = tpu.vector_load %arg9[%get3A_1538, %get3A_1539, %get3A_1540] {strides = array<i32>} : memref<8x16x128xf32, #tpu.memory_space<vmem>>, vector<16xf32>,
      %get3A_1542 = arith.index_cast %rem3A_240 : i32 to index
      %get3A_1543 = arith.index_cast %add3A_1489 : i32 to index
      %get3A_1544 = arith.constant 80 : index
      %get3A_1545 = tpu.vector_load %arg10[%get3A_1542, %get3A_1543, %get3A_1544] {strides = array<i32>} : memref<8x16x128xf32, #tpu.memory_space<vmem>>, vector<16xf32>,
      %mul3A_1546 = arith.mulf %get3A_1541, %get3A_1545 : vector<16xf32>
      %add3A_1547 = arith.addf %add3A_1527, %mul3A_1546 : vector<16xf32>
      %get3A_1548 = arith.index_cast %rem3A_240 : i32 to index
      %get3A_1549 = arith.index_cast %add3A_1489 : i32 to index
      %get3A_1550 = arith.constant 96 : index
      %get3A_1551 = tpu.vector_load %arg9[%get3A_1548, %get3A_1549, %get3A_1550] {strides = array<i32>} : memref<8x16x128xf32, #tpu.memory_space<vmem>>, vector<16xf32>,
      %get3A_1552 = arith.index_cast %rem3A_240 : i32 to index
      %get3A_1553 = arith.index_cast %add3A_1489 : i32 to index
      %get3A_1554 = arith.constant 96 : index
      %get3A_1555 = tpu.vector_load %arg10[%get3A_1552, %get3A_1553, %get3A_1554] {strides = array<i32>} : memref<8x16x128xf32, #tpu.memory_space<vmem>>, vector<16xf32>,
      %mul3A_1556 = arith.mulf %get3A_1551, %get3A_1555 : vector<16xf32>
      %add3A_1557 = arith.addf %add3A_1537, %mul3A_1556 : vector<16xf32>
      %get3A_1558 = arith.index_cast %rem3A_240 : i32 to index
      %get3A_1559 = arith.index_cast %add3A_1489 : i32 to index
      %get3A_1560 = arith.constant 112 : index
      %get3A_1561 = tpu.vector_load %arg9[%get3A_1558, %get3A_1559, %get3A_1560] {strides = array<i32>} : memref<8x16x128xf32, #tpu.memory_space<vmem>>, vector<16xf32>,
      %get3A_1562 = arith.index_cast %rem3A_240 : i32 to index
      %get3A_1563 = arith.index_cast %add3A_1489 : i32 to index
      %get3A_1564 = arith.constant 112 : index
      %get3A_1565 = tpu.vector_load %arg10[%get3A_1562, %get3A_1563, %get3A_1564] {strides = array<i32>} : memref<8x16x128xf32, #tpu.memory_space<vmem>>, vector<16xf32>,
      %mul3A_1566 = arith.mulf %get3A_1561, %get3A_1565 : vector<16xf32>
      %add3A_1567 = arith.addf %add3A_1547, %mul3A_1566 : vector<16xf32>
      %add3A_1568 = arith.addf %add3A_1557, %add3A_1567 : vector<16xf32>
      %swap3A_1569 = arith.constant 14 : i32
      %swap3A_1570 = arith.index_cast %swap3A_1569 : i32 to index
      %swap3A_1571 = arith.constant 0 : index
      %swap3A_1572 = tpu.vector_load %arg11[%swap3A_1570, %swap3A_1571] {strides = array<i32>} : memref<16x16xf32, #tpu.memory_space<vmem>>, vector<16xf32>,
      tpu.vector_store %arg11[%swap3A_1570, %swap3A_1571], %add3A_1568 {strides = array<i32>} : memref<16x16xf32, #tpu.memory_space<vmem>>, vector<16xf32>,
      %mul3A_1573 = arith.constant 16 : i32
      %mul3A_1574 = arith.muli %add3A_269, %mul3A_1573 : i32
      %add3A_1575 = arith.constant 15 : i32
      %add3A_1576 = arith.addi %mul3A_1574, %add3A_1575 : i32
      %get3A_1577 = arith.index_cast %rem3A_240 : i32 to index
      %get3A_1578 = arith.index_cast %add3A_1576 : i32 to index
      %get3A_1579 = arith.constant 0 : index
      %get3A_1580 = tpu.vector_load %arg9[%get3A_1577, %get3A_1578, %get3A_1579] {strides = array<i32>} : memref<8x16x128xf32, #tpu.memory_space<vmem>>, vector<16xf32>,
      %get3A_1581 = arith.index_cast %rem3A_240 : i32 to index
      %get3A_1582 = arith.index_cast %add3A_1576 : i32 to index
      %get3A_1583 = arith.constant 0 : index
      %get3A_1584 = tpu.vector_load %arg10[%get3A_1581, %get3A_1582, %get3A_1583] {strides = array<i32>} : memref<8x16x128xf32, #tpu.memory_space<vmem>>, vector<16xf32>,
      %mul3A_1585 = arith.mulf %get3A_1580, %get3A_1584 : vector<16xf32>
      %get3A_1586 = arith.index_cast %rem3A_240 : i32 to index
      %get3A_1587 = arith.index_cast %add3A_1576 : i32 to index
      %get3A_1588 = arith.constant 16 : index
      %get3A_1589 = tpu.vector_load %arg9[%get3A_1586, %get3A_1587, %get3A_1588] {strides = array<i32>} : memref<8x16x128xf32, #tpu.memory_space<vmem>>, vector<16xf32>,
      %get3A_1590 = arith.index_cast %rem3A_240 : i32 to index
      %get3A_1591 = arith.index_cast %add3A_1576 : i32 to index
      %get3A_1592 = arith.constant 16 : index
      %get3A_1593 = tpu.vector_load %arg10[%get3A_1590, %get3A_1591, %get3A_1592] {strides = array<i32>} : memref<8x16x128xf32, #tpu.memory_space<vmem>>, vector<16xf32>,
      %mul3A_1594 = arith.mulf %get3A_1589, %get3A_1593 : vector<16xf32>
      %get3A_1595 = arith.index_cast %rem3A_240 : i32 to index
      %get3A_1596 = arith.index_cast %add3A_1576 : i32 to index
      %get3A_1597 = arith.constant 32 : index
      %get3A_1598 = tpu.vector_load %arg9[%get3A_1595, %get3A_1596, %get3A_1597] {strides = array<i32>} : memref<8x16x128xf32, #tpu.memory_space<vmem>>, vector<16xf32>,
      %get3A_1599 = arith.index_cast %rem3A_240 : i32 to index
      %get3A_1600 = arith.index_cast %add3A_1576 : i32 to index
      %get3A_1601 = arith.constant 32 : index
      %get3A_1602 = tpu.vector_load %arg10[%get3A_1599, %get3A_1600, %get3A_1601] {strides = array<i32>} : memref<8x16x128xf32, #tpu.memory_space<vmem>>, vector<16xf32>,
      %mul3A_1603 = arith.mulf %get3A_1598, %get3A_1602 : vector<16xf32>
      %add3A_1604 = arith.addf %mul3A_1585, %mul3A_1603 : vector<16xf32>
      %get3A_1605 = arith.index_cast %rem3A_240 : i32 to index
      %get3A_1606 = arith.index_cast %add3A_1576 : i32 to index
      %get3A_1607 = arith.constant 48 : index
      %get3A_1608 = tpu.vector_load %arg9[%get3A_1605, %get3A_1606, %get3A_1607] {strides = array<i32>} : memref<8x16x128xf32, #tpu.memory_space<vmem>>, vector<16xf32>,
      %get3A_1609 = arith.index_cast %rem3A_240 : i32 to index
      %get3A_1610 = arith.index_cast %add3A_1576 : i32 to index
      %get3A_1611 = arith.constant 48 : index
      %get3A_1612 = tpu.vector_load %arg10[%get3A_1609, %get3A_1610, %get3A_1611] {strides = array<i32>} : memref<8x16x128xf32, #tpu.memory_space<vmem>>, vector<16xf32>,
      %mul3A_1613 = arith.mulf %get3A_1608, %get3A_1612 : vector<16xf32>
      %add3A_1614 = arith.addf %mul3A_1594, %mul3A_1613 : vector<16xf32>
      %get3A_1615 = arith.index_cast %rem3A_240 : i32 to index
      %get3A_1616 = arith.index_cast %add3A_1576 : i32 to index
      %get3A_1617 = arith.constant 64 : index
      %get3A_1618 = tpu.vector_load %arg9[%get3A_1615, %get3A_1616, %get3A_1617] {strides = array<i32>} : memref<8x16x128xf32, #tpu.memory_space<vmem>>, vector<16xf32>,
      %get3A_1619 = arith.index_cast %rem3A_240 : i32 to index
      %get3A_1620 = arith.index_cast %add3A_1576 : i32 to index
      %get3A_1621 = arith.constant 64 : index
      %get3A_1622 = tpu.vector_load %arg10[%get3A_1619, %get3A_1620, %get3A_1621] {strides = array<i32>} : memref<8x16x128xf32, #tpu.memory_space<vmem>>, vector<16xf32>,
      %mul3A_1623 = arith.mulf %get3A_1618, %get3A_1622 : vector<16xf32>
      %add3A_1624 = arith.addf %add3A_1604, %mul3A_1623 : vector<16xf32>
      %get3A_1625 = arith.index_cast %rem3A_240 : i32 to index
      %get3A_1626 = arith.index_cast %add3A_1576 : i32 to index
      %get3A_1627 = arith.constant 80 : index
      %get3A_1628 = tpu.vector_load %arg9[%get3A_1625, %get3A_1626, %get3A_1627] {strides = array<i32>} : memref<8x16x128xf32, #tpu.memory_space<vmem>>, vector<16xf32>,
      %get3A_1629 = arith.index_cast %rem3A_240 : i32 to index
      %get3A_1630 = arith.index_cast %add3A_1576 : i32 to index
      %get3A_1631 = arith.constant 80 : index
      %get3A_1632 = tpu.vector_load %arg10[%get3A_1629, %get3A_1630, %get3A_1631] {strides = array<i32>} : memref<8x16x128xf32, #tpu.memory_space<vmem>>, vector<16xf32>,
      %mul3A_1633 = arith.mulf %get3A_1628, %get3A_1632 : vector<16xf32>
      %add3A_1634 = arith.addf %add3A_1614, %mul3A_1633 : vector<16xf32>
      %get3A_1635 = arith.index_cast %rem3A_240 : i32 to index
      %get3A_1636 = arith.index_cast %add3A_1576 : i32 to index
      %get3A_1637 = arith.constant 96 : index
      %get3A_1638 = tpu.vector_load %arg9[%get3A_1635, %get3A_1636, %get3A_1637] {strides = array<i32>} : memref<8x16x128xf32, #tpu.memory_space<vmem>>, vector<16xf32>,
      %get3A_1639 = arith.index_cast %rem3A_240 : i32 to index
      %get3A_1640 = arith.index_cast %add3A_1576 : i32 to index
      %get3A_1641 = arith.constant 96 : index
      %get3A_1642 = tpu.vector_load %arg10[%get3A_1639, %get3A_1640, %get3A_1641] {strides = array<i32>} : memref<8x16x128xf32, #tpu.memory_space<vmem>>, vector<16xf32>,
      %mul3A_1643 = arith.mulf %get3A_1638, %get3A_1642 : vector<16xf32>
      %add3A_1644 = arith.addf %add3A_1624, %mul3A_1643 : vector<16xf32>
      %get3A_1645 = arith.index_cast %rem3A_240 : i32 to index
      %get3A_1646 = arith.index_cast %add3A_1576 : i32 to index
      %get3A_1647 = arith.constant 112 : index
      %get3A_1648 = tpu.vector_load %arg9[%get3A_1645, %get3A_1646, %get3A_1647] {strides = array<i32>} : memref<8x16x128xf32, #tpu.memory_space<vmem>>, vector<16xf32>,
      %get3A_1649 = arith.index_cast %rem3A_240 : i32 to index
      %get3A_1650 = arith.index_cast %add3A_1576 : i32 to index
      %get3A_1651 = arith.constant 112 : index
      %get3A_1652 = tpu.vector_load %arg10[%get3A_1649, %get3A_1650, %get3A_1651] {strides = array<i32>} : memref<8x16x128xf32, #tpu.memory_space<vmem>>, vector<16xf32>,
      %mul3A_1653 = arith.mulf %get3A_1648, %get3A_1652 : vector<16xf32>
      %add3A_1654 = arith.addf %add3A_1634, %mul3A_1653 : vector<16xf32>
      %add3A_1655 = arith.addf %add3A_1644, %add3A_1654 : vector<16xf32>
      %swap3A_1656 = arith.constant 15 : i32
      %swap3A_1657 = arith.index_cast %swap3A_1656 : i32 to index
      %swap3A_1658 = arith.constant 0 : index
      %swap3A_1659 = tpu.vector_load %arg11[%swap3A_1657, %swap3A_1658] {strides = array<i32>} : memref<16x16xf32, #tpu.memory_space<vmem>>, vector<16xf32>,
      tpu.vector_store %arg11[%swap3A_1657, %swap3A_1658], %add3A_1655 {strides = array<i32>} : memref<16x16xf32, #tpu.memory_space<vmem>>, vector<16xf32>,
      %gather3A = tpu.vector_load_idx %arg11[%iota3A, %iota3A] : memref<16x16xf32, #tpu.memory_space<vmem>>[vector<16xi32>, vector<16xi32>], vector<16xf32>,
      %add3A_1660 = arith.constant 1 : i32
      %add3A_1661 = vector.broadcast %add3A_1660 : i32 to vector<16xi32>
      %add3A_1662 = arith.addi %iota3A, %add3A_1661 : vector<16xi32>
      %and3A = arith.constant 15 : i32
      %and3A_1663 = vector.broadcast %and3A : i32 to vector<16xi32>
      %and3A_1664 = arith.andi %add3A_1662, %and3A_1663 : vector<16xi32>
      %gather3A_1665 = tpu.vector_load_idx %arg11[%iota3A, %and3A_1664] : memref<16x16xf32, #tpu.memory_space<vmem>>[vector<16xi32>, vector<16xi32>], vector<16xf32>,
      %add3A_1666 = arith.constant 2 : i32
      %add3A_1667 = vector.broadcast %add3A_1666 : i32 to vector<16xi32>
      %add3A_1668 = arith.addi %iota3A, %add3A_1667 : vector<16xi32>
      %and3A_1669 = arith.constant 15 : i32
      %and3A_1670 = vector.broadcast %and3A_1669 : i32 to vector<16xi32>
      %and3A_1671 = arith.andi %add3A_1668, %and3A_1670 : vector<16xi32>
      %gather3A_1672 = tpu.vector_load_idx %arg11[%iota3A, %and3A_1671] : memref<16x16xf32, #tpu.memory_space<vmem>>[vector<16xi32>, vector<16xi32>], vector<16xf32>,
      %add3A_1673 = arith.addf %gather3A, %gather3A_1672 : vector<16xf32>
      %add3A_1674 = arith.constant 2 : i32
      %add3A_1675 = vector.broadcast %add3A_1674 : i32 to vector<16xi32>
      %add3A_1676 = arith.addi %iota3A, %add3A_1675 : vector<16xi32>
      %add3A_1677 = arith.constant 1 : i32
      %add3A_1678 = vector.broadcast %add3A_1677 : i32 to vector<16xi32>
      %add3A_1679 = arith.addi %add3A_1676, %add3A_1678 : vector<16xi32>
      %and3A_1680 = arith.constant 15 : i32
      %and3A_1681 = vector.broadcast %and3A_1680 : i32 to vector<16xi32>
      %and3A_1682 = arith.andi %add3A_1679, %and3A_1681 : vector<16xi32>
      %gather3A_1683 = tpu.vector_load_idx %arg11[%iota3A, %and3A_1682] : memref<16x16xf32, #tpu.memory_space<vmem>>[vector<16xi32>, vector<16xi32>], vector<16xf32>,
      %add3A_1684 = arith.addf %gather3A_1665, %gather3A_1683 : vector<16xf32>
      %add3A_1685 = arith.constant 4 : i32
      %add3A_1686 = vector.broadcast %add3A_1685 : i32 to vector<16xi32>
      %add3A_1687 = arith.addi %iota3A, %add3A_1686 : vector<16xi32>
      %and3A_1688 = arith.constant 15 : i32
      %and3A_1689 = vector.broadcast %and3A_1688 : i32 to vector<16xi32>
      %and3A_1690 = arith.andi %add3A_1687, %and3A_1689 : vector<16xi32>
      %gather3A_1691 = tpu.vector_load_idx %arg11[%iota3A, %and3A_1690] : memref<16x16xf32, #tpu.memory_space<vmem>>[vector<16xi32>, vector<16xi32>], vector<16xf32>,
      %add3A_1692 = arith.addf %add3A_1673, %gather3A_1691 : vector<16xf32>
      %add3A_1693 = arith.constant 4 : i32
      %add3A_1694 = vector.broadcast %add3A_1693 : i32 to vector<16xi32>
      %add3A_1695 = arith.addi %iota3A, %add3A_1694 : vector<16xi32>
      %add3A_1696 = arith.constant 1 : i32
      %add3A_1697 = vector.broadcast %add3A_1696 : i32 to vector<16xi32>
      %add3A_1698 = arith.addi %add3A_1695, %add3A_1697 : vector<16xi32>
      %and3A_1699 = arith.constant 15 : i32
      %and3A_1700 = vector.broadcast %and3A_1699 : i32 to vector<16xi32>
      %and3A_1701 = arith.andi %add3A_1698, %and3A_1700 : vector<16xi32>
      %gather3A_1702 = tpu.vector_load_idx %arg11[%iota3A, %and3A_1701] : memref<16x16xf32, #tpu.memory_space<vmem>>[vector<16xi32>, vector<16xi32>], vector<16xf32>,
      %add3A_1703 = arith.addf %add3A_1684, %gather3A_1702 : vector<16xf32>
      %add3A_1704 = arith.constant 6 : i32
      %add3A_1705 = vector.broadcast %add3A_1704 : i32 to vector<16xi32>
      %add3A_1706 = arith.addi %iota3A, %add3A_1705 : vector<16xi32>
      %and3A_1707 = arith.constant 15 : i32
      %and3A_1708 = vector.broadcast %and3A_1707 : i32 to vector<16xi32>
      %and3A_1709 = arith.andi %add3A_1706, %and3A_1708 : vector<16xi32>
      %gather3A_1710 = tpu.vector_load_idx %arg11[%iota3A, %and3A_1709] : memref<16x16xf32, #tpu.memory_space<vmem>>[vector<16xi32>, vector<16xi32>], vector<16xf32>,
      %add3A_1711 = arith.addf %add3A_1692, %gather3A_1710 : vector<16xf32>
      %add3A_1712 = arith.constant 6 : i32
      %add3A_1713 = vector.broadcast %add3A_1712 : i32 to vector<16xi32>
      %add3A_1714 = arith.addi %iota3A, %add3A_1713 : vector<16xi32>
      %add3A_1715 = arith.constant 1 : i32
      %add3A_1716 = vector.broadcast %add3A_1715 : i32 to vector<16xi32>
      %add3A_1717 = arith.addi %add3A_1714, %add3A_1716 : vector<16xi32>
      %and3A_1718 = arith.constant 15 : i32
      %and3A_1719 = vector.broadcast %and3A_1718 : i32 to vector<16xi32>
      %and3A_1720 = arith.andi %add3A_1717, %and3A_1719 : vector<16xi32>
      %gather3A_1721 = tpu.vector_load_idx %arg11[%iota3A, %and3A_1720] : memref<16x16xf32, #tpu.memory_space<vmem>>[vector<16xi32>, vector<16xi32>], vector<16xf32>,
      %add3A_1722 = arith.addf %add3A_1703, %gather3A_1721 : vector<16xf32>
      %add3A_1723 = arith.constant 8 : i32
      %add3A_1724 = vector.broadcast %add3A_1723 : i32 to vector<16xi32>
      %add3A_1725 = arith.addi %iota3A, %add3A_1724 : vector<16xi32>
      %and3A_1726 = arith.constant 15 : i32
      %and3A_1727 = vector.broadcast %and3A_1726 : i32 to vector<16xi32>
      %and3A_1728 = arith.andi %add3A_1725, %and3A_1727 : vector<16xi32>
      %gather3A_1729 = tpu.vector_load_idx %arg11[%iota3A, %and3A_1728] : memref<16x16xf32, #tpu.memory_space<vmem>>[vector<16xi32>, vector<16xi32>], vector<16xf32>,
      %add3A_1730 = arith.addf %add3A_1711, %gather3A_1729 : vector<16xf32>
      %add3A_1731 = arith.constant 8 : i32
      %add3A_1732 = vector.broadcast %add3A_1731 : i32 to vector<16xi32>
      %add3A_1733 = arith.addi %iota3A, %add3A_1732 : vector<16xi32>
      %add3A_1734 = arith.constant 1 : i32
      %add3A_1735 = vector.broadcast %add3A_1734 : i32 to vector<16xi32>
      %add3A_1736 = arith.addi %add3A_1733, %add3A_1735 : vector<16xi32>
      %and3A_1737 = arith.constant 15 : i32
      %and3A_1738 = vector.broadcast %and3A_1737 : i32 to vector<16xi32>
      %and3A_1739 = arith.andi %add3A_1736, %and3A_1738 : vector<16xi32>
      %gather3A_1740 = tpu.vector_load_idx %arg11[%iota3A, %and3A_1739] : memref<16x16xf32, #tpu.memory_space<vmem>>[vector<16xi32>, vector<16xi32>], vector<16xf32>,
      %add3A_1741 = arith.addf %add3A_1722, %gather3A_1740 : vector<16xf32>
      %add3A_1742 = arith.constant 10 : i32
      %add3A_1743 = vector.broadcast %add3A_1742 : i32 to vector<16xi32>
      %add3A_1744 = arith.addi %iota3A, %add3A_1743 : vector<16xi32>
      %and3A_1745 = arith.constant 15 : i32
      %and3A_1746 = vector.broadcast %and3A_1745 : i32 to vector<16xi32>
      %and3A_1747 = arith.andi %add3A_1744, %and3A_1746 : vector<16xi32>
      %gather3A_1748 = tpu.vector_load_idx %arg11[%iota3A, %and3A_1747] : memref<16x16xf32, #tpu.memory_space<vmem>>[vector<16xi32>, vector<16xi32>], vector<16xf32>,
      %add3A_1749 = arith.addf %add3A_1730, %gather3A_1748 : vector<16xf32>
      %add3A_1750 = arith.constant 10 : i32
      %add3A_1751 = vector.broadcast %add3A_1750 : i32 to vector<16xi32>
      %add3A_1752 = arith.addi %iota3A, %add3A_1751 : vector<16xi32>
      %add3A_1753 = arith.constant 1 : i32
      %add3A_1754 = vector.broadcast %add3A_1753 : i32 to vector<16xi32>
      %add3A_1755 = arith.addi %add3A_1752, %add3A_1754 : vector<16xi32>
      %and3A_1756 = arith.constant 15 : i32
      %and3A_1757 = vector.broadcast %and3A_1756 : i32 to vector<16xi32>
      %and3A_1758 = arith.andi %add3A_1755, %and3A_1757 : vector<16xi32>
      %gather3A_1759 = tpu.vector_load_idx %arg11[%iota3A, %and3A_1758] : memref<16x16xf32, #tpu.memory_space<vmem>>[vector<16xi32>, vector<16xi32>], vector<16xf32>,
      %add3A_1760 = arith.addf %add3A_1741, %gather3A_1759 : vector<16xf32>
      %add3A_1761 = arith.constant 12 : i32
      %add3A_1762 = vector.broadcast %add3A_1761 : i32 to vector<16xi32>
      %add3A_1763 = arith.addi %iota3A, %add3A_1762 : vector<16xi32>
      %and3A_1764 = arith.constant 15 : i32
      %and3A_1765 = vector.broadcast %and3A_1764 : i32 to vector<16xi32>
      %and3A_1766 = arith.andi %add3A_1763, %and3A_1765 : vector<16xi32>
      %gather3A_1767 = tpu.vector_load_idx %arg11[%iota3A, %and3A_1766] : memref<16x16xf32, #tpu.memory_space<vmem>>[vector<16xi32>, vector<16xi32>], vector<16xf32>,
      %add3A_1768 = arith.addf %add3A_1749, %gather3A_1767 : vector<16xf32>
      %add3A_1769 = arith.constant 12 : i32
      %add3A_1770 = vector.broadcast %add3A_1769 : i32 to vector<16xi32>
      %add3A_1771 = arith.addi %iota3A, %add3A_1770 : vector<16xi32>
      %add3A_1772 = arith.constant 1 : i32
      %add3A_1773 = vector.broadcast %add3A_1772 : i32 to vector<16xi32>
      %add3A_1774 = arith.addi %add3A_1771, %add3A_1773 : vector<16xi32>
      %and3A_1775 = arith.constant 15 : i32
      %and3A_1776 = vector.broadcast %and3A_1775 : i32 to vector<16xi32>
      %and3A_1777 = arith.andi %add3A_1774, %and3A_1776 : vector<16xi32>
      %gather3A_1778 = tpu.vector_load_idx %arg11[%iota3A, %and3A_1777] : memref<16x16xf32, #tpu.memory_space<vmem>>[vector<16xi32>, vector<16xi32>], vector<16xf32>,
      %add3A_1779 = arith.addf %add3A_1760, %gather3A_1778 : vector<16xf32>
      %add3A_1780 = arith.constant 14 : i32
      %add3A_1781 = vector.broadcast %add3A_1780 : i32 to vector<16xi32>
      %add3A_1782 = arith.addi %iota3A, %add3A_1781 : vector<16xi32>
      %and3A_1783 = arith.constant 15 : i32
      %and3A_1784 = vector.broadcast %and3A_1783 : i32 to vector<16xi32>
      %and3A_1785 = arith.andi %add3A_1782, %and3A_1784 : vector<16xi32>
      %gather3A_1786 = tpu.vector_load_idx %arg11[%iota3A, %and3A_1785] : memref<16x16xf32, #tpu.memory_space<vmem>>[vector<16xi32>, vector<16xi32>], vector<16xf32>,
      %add3A_1787 = arith.addf %add3A_1768, %gather3A_1786 : vector<16xf32>
      %add3A_1788 = arith.constant 14 : i32
      %add3A_1789 = vector.broadcast %add3A_1788 : i32 to vector<16xi32>
      %add3A_1790 = arith.addi %iota3A, %add3A_1789 : vector<16xi32>
      %add3A_1791 = arith.constant 1 : i32
      %add3A_1792 = vector.broadcast %add3A_1791 : i32 to vector<16xi32>
      %add3A_1793 = arith.addi %add3A_1790, %add3A_1792 : vector<16xi32>
      %and3A_1794 = arith.constant 15 : i32
      %and3A_1795 = vector.broadcast %and3A_1794 : i32 to vector<16xi32>
      %and3A_1796 = arith.andi %add3A_1793, %and3A_1795 : vector<16xi32>
      %gather3A_1797 = tpu.vector_load_idx %arg11[%iota3A, %and3A_1796] : memref<16x16xf32, #tpu.memory_space<vmem>>[vector<16xi32>, vector<16xi32>], vector<16xf32>,
      %add3A_1798 = arith.addf %add3A_1779, %gather3A_1797 : vector<16xf32>
      %add3A_1799 = arith.addf %add3A_1787, %add3A_1798 : vector<16xf32>
      %mul3A_1800 = arith.constant 7.812500e-03 : f32
      %mul3A_1801 = vector.broadcast %mul3A_1800 : f32 to vector<16xf32>
      %mul3A_1802 = arith.mulf %add3A_1799, %mul3A_1801 : vector<16xf32>
      %mul3A_1803 = arith.constant 16 : i32
      %mul3A_1804 = arith.muli %add3A_239, %mul3A_1803 : i32
      %mul3A_1805 = arith.constant 16 : i32
      %mul3A_1806 = arith.muli %add3A_269, %mul3A_1805 : i32
      %add3A_1807 = arith.addi %mul3A_1804, %mul3A_1806 : i32
      %swap3A_1808 = arith.index_cast %add3A_1807 : i32 to index
      %swap3A_1809 = tpu.vector_load %arg12[%swap3A_1808] {strides = array<i32>} : memref<512xf32, #tpu.memory_space<vmem>>, vector<16xf32>,
      tpu.vector_store %arg12[%swap3A_1808], %mul3A_1802 {strides = array<i32>} : memref<512xf32, #tpu.memory_space<vmem>>, vector<16xf32>,
      %scan3A_1810 = arith.constant 1 : i32
      %mul3A_1811 = arith.constant 16 : i32
      %mul3A_1812 = arith.muli %add3A_239, %mul3A_1811 : i32
      %mul3A_1813 = arith.constant 16 : i32
      %mul3A_1814 = arith.muli %add3A_239, %mul3A_1813 : i32
      %add3A_1815 = arith.addi %mul3A_2, %mul3A_1814 : i32
      %dma_start3A_1816 = tpu.memref_slice %arg12[%mul3A_1812] : memref<512xf32, #tpu.memory_space<vmem>> -> memref<16xf32, #tpu.memory_space<vmem>>
      %dma_start3A_1817 = tpu.memref_slice %arg6[%add3A_1815] : memref<16384xf32, #tpu.memory_space<hbm>> -> memref<16xf32, #tpu.memory_space<hbm>>
      %dma_start3A_1818 = tpu.memref_slice %arg6[%add3A_1815] : memref<16384xf32, #tpu.memory_space<hbm>> -> memref<16xf32, #tpu.memory_space<hbm>>
      %dma_start3A_1819 = tpu.memref_slice %arg12[%mul3A_1812] : memref<512xf32, #tpu.memory_space<vmem>> -> memref<16xf32, #tpu.memory_space<vmem>>
      tpu.enqueue_dma source(%dma_start3A_1819 : memref<16xf32, #tpu.memory_space<vmem>>) target(%dma_start3A_1818 : memref<16xf32, #tpu.memory_space<hbm>>) target_semaphore(%arg16 : memref<!tpu.dma_semaphore, #tpu.memory_space<semaphore_mem>>)
      %add3A_1820 = arith.constant 8 : i32
      %add3A_1821 = arith.addi %add3A_239, %add3A_1820 : i32
      %lt3A = arith.constant 32 : i32
      %lt3A_1822 = arith.cmpi slt, %add3A_1821, %lt3A : i32
      %convert_element_type3A = arith.extui %lt3A_1822 : i1 to i32
      %cond3A = arith.constant 0 : i32
      %cond3A_1823 = arith.cmpi ne, %convert_element_type3A, %cond3A : i32
      scf.if %cond3A_1823 {
        %add3A_1824 = arith.constant 8 : i32
        %add3A_1825 = arith.addi %add3A_239, %add3A_1824 : i32
        %mul3A_1826 = arith.constant 16 : i32
        %mul3A_1827 = arith.muli %add3A_1825, %mul3A_1826 : i32
        %dma_start3A_1828 = arith.constant 0 : i32
        %dma_start3A_1829 = arith.constant 0 : i32
        %dma_start3A_1830 = tpu.memref_slice %arg9[%rem3A_240, %dma_start3A_1828, %dma_start3A_1829] : memref<8x16x128xf32, #tpu.memory_space<vmem>> -> memref<1x16x128xf32, #tpu.memory_space<vmem>>
        %dma_start3A_1831 = tpu.memref_squeeze %dma_start3A_1830 : memref<1x16x128xf32, #tpu.memory_space<vmem>> -> memref<16x128xf32, #tpu.memory_space<vmem>>
        %dma_start3A_1832 = tpu.memref_slice %arg7[%mul3A_1827] : memref<512xi32, #tpu.memory_space<vmem>> -> memref<16xi32, #tpu.memory_space<vmem>>
        %dma_start3A_1833 = arith.constant 0 : i32
        %dma_start3A_1834 = arith.constant 0 : i32
        %dma_start3A_1835 = tpu.memref_slice %arg4[%dma_start3A_1833, %dma_start3A_1834] : memref<1000000x128xf32, #tpu.memory_space<hbm>> -> memref<1000000x128xf32, #tpu.memory_space<hbm>>
        %dma_start3A_1836 = tpu.memref_slice %arg13[%rem3A_240] : memref<8x!tpu.dma_semaphore, #tpu.memory_space<semaphore_mem>> -> memref<1x!tpu.dma_semaphore, #tpu.memory_space<semaphore_mem>>
        %dma_start3A_1837 = tpu.memref_squeeze %dma_start3A_1836 : memref<1x!tpu.dma_semaphore, #tpu.memory_space<semaphore_mem>> -> memref<!tpu.dma_semaphore, #tpu.memory_space<semaphore_mem>>
        tpu.enqueue_indirect_dma source(%dma_start3A_1835 : memref<1000000x128xf32, #tpu.memory_space<hbm>>) target(%dma_start3A_1831 : memref<16x128xf32, #tpu.memory_space<vmem>>) offsets(%dma_start3A_1832 : memref<16xi32, #tpu.memory_space<vmem>>) semaphore(%dma_start3A_1837 : memref<!tpu.dma_semaphore, #tpu.memory_space<semaphore_mem>>)
        %mul3A_1838 = arith.constant 16 : i32
        %mul3A_1839 = arith.muli %add3A_1825, %mul3A_1838 : i32
        %dma_start3A_1840 = arith.constant 0 : i32
        %dma_start3A_1841 = arith.constant 0 : i32
        %dma_start3A_1842 = tpu.memref_slice %arg10[%rem3A_240, %dma_start3A_1840, %dma_start3A_1841] : memref<8x16x128xf32, #tpu.memory_space<vmem>> -> memref<1x16x128xf32, #tpu.memory_space<vmem>>
        %dma_start3A_1843 = tpu.memref_squeeze %dma_start3A_1842 : memref<1x16x128xf32, #tpu.memory_space<vmem>> -> memref<16x128xf32, #tpu.memory_space<vmem>>
        %dma_start3A_1844 = tpu.memref_slice %arg8[%mul3A_1839] : memref<512xi32, #tpu.memory_space<vmem>> -> memref<16xi32, #tpu.memory_space<vmem>>
        %dma_start3A_1845 = arith.constant 0 : i32
        %dma_start3A_1846 = arith.constant 0 : i32
        %dma_start3A_1847 = tpu.memref_slice %arg5[%dma_start3A_1845, %dma_start3A_1846] : memref<100000x128xf32, #tpu.memory_space<hbm>> -> memref<100000x128xf32, #tpu.memory_space<hbm>>
        %dma_start3A_1848 = tpu.memref_slice %arg14[%rem3A_240] : memref<8x!tpu.dma_semaphore, #tpu.memory_space<semaphore_mem>> -> memref<1x!tpu.dma_semaphore, #tpu.memory_space<semaphore_mem>>
        %dma_start3A_1849 = tpu.memref_squeeze %dma_start3A_1848 : memref<1x!tpu.dma_semaphore, #tpu.memory_space<semaphore_mem>> -> memref<!tpu.dma_semaphore, #tpu.memory_space<semaphore_mem>>
        tpu.enqueue_indirect_dma source(%dma_start3A_1847 : memref<100000x128xf32, #tpu.memory_space<hbm>>) target(%dma_start3A_1843 : memref<16x128xf32, #tpu.memory_space<vmem>>) offsets(%dma_start3A_1844 : memref<16xi32, #tpu.memory_space<vmem>>) semaphore(%dma_start3A_1849 : memref<!tpu.dma_semaphore, #tpu.memory_space<semaphore_mem>>)
      } else {
      }
    }
    %scan3A_232 = arith.constant 32 : i32
    %dma_wait3A_233 = tpu.memref_slice %arg6[%mul3A_2] : memref<16384xf32, #tpu.memory_space<hbm>> -> memref<512xf32, #tpu.memory_space<hbm>>
    %dma_wait3A_234 = tpu.memref_slice %arg6[%mul3A_2] : memref<16384xf32, #tpu.memory_space<hbm>> -> memref<512xf32, #tpu.memory_space<hbm>>
    tpu.wait_dma2 semaphore(%arg16 : memref<!tpu.dma_semaphore, #tpu.memory_space<semaphore_mem>>) src(%arg12 : memref<512xf32, #tpu.memory_space<vmem>>) dst(%dma_wait3A_234 : memref<512xf32, #tpu.memory_space<hbm>>)
    return
  }
}

</mosaic_0001>

<sc_bundles>
// kernel: kernel.3.cloned.1.call-start
scs
__scs_entry_jumppad:
0x0: {  	(pc) =	sbr.rel $0x88, $3  }
0x1: {  	(tag) =	ssettag $0x0;
	lr =	simm.s32 $0x1  }
0x2: {  	[smem:$0x3F9D] =	sst lr;
	_ =	strace $0xD0000000  }
0x3: {  	_ = 	snop  }
0x4: {  	_ = 	snop  }
0x5: {  	_ = 	snop  }
0x6: {  	_ = 	snop  }
0x7: {  	_ = 	snop  }
__scs_overlays_trampoline_lowered:
0x8: {  	[smem:$0x3FAC] =	sst s0  }
0x9: {  	[smem:$0x3FAD] =	sst s1  }
0xa: {  	[smem:$0x3FAE] =	sst s2  }
0xb: {  	[smem:$0x3FAF] =	sst s3  }
0xc: {  	[smem:$0x3FB0] =	sst s4  }
0xd: {  	[smem:$0x3FB1] =	sst s5  }
0xe: {  	[smem:$0x3FB2] =	sst s6  }
0xf: {  	[smem:$0x3FB3] =	sst s7  }
0x10: {  	[smem:$0x3FB4] =	sst s8  }
0x11: {  	[smem:$0x3FB5] =	sst s9;
	s0 =	simm.s32 @!p0 $0x0  }
0x12: {  	s1 =	sld [smem:$0x3F9B];
	s0 =	simm.s32 @p0 $0x1  }
0x13: {  	[smem:$0x3FB6] =	sst s0;
	s0 =	simm.s32 @!p1 $0x0  }
0x14: {  	s2 =	sld [smem:$0x3F9A];
	s0 =	simm.s32 @p1 $0x1  }
0x15: {  	[smem:$0x3FB7] =	sst s0;
	s0 =	simm.s32 @!p2 $0x0  }
0x16: {  	s3 =	sld [smem:$0x3FDB];
	s0 =	simm.s32 @p2 $0x1  }
0x17: {  	s4 =	simm.s32 $0x1BF5;
	[smem:$0x3FB9] =	sst s0  }
0x18: {  	s0 =	sld [smem:$0x3F9C];
	_ =	swait.ge [sflag:s4], $0x0  }
0x19: {  	s7 =	sld [smem:$0x3F9D]  }
0x1a: {  	s8 =	sadd.s32 $0xFFFFE003, lr  }
0x1b: {  	s9 =	sadd.s32 $0xFFFFFEF7, lr;
	s5 =	simm.s32 $0xFFFFFFFF;
	p2 =	slt.u32 s8, $0xFFFFF086  }
0x1c: {  	p1 =	slt.u32 s9, $0xF7A;
	s5 =	simm.s32 @!p2 $0x0  }
0x1d: {  	s5 =	simm.s32 @p1 $0x1;
	p0 =	seq.s32 s7, s2  }
0x1e: {  	s7 =	smul.u32 @!p0 $0xF7A, s2;
	p2 =	seq.s32 @!p0 s5, $0x0  }
0x1f: {  	s9 =	smul.u32 $0xF7A, s1;
	s8 =	simm.s32 @!p0 $0x1BF5;
	p2 =	por !p2, p0  }
0x20: {  	[sflag:s8] =	ssyncset.s32 @!p0 $0xFFFFF086;
	s6 =	sadd.s32 @!p0 s3, s7;
	s7 =	simm.s32 @!p0 $0x108  }
0x21: {  	s3 =	sadd.s32 s3, s9;
	s6 =	sadd.s32 @!p0 $0x88, s6;
	s7 =	simm.s32 @p2 $0x1082  }
0x22: {  	[simem:s7], [sflag:s8] =	dma.local @!p0 [hbm:s6], $0xF7A  }
0x23: {  	s9 =	sor.u32 $0xD0000000, s2;
	s6 =	simm.s32 $0x108;
	_ =	swait.ge @!p0 [sflag:s8], $0x0  }
0x24: {  	s3 =	sadd.s32 $0x88, s3;
	s6 =	simm.s32 @!p1 $0x1082;
	[sflag:s4] =	ssyncset.s32 $0xFFFFF086  }
0x25: {  	[simem:s6], [sflag:s4] =	dma.local [hbm:s3], $0xF7A  }
0x26: {  	[smem:$0x3F9D] =	sst s1;
	(tag) =	ssettag s2;
	_ =	strace s9  }
0x27: {  	s1 =	sld [smem:$0x3FAD]  }
0x28: {  	s2 =	sld [smem:$0x3FAE]  }
0x29: {  	s4 =	sld [smem:$0x3FB0]  }
0x2a: {  	p0 =	seq.s32 s5, $0x0;
	s5 =	sld [smem:$0x3FB1]  }
0x2b: {  	s6 =	sld [smem:$0x3FB2]  }
0x2c: {  	s7 =	sld [smem:$0x3FB3]  }
0x2d: {  	s3 =	simm.s32 $0x108;
	s8 =	sld [smem:$0x3FB4]  }
0x2e: {  	s3 =	simm.s32 @!p0 $0x1082;
	s9 =	sld [smem:$0x3FB5]  }
0x2f: {  	lr =	sadd.s32 s0, s3;
	s0 =	sld [smem:$0x3FAC]  }
0x30: {  	s3 =	sld [smem:$0x3FAF]  }
0x31: {  	[smem:$0x3FB8] =	sst s10  }
0x32: {  	s10 =	sld [smem:$0x3FB6];
	_ =	sdelay $0x3  }
0x33: {  	p0 =	seq.s32 s10, $0x1;
	s10 =	sld [smem:$0x3FB8];
	_ =	sdelay $0x3  }
0x34: {  	[smem:$0x3FB8] =	sst s10  }
0x35: {  	s10 =	sld [smem:$0x3FB7];
	_ =	sdelay $0x3  }
0x36: {  	p1 =	seq.s32 s10, $0x1;
	s10 =	sld [smem:$0x3FB8];
	_ =	sdelay $0x3  }
0x37: {  	[smem:$0x3FB8] =	sst s10  }
0x38: {  	s10 =	sld [smem:$0x3FB9]  }
0x39: {  	_ = 	snop;
	(pc) =	sbr.ind lr, $3  }
0x3a: {  	_ = 	snop  }
0x3b: {  	_ = 	snop  }
0x3c: {  	p2 =	seq.s32 s10, $0x1;
	s10 =	sld [smem:$0x3FB8]  }
0x3d: {  	_ =	shalt  }
0x3e: {  	_ =	shalt  }
0x3f: {  	_ =	shalt  }
0x40: {  	_ =	shalt  }
0x41: {  	_ =	shalt  }
0x42: {  	_ =	shalt  }
0x43: {  	_ =	shalt  }
0x44: {  	_ =	shalt  }
0x45: {  	_ =	shalt  }
0x46: {  	_ =	shalt  }
0x47: {  	_ =	shalt  }
0x48: {  	_ =	shalt  }
0x49: {  	_ =	shalt  }
0x4a: {  	_ =	shalt  }
0x4b: {  	_ =	shalt  }
0x4c: {  	_ =	shalt  }
0x4d: {  	_ =	shalt  }
0x4e: {  	_ =	shalt  }
0x4f: {  	_ =	shalt  }
0x50: {  	_ =	shalt  }
0x51: {  	_ =	shalt  }
0x52: {  	_ =	shalt  }
0x53: {  	_ =	shalt  }
0x54: {  	_ =	shalt  }
0x55: {  	_ =	shalt  }
0x56: {  	_ =	shalt  }
0x57: {  	_ =	shalt  }
0x58: {  	_ =	shalt  }
0x59: {  	_ =	shalt  }
0x5a: {  	_ =	shalt  }
0x5b: {  	_ =	shalt  }
0x5c: {  	_ =	shalt  }
0x5d: {  	_ =	shalt  }
0x5e: {  	_ =	shalt  }
0x5f: {  	_ =	shalt  }
0x60: {  	_ =	shalt  }
0x61: {  	_ =	shalt  }
0x62: {  	_ =	shalt  }
0x63: {  	_ =	shalt  }
0x64: {  	_ =	shalt  }
0x65: {  	_ =	shalt  }
0x66: {  	_ =	shalt  }
0x67: {  	_ =	shalt  }
0x68: {  	_ =	shalt  }
0x69: {  	_ =	shalt  }
0x6a: {  	_ =	shalt  }
0x6b: {  	_ =	shalt  }
0x6c: {  	_ =	shalt  }
0x6d: {  	_ =	shalt  }
0x6e: {  	_ =	shalt  }
0x6f: {  	_ =	shalt  }
0x70: {  	_ =	shalt  }
0x71: {  	_ =	shalt  }
0x72: {  	_ =	shalt  }
0x73: {  	_ =	shalt  }
0x74: {  	_ =	shalt  }
0x75: {  	_ =	shalt  }
0x76: {  	_ =	shalt  }
0x77: {  	_ =	shalt  }
0x78: {  	_ =	shalt  }
0x79: {  	_ =	shalt  }
0x7a: {  	_ =	shalt  }
0x7b: {  	_ =	shalt  }
0x7c: {  	_ =	shalt  }
0x7d: {  	_ =	shalt  }
0x7e: {  	_ =	shalt  }
0x7f: {  	_ =	shalt  }
0x80: {  	_ =	shalt  }
0x81: {  	_ =	shalt  }
0x82: {  	_ =	shalt  }
0x83: {  	_ =	shalt  }
0x84: {  	_ =	shalt  }
0x85: {  	_ =	shalt  }
0x86: {  	_ =	shalt  }
0x87: {  	_ =	shalt  }
.Lfunc_end0:
.L_simem_size_0:
called_computation_lowered:
.L_overlay_start_0:
0x88: {  	s2 =	sld [smem:$0x3FD9]  }
0x89: {  	s3 =	sld [smem:$0x3FFE];
	_ =	sdelay $0x1  }
0x8a: {  	s1 =	srdreg.scid  }
0x8b: {  	s0 =	sand.u32 $0x1, s1  }
0x8c: {  	s18 =	sshll.u32 s0, $0xA;
	s2 =	sadd.s32 s3, s2  }
0x8d: {  	s2 =	sadd.s32 s2, s18  }
0x8e: {  	[smem:$0x3FC4] =	sst s2  }
0x8f: {  	_ = 	snop  }
0x90: {  	s2 =	sld [smem:$0x3FC9]  }
0x91: {  	s19 =	sld [smem:$0x3FC8]  }
0x92: {  	s4 =	sld [smem:$0x3FC7]  }
0x93: {  	s5 =	sld [smem:$0x3FC6]  }
0x94: {  	s6 =	sld [smem:$0x3FD0];
	(tm) =	ssettm $0x1  }
0x95: {  	s7 =	sld [smem:$0x3FFB];
	_ =	sdelay $0x3  }
0x96: {  	_ =	strace s7  }
0x97: {  	s7 =	sld [smem:$0x3FFC];
	_ =	sdelay $0x3  }
0x98: {  	_ =	strace s7  }
0x99: {  	s7 =	sld [smem:$0x3FFD];
	_ =	sdelay $0x3  }
0x9a: {  	_ =	strace s7  }
0x9b: {  	_ =	strace $0x8FFFFFFF  }
0x9c: {  	s20 =	sld [smem:$0x3FDB];
	_ =	sdelay $0x1  }
0x9d: {  	s8 =	simm.s32 $_scs_section_size  }
0x9e: {  	s9 =	simm.s32 $_size__tile_overlayer_lowered;
	s10 =	simm.s32 $_tile_overlayer_lowered  }
0x9f: {  	s23 =	simm.s32 $0x1BFF;
	s22 =	sshll.u32 s10, $0x1;
	s7 =	sadd.s32 s8, s20  }
0xa0: {  	s11 =	simm.s32 $0x0;
	s21 =	sshll.u32 s9, $0x1;
	s9 =	sadd.s32 s22, s7  }
0xa1: {  	[timem:s11], [sflag:s23] =	dma.local [hbm:s9], s21  }
0xa2: {  	_ =	swait.ge [sflag:s23], s21  }
0xa3: {  	s8 =	ssub.s32 $0x0, s21;
	[sflag:s23] =	ssyncset.done $0x0  }
0xa4: {  	[sflag:s23] =	ssyncadd.s32 s8;
	_ =	sdelay $0x1  }
0xa5: {  	s24 =	simm.s32 $0x1B8B  }
0xa6: {  	_ =	swait.ge [sflag:s24], $0x1  }
0xa7: {  	[sflag:s24] =	ssyncset.done $0x0  }
0xa8: {  	s25 =	simm.s32 $0x1B8E;
	[sflag:s24] =	ssyncadd.s32 $0xFFFFFFFF  }
0xa9: {  	s26 =	simm.s32 $execute0_lowered;
	[smem:$0x3FD2] =	sst s25  }
0xaa: {  	s8 =	sshll.u32 s26, $0x1;
	_ =	strace $0x80000046;
	[dreg:$0x1] =	wrdreg $0xFFFFFFFF  }
0xab: {  	s28 =	simm.s32 $_size_execute0_lowered;
	s7 =	sadd.s32 s7, s8;
	[dreg:$0x0] =	wrdreg $0x0  }
0xac: {  	s8 =	sshll.u32 s28, $0x1;
	[dreg:$0x2] =	wrdreg s7  }
0xad: {  	[dreg:$0x3] =	wrdreg s8  }
0xae: {  	[dreg:$0x4] =	wrdreg $0xC0  }
0xaf: {  	_ =	task [dreg:s11], $0x5FFFF  }
0xb0: {  	[dreg:$0x1] =	wrdreg $0xFFFFFFFF  }
0xb1: {  	[dreg:$0x0] =	wrdreg $0x60  }
0xb2: {  	[dreg:$0x2] =	wrdreg s2  }
0xb3: {  	[dreg:$0x3] =	wrdreg s19  }
0xb4: {  	[dreg:$0x4] =	wrdreg s4  }
0xb5: {  	[dreg:$0x5] =	wrdreg s5  }
0xb6: {  	[dreg:$0x6] =	wrdreg s6  }
0xb7: {  	[dreg:$0x7] =	wrdreg $0x9  }
0xb8: {  	_ =	task.clear_ibuf [dreg:s11], $0x8FFFF;
	_ =	strace $0x90000046  }
0xb9: {  	s29 =	simm.s32 $0x9;
	_ =	strace $0x80000048  }
0xba: {  	_ =	swait.ge [sflag:s29], $0x1  }
0xbb: {  	[sflag:s29] =	ssyncadd.s32 $0xFFFFFFFF  }
0xbc: {  	_ =	strace $0x90000048  }
0xbd: {  	_ =	sfence  }
0xbe: {  	s30 =	sld [smem:$0x0];
	_ =	sdelay $0x2  }
0xbf: {  	s31 =	sshll.u32 s1, $0xD;
	s1 =	sshrl.u32 s1, $0x2  }
0xc0: {  	s3 =	sand.u32 $0x4000, s31;
	s1 =	sadd.s32 s1, s30  }
0xc1: {  	s0 =	sor.u32 s3, s0;
	s1 =	sshll.u32 s1, $0x11  }
0xc2: {  	s0 =	sor.u32 s1, s0  }
0xc3: {  	s0 =	sadd.s32 $0x8F2B, s0  }
0xc4: {  	[sflag:s0] =	ssyncadd.remote.s32 $0x1  }
0xc5: {  	_ =	sfence.sel $0xFFFF  }
0xc6: {  	[dreg:$0x0] =	wrdreg $0xFFFFFFFF;
	(pc) =	sbr.abs _section_cstart, $3  }
0xc7: {  	[dreg:$0x1] =	wrdreg $0xFFFFFFFF  }
0xc8: {  	_ =	task.clear_ibuf [dreg:s11], $0x2FFFF;
	_ =	strace $0x9FFFFFFF  }
0xc9: {  	(tm) =	ssettm $0x7FFFFFFF  }
tec
execute0_lowered:
.L_overlay_start_1:
0x0: {  	(tag) =	ssettag $0x1  }
0x1: {  	v0 =	vimm.s32 $0x780;
	vm14 =	vcmask $0x300  }
0x2: {  	vm13 =	vcmask $0x704;
	vm12 =	vcmask $0xB08;
	vm11 =	vcmask $0xF0C  }
0x3: {  	vm10 =	vcmask $0x1310;
	vm9 =	vcmask $0x1714;
	v1 =	vlaneseq.u32  }
0x4: {  	vm2 =	vcmask $0x1B18;
	vm0 =	vcmask $0x1F1C;
	v3 =	vimm.s32 $0x782  }
0x5: {  	vm1 =	vcmask $0x2320;
	vm3 =	vcmask $0x2724;
	vm4 =	vcmask $0x2B28  }
0x6: {  	vm5 =	vcmask $0x2F2C;
	vm6 =	vcmask $0x3330;
	vm7 =	vcmask $0x3734  }
0x7: {  	vm8 =	vcmask $0x3B38;
	v4 =	vimm.s32 $0x783;
	v5 =	vimm.s32 $0x784  }
0x8: {  	v6 =	vimm.s32 $0x785;
	v7 =	vimm.s32 $0x786;
	v8 =	vimm.s32 $0x787  }
0x9: {  	v9 =	vimm.s32 $0x788;
	v10 =	vimm.s32 $0x789;
	v11 =	vimm.s32 $0x78A  }
0xa: {  	v12 =	vimm.s32 $0x78B;
	v13 =	vimm.s32 $0x78C;
	v14 =	vimm.s32 $0x78D  }
0xb: {  	v15 =	vimm.s32 $0x78E;
	v0 =	vsel vm14, $0x1, v0;
	v3 =	vsel vm14, $0x3, v3  }
0xc: {  	v4 =	vsel vm14, $0x4, v4;
	v5 =	vsel vm14, $0x5, v5;
	v6 =	vsel vm14, $0x6, v6  }
0xd: {  	v7 =	vsel vm14, $0x7, v7;
	v8 =	vsel vm14, $0x8, v8;
	v9 =	vsel vm14, $0x9, v9  }
0xe: {  	v10 =	vsel vm14, $0xA, v10;
	v11 =	vsel vm14, $0xB, v11;
	v12 =	vsel vm14, $0xC, v12  }
0xf: {  	v13 =	vsel vm14, $0xD, v13;
	v14 =	vsel vm14, $0xE, v14;
	v15 =	vsel vm14, $0xF, v15  }
0x10: {  	v0 =	vsel vm13, $0x82, v0;
	v3 =	vsel vm13, $0x84, v3;
	v4 =	vsel vm13, $0x85, v4  }
0x11: {  	v5 =	vsel vm13, $0x86, v5;
	v6 =	vsel vm13, $0x87, v6;
	v7 =	vsel vm13, $0x88, v7  }
0x12: {  	v8 =	vsel vm13, $0x89, v8;
	v9 =	vsel vm13, $0x8A, v9;
	v10 =	vsel vm13, $0x8B, v10  }
0x13: {  	v11 =	vsel vm13, $0x8C, v11;
	v12 =	vsel vm13, $0x8D, v12;
	v13 =	vsel vm13, $0x8E, v13  }
0x14: {  	v14 =	vsel vm13, $0x8F, v14;
	v15 =	vsel vm13, $0x80, v15;
	v0 =	vsel vm12, $0x103, v0  }
0x15: {  	v3 =	vsel vm12, $0x105, v3;
	v4 =	vsel vm12, $0x106, v4;
	v5 =	vsel vm12, $0x107, v5  }
0x16: {  	v6 =	vsel vm12, $0x108, v6;
	v7 =	vsel vm12, $0x109, v7;
	v8 =	vsel vm12, $0x10A, v8  }
0x17: {  	v9 =	vsel vm12, $0x10B, v9;
	v10 =	vsel vm12, $0x10C, v10;
	v11 =	vsel vm12, $0x10D, v11  }
0x18: {  	v12 =	vsel vm12, $0x10E, v12;
	v13 =	vsel vm12, $0x10F, v13;
	v14 =	vsel vm12, $0x100, v14  }
0x19: {  	v15 =	vsel vm12, $0x101, v15;
	v0 =	vsel vm11, $0x184, v0;
	v3 =	vsel vm11, $0x186, v3  }
0x1a: {  	v4 =	vsel vm11, $0x187, v4;
	v5 =	vsel vm11, $0x188, v5;
	v6 =	vsel vm11, $0x189, v6  }
0x1b: {  	v7 =	vsel vm11, $0x18A, v7;
	v8 =	vsel vm11, $0x18B, v8;
	v9 =	vsel vm11, $0x18C, v9  }
0x1c: {  	v10 =	vsel vm11, $0x18D, v10;
	v11 =	vsel vm11, $0x18E, v11;
	v12 =	vsel vm11, $0x18F, v12  }
0x1d: {  	v13 =	vsel vm11, $0x180, v13;
	v14 =	vsel vm11, $0x181, v14;
	v15 =	vsel vm11, $0x182, v15  }
0x1e: {  	v0 =	vsel vm10, $0x205, v0;
	v3 =	vsel vm10, $0x207, v3;
	v4 =	vsel vm10, $0x208, v4  }
0x1f: {  	v5 =	vsel vm10, $0x209, v5;
	v6 =	vsel vm10, $0x20A, v6;
	v7 =	vsel vm10, $0x20B, v7  }
0x20: {  	v8 =	vsel vm10, $0x20C, v8;
	v9 =	vsel vm10, $0x20D, v9;
	v10 =	vsel vm10, $0x20E, v10  }
0x21: {  	v11 =	vsel vm10, $0x20F, v11;
	v12 =	vsel vm10, $0x200, v12;
	v13 =	vsel vm10, $0x201, v13  }
0x22: {  	v14 =	vsel vm10, $0x202, v14;
	v15 =	vsel vm10, $0x203, v15;
	v2 =	vsel vm9, $0x286, v0  }
0x23: {  	v0 =	vmul.u32 $0x81, v1;
	v3 =	vsel vm9, $0x288, v3;
	v4 =	vsel vm9, $0x289, v4  }
0x24: {  	v5 =	vsel vm9, $0x28A, v5;
	v6 =	vsel vm9, $0x28B, v6;
	v7 =	vsel vm9, $0x28C, v7  }
0x25: {  	v8 =	vsel vm9, $0x28D, v8;
	v9 =	vsel vm9, $0x28E, v9;
	v10 =	vsel vm9, $0x28F, v10  }
0x26: {  	v11 =	vsel vm9, $0x280, v11;
	v12 =	vsel vm9, $0x281, v12;
	v13 =	vsel vm9, $0x282, v13  }
0x27: {  	v14 =	vsel vm9, $0x283, v14;
	v15 =	vsel vm9, $0x284, v15;
	v1 =	vsel vm2, $0x307, v2  }
0x28: {  	v2 =	vimm.s32 $0x781;
	v3 =	vsel vm2, $0x309, v3;
	v4 =	vsel vm2, $0x30A, v4  }
0x29: {  	v5 =	vsel vm2, $0x30B, v5;
	v6 =	vsel vm2, $0x30C, v6;
	v7 =	vsel vm2, $0x30D, v7  }
0x2a: {  	v8 =	vsel vm2, $0x30E, v8;
	v9 =	vsel vm2, $0x30F, v9;
	v10 =	vsel vm2, $0x300, v10  }
0x2b: {  	v11 =	vsel vm2, $0x301, v11;
	v12 =	vsel vm2, $0x302, v12;
	v13 =	vsel vm2, $0x303, v13  }
0x2c: {  	v14 =	vsel vm2, $0x304, v14;
	v15 =	vsel vm2, $0x305, v15;
	v1 =	vsel vm0, $0x388, v1  }
0x2d: {  	v2 =	vsel vm14, $0x2, v2;
	v3 =	vsel vm0, $0x38A, v3;
	v4 =	vsel vm0, $0x38B, v4  }
0x2e: {  	v5 =	vsel vm0, $0x38C, v5;
	v6 =	vsel vm0, $0x38D, v6;
	v7 =	vsel vm0, $0x38E, v7  }
0x2f: {  	v8 =	vsel vm0, $0x38F, v8;
	v9 =	vsel vm0, $0x380, v9;
	v10 =	vsel vm0, $0x381, v10  }
0x30: {  	v11 =	vsel vm0, $0x382, v11;
	v12 =	vsel vm0, $0x383, v12;
	v13 =	vsel vm0, $0x384, v13  }
0x31: {  	v14 =	vsel vm0, $0x385, v14;
	v15 =	vsel vm0, $0x386, v15;
	v2 =	vsel vm13, $0x83, v2  }
0x32: {  	v1 =	vsel vm1, $0x409, v1;
	v3 =	vsel vm1, $0x40B, v3;
	v4 =	vsel vm1, $0x40C, v4  }
0x33: {  	v5 =	vsel vm1, $0x40D, v5;
	v6 =	vsel vm1, $0x40E, v6;
	v7 =	vsel vm1, $0x40F, v7  }
0x34: {  	v8 =	vsel vm1, $0x400, v8;
	v9 =	vsel vm1, $0x401, v9;
	v10 =	vsel vm1, $0x402, v10  }
0x35: {  	v11 =	vsel vm1, $0x403, v11;
	v12 =	vsel vm1, $0x404, v12;
	v13 =	vsel vm1, $0x405, v13  }
0x36: {  	v14 =	vsel vm1, $0x406, v14;
	v15 =	vsel vm1, $0x407, v15;
	v2 =	vsel vm12, $0x104, v2  }
0x37: {  	v1 =	vsel vm3, $0x48A, v1;
	v3 =	vsel vm3, $0x48C, v3;
	v4 =	vsel vm3, $0x48D, v4  }
0x38: {  	v5 =	vsel vm3, $0x48E, v5;
	v6 =	vsel vm3, $0x48F, v6;
	v7 =	vsel vm3, $0x480, v7  }
0x39: {  	v8 =	vsel vm3, $0x481, v8;
	v9 =	vsel vm3, $0x482, v9;
	v10 =	vsel vm3, $0x483, v10  }
0x3a: {  	v11 =	vsel vm3, $0x484, v11;
	v12 =	vsel vm3, $0x485, v12;
	v13 =	vsel vm3, $0x486, v13  }
0x3b: {  	v14 =	vsel vm3, $0x487, v14;
	v15 =	vsel vm3, $0x488, v15;
	v2 =	vsel vm11, $0x185, v2  }
0x3c: {  	v1 =	vsel vm4, $0x50B, v1;
	v3 =	vsel vm4, $0x50D, v3;
	v4 =	vsel vm4, $0x50E, v4  }
0x3d: {  	v5 =	vsel vm4, $0x50F, v5;
	v6 =	vsel vm4, $0x500, v6;
	v7 =	vsel vm4, $0x501, v7  }
0x3e: {  	v8 =	vsel vm4, $0x502, v8;
	v9 =	vsel vm4, $0x503, v9;
	v10 =	vsel vm4, $0x504, v10  }
0x3f: {  	v11 =	vsel vm4, $0x505, v11;
	v12 =	vsel vm4, $0x506, v12;
	v13 =	vsel vm4, $0x507, v13  }
0x40: {  	v14 =	vsel vm4, $0x508, v14;
	v15 =	vsel vm4, $0x509, v15;
	v2 =	vsel vm10, $0x206, v2  }
0x41: {  	v1 =	vsel vm5, $0x58C, v1;
	v3 =	vsel vm5, $0x58E, v3;
	v4 =	vsel vm5, $0x58F, v4  }
0x42: {  	v5 =	vsel vm5, $0x580, v5;
	v6 =	vsel vm5, $0x581, v6;
	v7 =	vsel vm5, $0x582, v7  }
0x43: {  	v8 =	vsel vm5, $0x583, v8;
	v9 =	vsel vm5, $0x584, v9;
	v10 =	vsel vm5, $0x585, v10  }
0x44: {  	v11 =	vsel vm5, $0x586, v11;
	v12 =	vsel vm5, $0x587, v12;
	v13 =	vsel vm5, $0x588, v13  }
0x45: {  	v14 =	vsel vm5, $0x589, v14;
	v15 =	vsel vm5, $0x58A, v15;
	v2 =	vsel vm9, $0x287, v2  }
0x46: {  	v1 =	vsel vm6, $0x60D, v1;
	v3 =	vsel vm6, $0x60F, v3;
	v4 =	vsel vm6, $0x600, v4  }
0x47: {  	v5 =	vsel vm6, $0x601, v5;
	v6 =	vsel vm6, $0x602, v6;
	v7 =	vsel vm6, $0x603, v7  }
0x48: {  	s2 =	rddreg [dreg:$0x0];
	v8 =	vsel vm6, $0x604, v8;
	v9 =	vsel vm6, $0x605, v9;
	v10 =	vsel vm6, $0x606, v10  }
0x49: {  	s3 =	rddreg [dreg:$0x1];
	v11 =	vsel vm6, $0x607, v11;
	v12 =	vsel vm6, $0x608, v12;
	v13 =	vsel vm6, $0x609, v13  }
0x4a: {  	s0 =	rddreg [dreg:$0x2];
	v14 =	vsel vm6, $0x60A, v14;
	v15 =	vsel vm6, $0x60B, v15;
	v2 =	vsel vm2, $0x308, v2  }
0x4b: {  	s1 =	rddreg [dreg:$0x3];
	v1 =	vsel vm7, $0x68E, v1;
	v3 =	vsel vm7, $0x680, v3;
	v4 =	vsel vm7, $0x681, v4  }
0x4c: {  	s4 =	srdreg.scid;
	s8 =	rddreg [dreg:$0x4];
	v5 =	vsel vm7, $0x682, v5;
	v6 =	vsel vm7, $0x683, v6;
	v7 =	vsel vm7, $0x684, v7  }
0x4d: {  	s6 =	stileid.u32;
	s10 =	simm.s32 $0x11;
	s11 =	simm.s32 $0x12;
	v8 =	vsel vm7, $0x685, v8;
	v9 =	vsel vm7, $0x686, v9;
	v10 =	vsel vm7, $0x687, v10  }
0x4e: {  	s12 =	simm.s32 $0x10;
	s15 =	simm.s32 $0x3400;
	s16 =	simm.s32 $0x260;
	v11 =	vsel vm7, $0x688, v11;
	v12 =	vsel vm7, $0x689, v12;
	v13 =	vsel vm7, $0x68A, v13  }
0x4f: {  	s17 =	simm.s32 $0x7400;
	s18 =	simm.s32 $0x70;
	s19 =	simm.s32 $0x3C00;
	v14 =	vsel vm7, $0x68B, v14;
	v15 =	vsel vm7, $0x68C, v15;
	v2 =	vsel vm0, $0x389, v2  }
0x50: {  	s20 =	simm.s32 $0x270;
	s21 =	simm.s32 $0x7C00;
	s22 =	simm.s32 $0x8400;
	v1 =	vsel vm8, $0x70F, v1;
	v3 =	vsel vm8, $0x701, v3;
	v2 =	vsel vm1, $0x40A, v2  }
0x51: {  	s23 =	simm.s32 $0x13;
	s24 =	simm.s32 $0x0;
	s5 =	sand.u32 $0x1, s4;
	v4 =	vsel vm8, $0x702, v4;
	v5 =	vsel vm8, $0x703, v5;
	v2 =	vsel vm3, $0x48B, v2  }
0x52: {  	s6 =	sshll.u32 s6, $0xA;
	s4 =	simm.s32 $0x0;
	s7 =	sshll.u32 s5, $0x9;
	v6 =	vsel vm8, $0x704, v6;
	v7 =	vsel vm8, $0x705, v7;
	v2 =	vsel vm4, $0x50C, v2  }
0x53: {  	s5 =	ssub.s32 $0x2, s5;
	[smem:$0x7FF] =	sst s4;
	s6 =	sor.u32 s7, s6;
	v8 =	vsel vm8, $0x706, v8;
	v9 =	vsel vm8, $0x707, v9;
	v2 =	vsel vm5, $0x58D, v2  }
0x54: {  	s31 =	sshrl.u32 s5, $0x1;
	_ =	strace $0x80000047;
	s9 =	sshrl.u32 s6, $0x3;
	v10 =	vsel vm8, $0x708, v10;
	v11 =	vsel vm8, $0x709, v11;
	v2 =	vsel vm6, $0x60E, v2  }
0x55: {  	s7 =	ssub.s32 s5, s31;
	s5 =	sadd.s32 s2, s9;
	s6 =	sadd.s32 s3, s9;
	v12 =	vsel vm8, $0x70A, v12;
	v13 =	vsel vm8, $0x70B, v13;
	v2 =	vsel vm7, $0x68F, v2  }
0x56: {  	s7 =	smax.u32 s7, $0x1;
	s29 =	sadd.s32 s9, s8;
	s9 =	simm.s32 $0x200;
	v14 =	vsel vm8, $0x70C, v14;
	v15 =	vsel vm8, $0x70D, v15;
	v2 =	vsel vm8, $0x700, v2  }
.LBB2_1:
0x57: {  	[tilespmem:s4], [sflag:$0x11] =	stream.linear.gather [hbm4b:s5+s4], $0x200, $0x38;
	[tilespmem:$0x8E00] =	vst v63  }
0x58: {  	_ = 	snop  }
0x59: {  	[tilespmem:s9], [sflag:$0x12] =	stream.linear.gather [hbm4b:s6+s4], $0x200, $0x38;
	[tilespmem:$0x8E00] =	vst v63  }
0x5a: {  	_ =	swait.ge [sflag:s10], $0x200  }
0x5b: {  	[sflag:s10] =	ssyncset.done $0x0  }
0x5c: {  	[sflag:s10] =	ssyncadd.s32 $0xFFFFFE00  }
0x5d: {  	_ =	swait.ge [sflag:s11], $0x200  }
0x5e: {  	[sflag:s11] =	ssyncset.done $0x0  }
0x5f: {  	s2 =	simm.s32 $0x400;
	[sflag:s11] =	ssyncadd.s32 $0xFFFFFE00  }
0x60: {  	[tilespmem:s2], [sflag:$0x1] =	stream.indirect.gather [hbm4b:s0+s12], $0x80, s4, s12, $0xb8;
	[tilespmem:$0x8E00] =	vst v63  }
0x61: {  	s3 =	simm.s32 $0x4400  }
0x62: {  	[tilespmem:s3], [sflag:$0x9] =	stream.indirect.gather [hbm4b:s1+s12], $0x80, s9, s12, $0xb8;
	[tilespmem:$0x8E00] =	vst v63  }
0x63: {  	s8 =	simm.s32 $0xC00  }
0x64: {  	[tilespmem:s8], [sflag:$0x2] =	stream.indirect.gather [hbm4b:s0+s12], $0x80, s12, s12, $0xb8;
	[tilespmem:$0x8E00] =	vst v63  }
0x65: {  	s13 =	simm.s32 $0x210;
	s3 =	simm.s32 $0x4C00  }
0x66: {  	[tilespmem:s3], [sflag:$0xA] =	stream.indirect.gather [hbm4b:s1+s12], $0x80, s13, s12, $0xb8;
	[tilespmem:$0x8E00] =	vst v63  }
0x67: {  	s14 =	simm.s32 $0x20;
	s25 =	simm.s32 $0x1400  }
0x68: {  	[tilespmem:s25], [sflag:$0x3] =	stream.indirect.gather [hbm4b:s0+s12], $0x80, s14, s12, $0xb8;
	[tilespmem:$0x8E00] =	vst v63  }
0x69: {  	s26 =	simm.s32 $0x220;
	s31 =	simm.s32 $0x5400  }
0x6a: {  	[tilespmem:s31], [sflag:$0xB] =	stream.indirect.gather [hbm4b:s1+s12], $0x80, s26, s12, $0xb8;
	[tilespmem:$0x8E00] =	vst v63  }
0x6b: {  	s8 =	simm.s32 $0x30;
	s13 =	simm.s32 $0x1C00  }
0x6c: {  	[tilespmem:s13], [sflag:$0x4] =	stream.indirect.gather [hbm4b:s0+s12], $0x80, s8, s12, $0xb8;
	[tilespmem:$0x8E00] =	vst v63  }
0x6d: {  	s14 =	simm.s32 $0x230;
	s25 =	simm.s32 $0x5C00  }
0x6e: {  	[tilespmem:s25], [sflag:$0xC] =	stream.indirect.gather [hbm4b:s1+s12], $0x80, s14, s12, $0xb8;
	[tilespmem:$0x8E00] =	vst v63  }
0x6f: {  	s26 =	simm.s32 $0x40;
	s31 =	simm.s32 $0x2400  }
0x70: {  	[tilespmem:s31], [sflag:$0x5] =	stream.indirect.gather [hbm4b:s0+s12], $0x80, s26, s12, $0xb8;
	[tilespmem:$0x8E00] =	vst v63  }
0x71: {  	s3 =	simm.s32 $0x240;
	s8 =	simm.s32 $0x6400  }
0x72: {  	[tilespmem:s8], [sflag:$0xD] =	stream.indirect.gather [hbm4b:s1+s12], $0x80, s3, s12, $0xb8;
	[tilespmem:$0x8E00] =	vst v63  }
0x73: {  	s13 =	simm.s32 $0x50;
	s14 =	simm.s32 $0x2C00  }
0x74: {  	[tilespmem:s14], [sflag:$0x6] =	stream.indirect.gather [hbm4b:s0+s12], $0x80, s13, s12, $0xb8;
	[tilespmem:$0x8E00] =	vst v63  }
0x75: {  	s25 =	simm.s32 $0x250;
	s26 =	simm.s32 $0x6C00  }
0x76: {  	[tilespmem:s26], [sflag:$0xE] =	stream.indirect.gather [hbm4b:s1+s12], $0x80, s25, s12, $0xb8;
	[tilespmem:$0x8E00] =	vst v63  }
0x77: {  	s31 =	simm.s32 $0x60  }
0x78: {  	[tilespmem:s15], [sflag:$0x7] =	stream.indirect.gather [hbm4b:s0+s12], $0x80, s31, s12, $0xb8;
	[tilespmem:$0x8E00] =	vst v63  }
0x79: {  	_ = 	snop  }
0x7a: {  	[tilespmem:s17], [sflag:$0xF] =	stream.indirect.gather [hbm4b:s1+s12], $0x80, s16, s12, $0xb8;
	[tilespmem:$0x8E00] =	vst v63  }
0x7b: {  	s28 =	simm.s32 $0x8C00;
	s30 =	simm.s32 $0x0  }
0x7c: {  	[tilespmem:s19], [sflag:$0x8] =	stream.indirect.gather [hbm4b:s0+s12], $0x80, s18, s12, $0xb8;
	[tilespmem:$0x8E00] =	vst v63  }
0x7d: {  	s8 =	smov.u32 s29;
	s25 =	simm.s32 $0x280;
	s26 =	simm.s32 $0x80  }
0x7e: {  	[tilespmem:s21], [sflag:$0x10] =	stream.indirect.gather [hbm4b:s1+s12], $0x80, s20, s12, $0xb8;
	[tilespmem:$0x8E00] =	vst v63  }
.LBB2_2:
0x7f: {  	s2 =	sand.u32 $0x7, s30  }
0x80: {  	s31 =	sadd.s32 $0x1, s2  }
0x81: {  	_ =	swait.ge [sflag:s31], $0x800  }
0x82: {  	[sflag:s31] =	ssyncset.done $0x0  }
0x83: {  	s3 =	sadd.s32 $0x9, s2;
	[sflag:s31] =	ssyncadd.s32 $0xFFFFF800  }
0x84: {  	_ =	swait.ge [sflag:s3], $0x800  }
0x85: {  	[sflag:s3] =	ssyncset.done $0x0  }
0x86: {  	s2 =	sshll.u32 s2, $0xB;
	[sflag:s3] =	ssyncadd.s32 $0xFFFFF800  }
0x87: {  	v16 =	vld [tilespmem:s2+$0x400]  }
0x88: {  	v17 =	vld [tilespmem:s2+$0x4400]  }
0x89: {  	v18 =	vld [tilespmem:s2+$0x410]  }
0x8a: {  	v19 =	vld [tilespmem:s2+$0x4410]  }
0x8b: {  	v20 =	vld [tilespmem:s2+$0x420]  }
0x8c: {  	v21 =	vld [tilespmem:s2+$0x4420]  }
0x8d: {  	v22 =	vld [tilespmem:s2+$0x430]  }
0x8e: {  	v23 =	vld [tilespmem:s2+$0x4430]  }
0x8f: {  	v24 =	vld [tilespmem:s2+$0x440]  }
0x90: {  	v25 =	vld [tilespmem:s2+$0x4440]  }
0x91: {  	v26 =	vld [tilespmem:s2+$0x450]  }
0x92: {  	v27 =	vld [tilespmem:s2+$0x4450]  }
0x93: {  	v28 =	vld [tilespmem:s2+$0x460]  }
0x94: {  	v29 =	vld [tilespmem:s2+$0x4460]  }
0x95: {  	v30 =	vld [tilespmem:s2+$0x470]  }
0x96: {  	v58 =	vld [tilespmem:s2+$0x4470];
	v16 =	vmul.f32 v17, v16;
	v17 =	vmul.f32 v21, v20  }
0x97: {  	v18 =	vmul.f32 v19, v18;
	v59 =	vmul.f32 v23, v22  }
0x98: {  	v60 =	vmul.f32 v27, v26  }
0x99: {  	v16 =	vadd.f32 v17, v16;
	v17 =	vmul.f32 v25, v24;
	v18 =	vadd.f32 v59, v18  }
0x9a: {  	v61 =	vmul.f32 v29, v28  }
0x9b: {  	v62 =	vmul.f32 v58, v30;
	v16 =	vadd.f32 v17, v16;
	v17 =	vadd.f32 v60, v18;
	_ =	sdelay $0x1  }
0x9c: {  	v16 =	vadd.f32 v61, v16;
	v17 =	vadd.f32 v62, v17;
	_ =	sdelay $0x1  }
0x9d: {  	v16 =	vadd.f32 v17, v16;
	_ =	sdelay $0x1  }
0x9e: {  	[tilespmem:$0x8400] =	vst v16  }
0x9f: {  	v16 =	vld [tilespmem:s2+$0x480]  }
0xa0: {  	v17 =	vld [tilespmem:s2+$0x4480]  }
0xa1: {  	v63 =	vld [tilespmem:s2+$0x490]  }
0xa2: {  	v33 =	vld [tilespmem:s2+$0x4490]  }
0xa3: {  	v34 =	vld [tilespmem:s2+$0x4A0]  }
0xa4: {  	v35 =	vld [tilespmem:s2+$0x44A0]  }
0xa5: {  	v36 =	vld [tilespmem:s2+$0x4B0]  }
0xa6: {  	v37 =	vld [tilespmem:s2+$0x44B0]  }
0xa7: {  	v38 =	vld [tilespmem:s2+$0x4C0]  }
0xa8: {  	v39 =	vld [tilespmem:s2+$0x44C0]  }
0xa9: {  	v40 =	vld [tilespmem:s2+$0x4D0]  }
0xaa: {  	v41 =	vld [tilespmem:s2+$0x44D0]  }
0xab: {  	v42 =	vld [tilespmem:s2+$0x4E0]  }
0xac: {  	v43 =	vld [tilespmem:s2+$0x44E0]  }
0xad: {  	v44 =	vld [tilespmem:s2+$0x4F0]  }
0xae: {  	v45 =	vld [tilespmem:s2+$0x44F0];
	v16 =	vmul.f32 v17, v16;
	v17 =	vmul.f32 v35, v34  }
0xaf: {  	v18 =	vmul.f32 v33, v63;
	v46 =	vmul.f32 v37, v36  }
0xb0: {  	v47 =	vmul.f32 v41, v40  }
0xb1: {  	v16 =	vadd.f32 v17, v16;
	v17 =	vmul.f32 v39, v38;
	v18 =	vadd.f32 v46, v18  }
0xb2: {  	v48 =	vmul.f32 v43, v42  }
0xb3: {  	v49 =	vmul.f32 v45, v44;
	v16 =	vadd.f32 v17, v16;
	v17 =	vadd.f32 v47, v18;
	_ =	sdelay $0x1  }
0xb4: {  	v16 =	vadd.f32 v48, v16;
	v17 =	vadd.f32 v49, v17;
	_ =	sdelay $0x1  }
0xb5: {  	v16 =	vadd.f32 v17, v16;
	_ =	sdelay $0x1  }
0xb6: {  	[tilespmem:$0x8480] =	vst v16  }
0xb7: {  	v16 =	vld [tilespmem:s2+$0x500]  }
0xb8: {  	v17 =	vld [tilespmem:s2+$0x4500]  }
0xb9: {  	v50 =	vld [tilespmem:s2+$0x510]  }
0xba: {  	v51 =	vld [tilespmem:s2+$0x4510]  }
0xbb: {  	v52 =	vld [tilespmem:s2+$0x520]  }
0xbc: {  	v53 =	vld [tilespmem:s2+$0x4520]  }
0xbd: {  	v54 =	vld [tilespmem:s2+$0x530]  }
0xbe: {  	v55 =	vld [tilespmem:s2+$0x4530]  }
0xbf: {  	v56 =	vld [tilespmem:s2+$0x540]  }
0xc0: {  	v57 =	vld [tilespmem:s2+$0x4540]  }
0xc1: {  	v58 =	vld [tilespmem:s2+$0x550]  }
0xc2: {  	v59 =	vld [tilespmem:s2+$0x4550]  }
0xc3: {  	v60 =	vld [tilespmem:s2+$0x560]  }
0xc4: {  	v61 =	vld [tilespmem:s2+$0x4560]  }
0xc5: {  	v62 =	vld [tilespmem:s2+$0x570]  }
0xc6: {  	v63 =	vld [tilespmem:s2+$0x4570];
	v16 =	vmul.f32 v17, v16;
	v17 =	vmul.f32 v53, v52  }
0xc7: {  	v18 =	vmul.f32 v51, v50;
	v31 =	vmul.f32 v55, v54  }
0xc8: {  	v32 =	vmul.f32 v59, v58  }
0xc9: {  	v16 =	vadd.f32 v17, v16;
	v17 =	vmul.f32 v57, v56;
	v18 =	vadd.f32 v31, v18  }
0xca: {  	v33 =	vmul.f32 v61, v60  }
0xcb: {  	v34 =	vmul.f32 v63, v62;
	v16 =	vadd.f32 v17, v16;
	v17 =	vadd.f32 v32, v18;
	_ =	sdelay $0x1  }
0xcc: {  	v16 =	vadd.f32 v33, v16;
	v17 =	vadd.f32 v34, v17;
	_ =	sdelay $0x1  }
0xcd: {  	v16 =	vadd.f32 v17, v16;
	_ =	sdelay $0x1  }
0xce: {  	[tilespmem:$0x8500] =	vst v16  }
0xcf: {  	v16 =	vld [tilespmem:s2+$0x580]  }
0xd0: {  	v17 =	vld [tilespmem:s2+$0x4580]  }
0xd1: {  	v35 =	vld [tilespmem:s2+$0x590]  }
0xd2: {  	v36 =	vld [tilespmem:s2+$0x4590]  }
0xd3: {  	v37 =	vld [tilespmem:s2+$0x5A0]  }
0xd4: {  	v38 =	vld [tilespmem:s2+$0x45A0]  }
0xd5: {  	v39 =	vld [tilespmem:s2+$0x5B0]  }
0xd6: {  	v40 =	vld [tilespmem:s2+$0x45B0]  }
0xd7: {  	v41 =	vld [tilespmem:s2+$0x5C0]  }
0xd8: {  	v42 =	vld [tilespmem:s2+$0x45C0]  }
0xd9: {  	v43 =	vld [tilespmem:s2+$0x5D0]  }
0xda: {  	v44 =	vld [tilespmem:s2+$0x45D0]  }
0xdb: {  	v45 =	vld [tilespmem:s2+$0x5E0]  }
0xdc: {  	v46 =	vld [tilespmem:s2+$0x45E0]  }
0xdd: {  	v47 =	vld [tilespmem:s2+$0x5F0]  }
0xde: {  	v48 =	vld [tilespmem:s2+$0x45F0];
	v16 =	vmul.f32 v17, v16;
	v17 =	vmul.f32 v38, v37  }
0xdf: {  	v18 =	vmul.f32 v36, v35;
	v49 =	vmul.f32 v40, v39  }
0xe0: {  	v50 =	vmul.f32 v44, v43  }
0xe1: {  	v16 =	vadd.f32 v17, v16;
	v17 =	vmul.f32 v42, v41;
	v18 =	vadd.f32 v49, v18  }
0xe2: {  	v51 =	vmul.f32 v46, v45  }
0xe3: {  	v52 =	vmul.f32 v48, v47;
	v16 =	vadd.f32 v17, v16;
	v17 =	vadd.f32 v50, v18;
	_ =	sdelay $0x1  }
0xe4: {  	v16 =	vadd.f32 v51, v16;
	v17 =	vadd.f32 v52, v17;
	_ =	sdelay $0x1  }
0xe5: {  	v16 =	vadd.f32 v17, v16;
	_ =	sdelay $0x1  }
0xe6: {  	[tilespmem:$0x8580] =	vst v16  }
0xe7: {  	v16 =	vld [tilespmem:s2+$0x600]  }
0xe8: {  	v17 =	vld [tilespmem:s2+$0x4600]  }
0xe9: {  	v53 =	vld [tilespmem:s2+$0x610]  }
0xea: {  	v54 =	vld [tilespmem:s2+$0x4610]  }
0xeb: {  	v55 =	vld [tilespmem:s2+$0x620]  }
0xec: {  	v56 =	vld [tilespmem:s2+$0x4620]  }
0xed: {  	v57 =	vld [tilespmem:s2+$0x630]  }
0xee: {  	v58 =	vld [tilespmem:s2+$0x4630]  }
0xef: {  	v59 =	vld [tilespmem:s2+$0x640]  }
0xf0: {  	v60 =	vld [tilespmem:s2+$0x4640]  }
0xf1: {  	v61 =	vld [tilespmem:s2+$0x650]  }
0xf2: {  	v62 =	vld [tilespmem:s2+$0x4650]  }
0xf3: {  	v63 =	vld [tilespmem:s2+$0x660]  }
0xf4: {  	v33 =	vld [tilespmem:s2+$0x4660]  }
0xf5: {  	v34 =	vld [tilespmem:s2+$0x670]  }
0xf6: {  	v35 =	vld [tilespmem:s2+$0x4670];
	v16 =	vmul.f32 v17, v16;
	v17 =	vmul.f32 v56, v55  }
0xf7: {  	v18 =	vmul.f32 v54, v53;
	v36 =	vmul.f32 v58, v57  }
0xf8: {  	v37 =	vmul.f32 v62, v61  }
0xf9: {  	v16 =	vadd.f32 v17, v16;
	v17 =	vmul.f32 v60, v59;
	v18 =	vadd.f32 v36, v18  }
0xfa: {  	v38 =	vmul.f32 v33, v63  }
0xfb: {  	v39 =	vmul.f32 v35, v34;
	v16 =	vadd.f32 v17, v16;
	v17 =	vadd.f32 v37, v18;
	_ =	sdelay $0x1  }
0xfc: {  	v16 =	vadd.f32 v38, v16;
	v17 =	vadd.f32 v39, v17;
	_ =	sdelay $0x1  }
0xfd: {  	v16 =	vadd.f32 v17, v16;
	_ =	sdelay $0x1  }
0xfe: {  	[tilespmem:$0x8600] =	vst v16  }
0xff: {  	v16 =	vld [tilespmem:s2+$0x680]  }
0x100: {  	v17 =	vld [tilespmem:s2+$0x4680]  }
0x101: {  	v40 =	vld [tilespmem:s2+$0x690]  }
0x102: {  	v41 =	vld [tilespmem:s2+$0x4690]  }
0x103: {  	v42 =	vld [tilespmem:s2+$0x6A0]  }
0x104: {  	v43 =	vld [tilespmem:s2+$0x46A0]  }
0x105: {  	v44 =	vld [tilespmem:s2+$0x6B0]  }
0x106: {  	v45 =	vld [tilespmem:s2+$0x46B0]  }
0x107: {  	v46 =	vld [tilespmem:s2+$0x6C0]  }
0x108: {  	v47 =	vld [tilespmem:s2+$0x46C0]  }
0x109: {  	v48 =	vld [tilespmem:s2+$0x6D0]  }
0x10a: {  	v49 =	vld [tilespmem:s2+$0x46D0]  }
0x10b: {  	v50 =	vld [tilespmem:s2+$0x6E0]  }
0x10c: {  	v51 =	vld [tilespmem:s2+$0x46E0]  }
0x10d: {  	v52 =	vld [tilespmem:s2+$0x6F0]  }
0x10e: {  	v53 =	vld [tilespmem:s2+$0x46F0];
	v16 =	vmul.f32 v17, v16;
	v17 =	vmul.f32 v43, v42  }
0x10f: {  	v18 =	vmul.f32 v41, v40;
	v54 =	vmul.f32 v45, v44  }
0x110: {  	v55 =	vmul.f32 v49, v48  }
0x111: {  	v16 =	vadd.f32 v17, v16;
	v17 =	vmul.f32 v47, v46;
	v18 =	vadd.f32 v54, v18  }
0x112: {  	v56 =	vmul.f32 v51, v50  }
0x113: {  	v57 =	vmul.f32 v53, v52;
	v16 =	vadd.f32 v17, v16;
	v17 =	vadd.f32 v55, v18;
	_ =	sdelay $0x1  }
0x114: {  	v16 =	vadd.f32 v56, v16;
	v17 =	vadd.f32 v57, v17;
	_ =	sdelay $0x1  }
0x115: {  	v16 =	vadd.f32 v17, v16;
	_ =	sdelay $0x1  }
0x116: {  	[tilespmem:$0x8680] =	vst v16  }
0x117: {  	v16 =	vld [tilespmem:s2+$0x700]  }
0x118: {  	v17 =	vld [tilespmem:s2+$0x4700]  }
0x119: {  	v58 =	vld [tilespmem:s2+$0x710]  }
0x11a: {  	v59 =	vld [tilespmem:s2+$0x4710]  }
0x11b: {  	v60 =	vld [tilespmem:s2+$0x720]  }
0x11c: {  	v61 =	vld [tilespmem:s2+$0x4720]  }
0x11d: {  	v62 =	vld [tilespmem:s2+$0x730]  }
0x11e: {  	v63 =	vld [tilespmem:s2+$0x4730]  }
0x11f: {  	v33 =	vld [tilespmem:s2+$0x740]  }
0x120: {  	v34 =	vld [tilespmem:s2+$0x4740]  }
0x121: {  	v35 =	vld [tilespmem:s2+$0x750]  }
0x122: {  	v36 =	vld [tilespmem:s2+$0x4750]  }
0x123: {  	v37 =	vld [tilespmem:s2+$0x760]  }
0x124: {  	v38 =	vld [tilespmem:s2+$0x4760]  }
0x125: {  	v39 =	vld [tilespmem:s2+$0x770]  }
0x126: {  	v40 =	vld [tilespmem:s2+$0x4770];
	v16 =	vmul.f32 v17, v16;
	v17 =	vmul.f32 v61, v60  }
0x127: {  	v18 =	vmul.f32 v59, v58;
	v41 =	vmul.f32 v63, v62  }
0x128: {  	v42 =	vmul.f32 v36, v35  }
0x129: {  	v16 =	vadd.f32 v17, v16;
	v17 =	vmul.f32 v34, v33;
	v18 =	vadd.f32 v41, v18  }
0x12a: {  	v43 =	vmul.f32 v38, v37  }
0x12b: {  	v44 =	vmul.f32 v40, v39;
	v16 =	vadd.f32 v17, v16;
	v17 =	vadd.f32 v42, v18;
	_ =	sdelay $0x1  }
0x12c: {  	v16 =	vadd.f32 v43, v16;
	v17 =	vadd.f32 v44, v17;
	_ =	sdelay $0x1  }
0x12d: {  	v16 =	vadd.f32 v17, v16;
	_ =	sdelay $0x1  }
0x12e: {  	[tilespmem:$0x8700] =	vst v16  }
0x12f: {  	v16 =	vld [tilespmem:s2+$0x780]  }
0x130: {  	v17 =	vld [tilespmem:s2+$0x4780]  }
0x131: {  	v45 =	vld [tilespmem:s2+$0x790]  }
0x132: {  	v46 =	vld [tilespmem:s2+$0x4790]  }
0x133: {  	v47 =	vld [tilespmem:s2+$0x7A0]  }
0x134: {  	v48 =	vld [tilespmem:s2+$0x47A0]  }
0x135: {  	v49 =	vld [tilespmem:s2+$0x7B0]  }
0x136: {  	v50 =	vld [tilespmem:s2+$0x47B0]  }
0x137: {  	v51 =	vld [tilespmem:s2+$0x7C0]  }
0x138: {  	v52 =	vld [tilespmem:s2+$0x47C0]  }
0x139: {  	v53 =	vld [tilespmem:s2+$0x7D0]  }
0x13a: {  	v54 =	vld [tilespmem:s2+$0x47D0]  }
0x13b: {  	v55 =	vld [tilespmem:s2+$0x7E0]  }
0x13c: {  	v56 =	vld [tilespmem:s2+$0x47E0]  }
0x13d: {  	v57 =	vld [tilespmem:s2+$0x7F0]  }
0x13e: {  	v58 =	vld [tilespmem:s2+$0x47F0];
	v16 =	vmul.f32 v17, v16;
	v17 =	vmul.f32 v48, v47  }
0x13f: {  	v18 =	vmul.f32 v46, v45;
	v59 =	vmul.f32 v50, v49  }
0x140: {  	v60 =	vmul.f32 v54, v53  }
0x141: {  	v16 =	vadd.f32 v17, v16;
	v17 =	vmul.f32 v52, v51;
	v18 =	vadd.f32 v59, v18  }
0x142: {  	v61 =	vmul.f32 v56, v55  }
0x143: {  	v62 =	vmul.f32 v58, v57;
	v16 =	vadd.f32 v17, v16;
	v17 =	vadd.f32 v60, v18;
	_ =	sdelay $0x1  }
0x144: {  	v16 =	vadd.f32 v61, v16;
	v17 =	vadd.f32 v62, v17;
	_ =	sdelay $0x1  }
0x145: {  	v16 =	vadd.f32 v17, v16;
	_ =	sdelay $0x1  }
0x146: {  	[tilespmem:$0x8780] =	vst v16  }
0x147: {  	v16 =	vld [tilespmem:s2+$0x800]  }
0x148: {  	v17 =	vld [tilespmem:s2+$0x4800]  }
0x149: {  	v63 =	vld [tilespmem:s2+$0x810]  }
0x14a: {  	v33 =	vld [tilespmem:s2+$0x4810]  }
0x14b: {  	v34 =	vld [tilespmem:s2+$0x820]  }
0x14c: {  	v35 =	vld [tilespmem:s2+$0x4820]  }
0x14d: {  	v36 =	vld [tilespmem:s2+$0x830]  }
0x14e: {  	v37 =	vld [tilespmem:s2+$0x4830]  }
0x14f: {  	v38 =	vld [tilespmem:s2+$0x840]  }
0x150: {  	v39 =	vld [tilespmem:s2+$0x4840]  }
0x151: {  	v40 =	vld [tilespmem:s2+$0x850]  }
0x152: {  	v41 =	vld [tilespmem:s2+$0x4850]  }
0x153: {  	v42 =	vld [tilespmem:s2+$0x860]  }
0x154: {  	v43 =	vld [tilespmem:s2+$0x4860]  }
0x155: {  	v44 =	vld [tilespmem:s2+$0x870]  }
0x156: {  	v45 =	vld [tilespmem:s2+$0x4870];
	v16 =	vmul.f32 v17, v16;
	v17 =	vmul.f32 v35, v34  }
0x157: {  	v18 =	vmul.f32 v33, v63;
	v46 =	vmul.f32 v37, v36  }
0x158: {  	v47 =	vmul.f32 v41, v40  }
0x159: {  	v16 =	vadd.f32 v17, v16;
	v17 =	vmul.f32 v39, v38;
	v18 =	vadd.f32 v46, v18  }
0x15a: {  	v48 =	vmul.f32 v43, v42  }
0x15b: {  	v49 =	vmul.f32 v45, v44;
	v16 =	vadd.f32 v17, v16;
	v17 =	vadd.f32 v47, v18;
	_ =	sdelay $0x1  }
0x15c: {  	v16 =	vadd.f32 v48, v16;
	v17 =	vadd.f32 v49, v17;
	_ =	sdelay $0x1  }
0x15d: {  	v16 =	vadd.f32 v17, v16;
	_ =	sdelay $0x1  }
0x15e: {  	[tilespmem:$0x8800] =	vst v16  }
0x15f: {  	v16 =	vld [tilespmem:s2+$0x880]  }
0x160: {  	v17 =	vld [tilespmem:s2+$0x4880]  }
0x161: {  	v50 =	vld [tilespmem:s2+$0x890]  }
0x162: {  	v51 =	vld [tilespmem:s2+$0x4890]  }
0x163: {  	v52 =	vld [tilespmem:s2+$0x8A0]  }
0x164: {  	v53 =	vld [tilespmem:s2+$0x48A0]  }
0x165: {  	v54 =	vld [tilespmem:s2+$0x8B0]  }
0x166: {  	v55 =	vld [tilespmem:s2+$0x48B0]  }
0x167: {  	v56 =	vld [tilespmem:s2+$0x8C0]  }
0x168: {  	v57 =	vld [tilespmem:s2+$0x48C0]  }
0x169: {  	v58 =	vld [tilespmem:s2+$0x8D0]  }
0x16a: {  	v59 =	vld [tilespmem:s2+$0x48D0]  }
0x16b: {  	v60 =	vld [tilespmem:s2+$0x8E0]  }
0x16c: {  	v61 =	vld [tilespmem:s2+$0x48E0]  }
0x16d: {  	v62 =	vld [tilespmem:s2+$0x8F0]  }
0x16e: {  	v63 =	vld [tilespmem:s2+$0x48F0];
	v16 =	vmul.f32 v17, v16;
	v17 =	vmul.f32 v53, v52  }
0x16f: {  	v18 =	vmul.f32 v51, v50;
	v31 =	vmul.f32 v55, v54  }
0x170: {  	v32 =	vmul.f32 v59, v58  }
0x171: {  	v16 =	vadd.f32 v17, v16;
	v17 =	vmul.f32 v57, v56;
	v18 =	vadd.f32 v31, v18  }
0x172: {  	v33 =	vmul.f32 v61, v60  }
0x173: {  	v34 =	vmul.f32 v63, v62;
	v16 =	vadd.f32 v17, v16;
	v17 =	vadd.f32 v32, v18;
	_ =	sdelay $0x1  }
0x174: {  	v16 =	vadd.f32 v33, v16;
	v17 =	vadd.f32 v34, v17;
	_ =	sdelay $0x1  }
0x175: {  	v16 =	vadd.f32 v17, v16;
	_ =	sdelay $0x1  }
0x176: {  	[tilespmem:$0x8880] =	vst v16  }
0x177: {  	v16 =	vld [tilespmem:s2+$0x900]  }
0x178: {  	v17 =	vld [tilespmem:s2+$0x4900]  }
0x179: {  	v35 =	vld [tilespmem:s2+$0x910]  }
0x17a: {  	v36 =	vld [tilespmem:s2+$0x4910]  }
0x17b: {  	v37 =	vld [tilespmem:s2+$0x920]  }
0x17c: {  	v38 =	vld [tilespmem:s2+$0x4920]  }
0x17d: {  	v39 =	vld [tilespmem:s2+$0x930]  }
0x17e: {  	v40 =	vld [tilespmem:s2+$0x4930]  }
0x17f: {  	v41 =	vld [tilespmem:s2+$0x940]  }
0x180: {  	v42 =	vld [tilespmem:s2+$0x4940]  }
0x181: {  	v43 =	vld [tilespmem:s2+$0x950]  }
0x182: {  	v44 =	vld [tilespmem:s2+$0x4950]  }
0x183: {  	v45 =	vld [tilespmem:s2+$0x960]  }
0x184: {  	v46 =	vld [tilespmem:s2+$0x4960]  }
0x185: {  	v47 =	vld [tilespmem:s2+$0x970]  }
0x186: {  	v48 =	vld [tilespmem:s2+$0x4970];
	v16 =	vmul.f32 v17, v16;
	v17 =	vmul.f32 v38, v37  }
0x187: {  	v18 =	vmul.f32 v36, v35;
	v49 =	vmul.f32 v40, v39  }
0x188: {  	v50 =	vmul.f32 v44, v43  }
0x189: {  	v16 =	vadd.f32 v17, v16;
	v17 =	vmul.f32 v42, v41;
	v18 =	vadd.f32 v49, v18  }
0x18a: {  	v51 =	vmul.f32 v46, v45  }
0x18b: {  	v52 =	vmul.f32 v48, v47;
	v16 =	vadd.f32 v17, v16;
	v17 =	vadd.f32 v50, v18;
	_ =	sdelay $0x1  }
0x18c: {  	v16 =	vadd.f32 v51, v16;
	v17 =	vadd.f32 v52, v17;
	_ =	sdelay $0x1  }
0x18d: {  	v16 =	vadd.f32 v17, v16;
	_ =	sdelay $0x1  }
0x18e: {  	[tilespmem:$0x8900] =	vst v16  }
0x18f: {  	v16 =	vld [tilespmem:s2+$0x980]  }
0x190: {  	v17 =	vld [tilespmem:s2+$0x4980]  }
0x191: {  	v53 =	vld [tilespmem:s2+$0x990]  }
0x192: {  	v54 =	vld [tilespmem:s2+$0x4990]  }
0x193: {  	v55 =	vld [tilespmem:s2+$0x9A0]  }
0x194: {  	v56 =	vld [tilespmem:s2+$0x49A0]  }
0x195: {  	v57 =	vld [tilespmem:s2+$0x9B0]  }
0x196: {  	v58 =	vld [tilespmem:s2+$0x49B0]  }
0x197: {  	v59 =	vld [tilespmem:s2+$0x9C0]  }
0x198: {  	v60 =	vld [tilespmem:s2+$0x49C0]  }
0x199: {  	v61 =	vld [tilespmem:s2+$0x9D0]  }
0x19a: {  	v62 =	vld [tilespmem:s2+$0x49D0]  }
0x19b: {  	v63 =	vld [tilespmem:s2+$0x9E0]  }
0x19c: {  	v33 =	vld [tilespmem:s2+$0x49E0]  }
0x19d: {  	v34 =	vld [tilespmem:s2+$0x9F0]  }
0x19e: {  	v35 =	vld [tilespmem:s2+$0x49F0];
	v16 =	vmul.f32 v17, v16;
	v17 =	vmul.f32 v56, v55  }
0x19f: {  	v18 =	vmul.f32 v54, v53;
	v36 =	vmul.f32 v58, v57  }
0x1a0: {  	v37 =	vmul.f32 v62, v61  }
0x1a1: {  	v16 =	vadd.f32 v17, v16;
	v17 =	vmul.f32 v60, v59;
	v18 =	vadd.f32 v36, v18  }
0x1a2: {  	v38 =	vmul.f32 v33, v63  }
0x1a3: {  	v39 =	vmul.f32 v35, v34;
	v16 =	vadd.f32 v17, v16;
	v17 =	vadd.f32 v37, v18;
	_ =	sdelay $0x1  }
0x1a4: {  	v16 =	vadd.f32 v38, v16;
	v17 =	vadd.f32 v39, v17;
	_ =	sdelay $0x1  }
0x1a5: {  	v16 =	vadd.f32 v17, v16;
	_ =	sdelay $0x1  }
0x1a6: {  	[tilespmem:$0x8980] =	vst v16  }
0x1a7: {  	v16 =	vld [tilespmem:s2+$0xA00]  }
0x1a8: {  	v17 =	vld [tilespmem:s2+$0x4A00]  }
0x1a9: {  	v40 =	vld [tilespmem:s2+$0xA10]  }
0x1aa: {  	v41 =	vld [tilespmem:s2+$0x4A10]  }
0x1ab: {  	v42 =	vld [tilespmem:s2+$0xA20]  }
0x1ac: {  	v43 =	vld [tilespmem:s2+$0x4A20]  }
0x1ad: {  	v44 =	vld [tilespmem:s2+$0xA30]  }
0x1ae: {  	v45 =	vld [tilespmem:s2+$0x4A30]  }
0x1af: {  	v46 =	vld [tilespmem:s2+$0xA40]  }
0x1b0: {  	v47 =	vld [tilespmem:s2+$0x4A40]  }
0x1b1: {  	v48 =	vld [tilespmem:s2+$0xA50]  }
0x1b2: {  	v49 =	vld [tilespmem:s2+$0x4A50]  }
0x1b3: {  	v50 =	vld [tilespmem:s2+$0xA60]  }
0x1b4: {  	v51 =	vld [tilespmem:s2+$0x4A60]  }
0x1b5: {  	v52 =	vld [tilespmem:s2+$0xA70]  }
0x1b6: {  	v53 =	vld [tilespmem:s2+$0x4A70];
	v16 =	vmul.f32 v17, v16;
	v17 =	vmul.f32 v43, v42  }
0x1b7: {  	v18 =	vmul.f32 v41, v40;
	v54 =	vmul.f32 v45, v44  }
0x1b8: {  	v55 =	vmul.f32 v49, v48  }
0x1b9: {  	v16 =	vadd.f32 v17, v16;
	v17 =	vmul.f32 v47, v46;
	v18 =	vadd.f32 v54, v18  }
0x1ba: {  	v56 =	vmul.f32 v51, v50  }
0x1bb: {  	v57 =	vmul.f32 v53, v52;
	v16 =	vadd.f32 v17, v16;
	v17 =	vadd.f32 v55, v18;
	_ =	sdelay $0x1  }
0x1bc: {  	v16 =	vadd.f32 v56, v16;
	v17 =	vadd.f32 v57, v17;
	_ =	sdelay $0x1  }
0x1bd: {  	v16 =	vadd.f32 v17, v16;
	_ =	sdelay $0x1  }
0x1be: {  	[tilespmem:$0x8A00] =	vst v16  }
0x1bf: {  	v16 =	vld [tilespmem:s2+$0xA80]  }
0x1c0: {  	v17 =	vld [tilespmem:s2+$0x4A80]  }
0x1c1: {  	v58 =	vld [tilespmem:s2+$0xA90]  }
0x1c2: {  	v59 =	vld [tilespmem:s2+$0x4A90]  }
0x1c3: {  	v60 =	vld [tilespmem:s2+$0xAA0]  }
0x1c4: {  	v61 =	vld [tilespmem:s2+$0x4AA0]  }
0x1c5: {  	v62 =	vld [tilespmem:s2+$0xAB0]  }
0x1c6: {  	v63 =	vld [tilespmem:s2+$0x4AB0]  }
0x1c7: {  	v33 =	vld [tilespmem:s2+$0xAC0]  }
0x1c8: {  	v34 =	vld [tilespmem:s2+$0x4AC0]  }
0x1c9: {  	v35 =	vld [tilespmem:s2+$0xAD0]  }
0x1ca: {  	v36 =	vld [tilespmem:s2+$0x4AD0]  }
0x1cb: {  	v37 =	vld [tilespmem:s2+$0xAE0]  }
0x1cc: {  	v38 =	vld [tilespmem:s2+$0x4AE0]  }
0x1cd: {  	v39 =	vld [tilespmem:s2+$0xAF0]  }
0x1ce: {  	v40 =	vld [tilespmem:s2+$0x4AF0];
	v16 =	vmul.f32 v17, v16;
	v17 =	vmul.f32 v61, v60  }
0x1cf: {  	v18 =	vmul.f32 v59, v58;
	v41 =	vmul.f32 v63, v62  }
0x1d0: {  	v42 =	vmul.f32 v36, v35  }
0x1d1: {  	v16 =	vadd.f32 v17, v16;
	v17 =	vmul.f32 v34, v33;
	v18 =	vadd.f32 v41, v18  }
0x1d2: {  	v43 =	vmul.f32 v38, v37  }
0x1d3: {  	v44 =	vmul.f32 v40, v39;
	v16 =	vadd.f32 v17, v16;
	v17 =	vadd.f32 v42, v18;
	_ =	sdelay $0x1  }
0x1d4: {  	v16 =	vadd.f32 v43, v16;
	v17 =	vadd.f32 v44, v17;
	_ =	sdelay $0x1  }
0x1d5: {  	v16 =	vadd.f32 v17, v16;
	_ =	sdelay $0x1  }
0x1d6: {  	[tilespmem:$0x8A80] =	vst v16  }
0x1d7: {  	v16 =	vld [tilespmem:s2+$0xB00]  }
0x1d8: {  	v17 =	vld [tilespmem:s2+$0x4B00]  }
0x1d9: {  	v45 =	vld [tilespmem:s2+$0xB10]  }
0x1da: {  	v46 =	vld [tilespmem:s2+$0x4B10]  }
0x1db: {  	v47 =	vld [tilespmem:s2+$0xB20]  }
0x1dc: {  	v48 =	vld [tilespmem:s2+$0x4B20]  }
0x1dd: {  	v49 =	vld [tilespmem:s2+$0xB30]  }
0x1de: {  	v50 =	vld [tilespmem:s2+$0x4B30]  }
0x1df: {  	v51 =	vld [tilespmem:s2+$0xB40]  }
0x1e0: {  	v52 =	vld [tilespmem:s2+$0x4B40]  }
0x1e1: {  	v53 =	vld [tilespmem:s2+$0xB50]  }
0x1e2: {  	v54 =	vld [tilespmem:s2+$0x4B50]  }
0x1e3: {  	v55 =	vld [tilespmem:s2+$0xB60]  }
0x1e4: {  	v56 =	vld [tilespmem:s2+$0x4B60]  }
0x1e5: {  	v57 =	vld [tilespmem:s2+$0xB70]  }
0x1e6: {  	v58 =	vld [tilespmem:s2+$0x4B70];
	v16 =	vmul.f32 v17, v16;
	v17 =	vmul.f32 v48, v47  }
0x1e7: {  	v18 =	vmul.f32 v46, v45;
	v59 =	vmul.f32 v50, v49  }
0x1e8: {  	v60 =	vmul.f32 v54, v53  }
0x1e9: {  	v16 =	vadd.f32 v17, v16;
	v17 =	vmul.f32 v52, v51;
	v18 =	vadd.f32 v59, v18  }
0x1ea: {  	v61 =	vmul.f32 v56, v55  }
0x1eb: {  	v62 =	vmul.f32 v58, v57;
	v16 =	vadd.f32 v17, v16;
	v17 =	vadd.f32 v60, v18;
	_ =	sdelay $0x1  }
0x1ec: {  	v16 =	vadd.f32 v61, v16;
	v17 =	vadd.f32 v62, v17;
	_ =	sdelay $0x1  }
0x1ed: {  	v16 =	vadd.f32 v17, v16;
	_ =	sdelay $0x1  }
0x1ee: {  	[tilespmem:$0x8B00] =	vst v16  }
0x1ef: {  	v16 =	vld [tilespmem:s2+$0xB80]  }
0x1f0: {  	v17 =	vld [tilespmem:s2+$0x4B80]  }
0x1f1: {  	v63 =	vld [tilespmem:s2+$0xB90]  }
0x1f2: {  	v33 =	vld [tilespmem:s2+$0x4B90]  }
0x1f3: {  	v34 =	vld [tilespmem:s2+$0xBA0]  }
0x1f4: {  	v35 =	vld [tilespmem:s2+$0x4BA0]  }
0x1f5: {  	v36 =	vld [tilespmem:s2+$0xBB0]  }
0x1f6: {  	v37 =	vld [tilespmem:s2+$0x4BB0]  }
0x1f7: {  	v38 =	vld [tilespmem:s2+$0xBC0]  }
0x1f8: {  	v39 =	vld [tilespmem:s2+$0x4BC0]  }
0x1f9: {  	v40 =	vld [tilespmem:s2+$0xBD0]  }
0x1fa: {  	v41 =	vld [tilespmem:s2+$0x4BD0]  }
0x1fb: {  	v42 =	vld [tilespmem:s2+$0xBE0]  }
0x1fc: {  	v43 =	vld [tilespmem:s2+$0x4BE0]  }
0x1fd: {  	v44 =	vld [tilespmem:s2+$0xBF0]  }
0x1fe: {  	v45 =	vld [tilespmem:s2+$0x4BF0];
	v16 =	vmul.f32 v17, v16;
	v17 =	vmul.f32 v35, v34  }
0x1ff: {  	v18 =	vmul.f32 v33, v63;
	v46 =	vmul.f32 v37, v36  }
0x200: {  	v47 =	vmul.f32 v41, v40  }
0x201: {  	v16 =	vadd.f32 v17, v16;
	v17 =	vmul.f32 v39, v38;
	v18 =	vadd.f32 v46, v18  }
0x202: {  	v48 =	vmul.f32 v43, v42  }
0x203: {  	v49 =	vmul.f32 v45, v44;
	v16 =	vadd.f32 v17, v16;
	v17 =	vadd.f32 v47, v18;
	_ =	sdelay $0x1  }
0x204: {  	v16 =	vadd.f32 v48, v16;
	v17 =	vadd.f32 v49, v17;
	_ =	sdelay $0x1  }
0x205: {  	v16 =	vadd.f32 v17, v16;
	_ =	sdelay $0x1  }
0x206: {  	[tilespmem:$0x8B80] =	vst v16  }
0x207: {  	v16 =	vld.idx.msk [tilespmem:v0+s22+$0x0], $0xffff  }
0x208: {  	v17 =	vld.idx.msk [tilespmem:v1+s22+$0x0], $0xffff  }
0x209: {  	v50 =	vld.idx.msk [tilespmem:v2+s22+$0x0], $0xffff  }
0x20a: {  	v51 =	vld.idx.msk [tilespmem:v3+s22+$0x0], $0xffff  }
0x20b: {  	v52 =	vld.idx.msk [tilespmem:v4+s22+$0x0], $0xffff  }
0x20c: {  	v53 =	vld.idx.msk [tilespmem:v5+s22+$0x0], $0xffff  }
0x20d: {  	v54 =	vld.idx.msk [tilespmem:v6+s22+$0x0], $0xffff  }
0x20e: {  	v55 =	vld.idx.msk [tilespmem:v7+s22+$0x0], $0xffff  }
0x20f: {  	v56 =	vld.idx.msk [tilespmem:v8+s22+$0x0], $0xffff;
	v16 =	vadd.f32 v50, v16;
	v17 =	vadd.f32 v51, v17  }
0x210: {  	v57 =	vld.idx.msk [tilespmem:v9+s22+$0x0], $0xffff  }
0x211: {  	v58 =	vld.idx.msk [tilespmem:v10+s22+$0x0], $0xffff;
	v16 =	vadd.f32 v52, v16;
	v17 =	vadd.f32 v53, v17  }
0x212: {  	v59 =	vld.idx.msk [tilespmem:v11+s22+$0x0], $0xffff  }
0x213: {  	v60 =	vld.idx.msk [tilespmem:v12+s22+$0x0], $0xffff;
	v16 =	vadd.f32 v54, v16;
	v17 =	vadd.f32 v55, v17  }
0x214: {  	v61 =	vld.idx.msk [tilespmem:v13+s22+$0x0], $0xffff  }
0x215: {  	v62 =	vld.idx.msk [tilespmem:v14+s22+$0x0], $0xffff;
	v16 =	vadd.f32 v56, v16;
	v17 =	vadd.f32 v57, v17  }
0x216: {  	v63 =	vld.idx.msk [tilespmem:v15+s22+$0x0], $0xffff  }
0x217: {  	v16 =	vadd.f32 v58, v16;
	v17 =	vadd.f32 v59, v17;
	_ =	sdelay $0x1  }
0x218: {  	v16 =	vadd.f32 v60, v16;
	v17 =	vadd.f32 v61, v17;
	_ =	sdelay $0x1  }
0x219: {  	v16 =	vadd.f32 v62, v16;
	v17 =	vadd.f32 v63, v17;
	_ =	sdelay $0x1  }
0x21a: {  	v16 =	vadd.f32 v17, v16;
	_ =	sdelay $0x1  }
0x21b: {  	v16 =	vmul.f32 $7.812500000e-03, v16;
	_ =	sdelay $0x1  }
0x21c: {  	p0 =	sgt.u32 s30, $0x17;
	[tilespmem:s28+$0x0] =	vst v16  }
0x21d: {  	[hbm4b:s8+s4] =	stream.linear.scatter [tilespmem:s28], [sflag:$0x13], $0x10, $0x38;
	[tilespmem:$0x8E00] =	vst v63  }
0x21e: {  	s14 =	simm.s32 @!p0 $0x10;
	s13 =	sor.u32 $0x400, s2  }
0x21f: {  	[tilespmem:s13], [sflag:s31] =	stream.indirect.gather @!p0 [hbm4b:s0+s14], $0x80, s26, s14, $0xb8;
	[tilespmem:$0x8E00] =	vst v63  }
0x220: {  	s30 =	sadd.s32 $0x1, s30;
	s2 =	sor.u32 $0x4400, s2  }
0x221: {  	[tilespmem:s2], [sflag:s3] =	stream.indirect.gather @!p0 [hbm4b:s1+s14], $0x80, s25, s14, $0xb8;
	[tilespmem:$0x8E00] =	vst v63  }
0x222: {  	p0 =	sne.s32 s30, $0x20  }
.Ltmp0:
0x223: {  	_ = 	snop;
	(pc) =	sbr.rel @p0 .LBB2_2-.Ltmp0, $3  }
0x224: {  	_ =	sdelay $0x1  }
0x225: {  	s8 =	sadd.s32 $0x2, s8  }
0x226: {  	s28 =	sadd.s32 $0x10, s28;
	s26 =	sadd.s32 $0x10, s26;
	s25 =	sadd.s32 $0x10, s25  }
0x227: {  	s24 =	sadd.s32 $0x1, s24  }
0x228: {  	p0 =	sne.s32 s24, s7  }
.Ltmp1:
0x229: {  	_ = 	snop;
	(pc) =	sbr.rel @p0 .LBB2_1-.Ltmp1, $4  }
0x22a: {  	_ = 	snop  }
0x22b: {  	_ =	swait.ge [sflag:s23], $0x200  }
0x22c: {  	[sflag:s23] =	ssyncset.done $0x0  }
0x22d: {  	[sflag:s23] =	ssyncadd.s32 $0xFFFFFE00  }
0x22e: {  	_ =	sfence.sel $0x180000  }
0x22f: {  	[bflag:$0x0] =	sbarrier.arrive $0xFFFF  }
0x230: {  	_ =	strace $0x90000047  }
0x231: {  	s0 =	stileid.u32;
	[bflag:$0x2] =	sbarrier.arrive $0xFFFF  }
0x232: {  	p0 =	sne.s32 s0, $0x0;
	s0 =	rddreg [dreg:$0x5]  }
0x233: {  	s0 =	sadd.s32 @!p0 $0x100000, s0  }
0x234: {  	[sflag:s0] =	ssyncadd.tile.s32 @!p0 $0x1;
	_ =	shalt  }
.Lfunc_end2:
_tile_overlayer_lowered:
.L_overlay_start_2:
0x235: {  	(tag) =	ssettag $0x2  }
0x236: {  	s0 =	rddreg [dreg:$0x0];
	s2 =	stileid.u32  }
0x237: {  	s1 =	rddreg [dreg:$0x1];
	p0 =	sne.s32 s2, $0x0  }
0x238: {  	s3 =	rddreg [dreg:$0x2];
	[bflag:$0x3] =	sbarrier.arrive $0xFFFF;
	s2 =	simm.s32 @!p0 $0x1C14  }
0x239: {  	[timem:s3], [sflag:s2] =	dma.local @!p0 [hbm:s0], s1  }
0x23a: {  	s0 =	simm.s32 @!p0 $0x14  }
0x23b: {  	_ =	swait.ge @!p0 [sflag:s0], s1  }
0x23c: {  	s1 =	ssub.s32 @!p0 $0x0, s1;
	[sflag:s0] =	ssyncset.done @!p0 $0x0  }
0x23d: {  	[sflag:s0] =	ssyncadd.s32 @!p0 s1  }
0x23e: {  	[bflag:$0x3] =	sbarrier.arrive $0xFFFF  }
0x23f: {  	_ =	shalt  }

</sc_bundles>
